<compile_context>
chip_gen: v7x
topology: tpu7x:2x2x1
jax: 0.10.2.dev20260603
libtpu: 0.0.44.dev20260713+nightly
codegen_flags: <defaults>
</compile_context>

<pallas_src>
import functools
import jax
import jax.numpy as jnp
from jax import lax
from jax.experimental import pallas as pl
from jax.experimental.pallas import tpu as pltpu
from jax.experimental.pallas import tpu_sc as plsc

N_USER = 50000
N_ITEM = 50000
N_TOTAL = N_USER + N_ITEM
F = 64
GCN_LAYER = 3
N_EDGES = 800000

NW = 32
FP = 128
CHUNK_E = 128
STEPS = 392
E_PAD = NW * STEPS * CHUNK_E
NODE_CHUNK = 12500
TBL_ROWS = 12544
N_PASS = 8
ROWS_PER_SUB = TBL_ROWS // 16


def _make_segsum():
    mesh = plsc.VectorSubcoreMesh(core_axis_name="c", subcore_axis_name="s")

    @functools.partial(
        pl.kernel, mesh=mesh,
        out_type=jax.ShapeDtypeStruct((2, N_PASS * TBL_ROWS, FP), jnp.float32),
        scratch_types=[
            pltpu.VMEM((CHUNK_E,), jnp.int32),
            pltpu.VMEM((CHUNK_E,), jnp.int32),
            pltpu.VMEM((CHUNK_E,), jnp.int32),
            pltpu.VMEM((CHUNK_E, FP), jnp.float32),
            pltpu.VMEM_SHARED((TBL_ROWS, FP), jnp.float32),
            pltpu.SemaphoreType.DMA,
        ],
    )
    def segsum(u_hbm, cols_hbm, rows_hbm, zeros_hbm, out_hbm,
               cols_v, rows_v, idx_v, gath_v, table, sem):
        cid = lax.axis_index("c")
        sid = lax.axis_index("s")
        wid = sid * 2 + cid

        def one_pass(p, _):
            lo = p * NODE_CHUNK
            pltpu.sync_copy(
                zeros_hbm.at[pl.ds(sid * ROWS_PER_SUB, ROWS_PER_SUB)],
                table.at[pl.ds(sid * ROWS_PER_SUB, ROWS_PER_SUB)])
            plsc.subcore_barrier()

            def one_step(j, _):
                base = wid * (STEPS * CHUNK_E) + j * CHUNK_E
                pltpu.sync_copy(cols_hbm.at[pl.ds(base, CHUNK_E)], cols_v)
                pltpu.sync_copy(rows_hbm.at[pl.ds(base, CHUNK_E)], rows_v)
                for i in range(CHUNK_E // 16):
                    r = rows_v[pl.ds(i * 16, 16)]
                    ok = (r >= lo) & (r < lo + NODE_CHUNK)
                    idx_v[pl.ds(i * 16, 16)] = jnp.where(ok, r - lo, NODE_CHUNK)
                pltpu.async_copy(u_hbm.at[cols_v], gath_v, sem).wait()
                pltpu.sync_copy(gath_v, table.at[idx_v], add=True)
                return 0

            lax.fori_loop(0, STEPS, one_step, 0)
            plsc.subcore_barrier()
            pltpu.sync_copy(
                table.at[pl.ds(sid * ROWS_PER_SUB, ROWS_PER_SUB)],
                out_hbm.at[cid].at[pl.ds(p * TBL_ROWS + sid * ROWS_PER_SUB,
                                         ROWS_PER_SUB)])
            plsc.subcore_barrier()
            return 0

        lax.fori_loop(0, N_PASS, one_pass, 0)

    return segsum


def _make_pairgather():
    mesh = plsc.VectorSubcoreMesh(core_axis_name="c", subcore_axis_name="s")
    B = 8192
    bpw = B // NW

    @functools.partial(
        pl.kernel, mesh=mesh,
        out_type=jax.ShapeDtypeStruct((B, FP), jnp.float32),
        scratch_types=[
            pltpu.VMEM((bpw,), jnp.int32),
            pltpu.VMEM((bpw, FP), jnp.float32),
            pltpu.SemaphoreType.DMA,
        ],
    )
    def pairgather(table_hbm, idx_hbm, out_hbm, idx_v, rows_v, sem):
        wid = lax.axis_index("s") * 2 + lax.axis_index("c")
        base = wid * bpw
        pltpu.sync_copy(idx_hbm.at[pl.ds(base, bpw)], idx_v)
        pltpu.async_copy(table_hbm.at[idx_v], rows_v, sem).wait()
        pltpu.sync_copy(rows_v, out_hbm.at[pl.ds(base, bpw)])

    return pairgather


_BLK = 4000
_GRID = N_TOTAL // _BLK
_espec = pl.BlockSpec((_BLK, F), lambda i: (i, 0))


def _tc_eltwise(body, n_out, *args):
    outs = tuple(jax.ShapeDtypeStruct((N_TOTAL, F), jnp.float32)
                 for _ in range(n_out))
    return pl.pallas_call(
        body, grid=(_GRID,),
        in_specs=[_espec] * len(args),
        out_specs=(_espec,) * n_out if n_out > 1 else _espec,
        out_shape=outs if n_out > 1 else outs[0],
    )(*args)


def _dinv_body(p0, p1, dinv):
    deg = p0[...] + p1[...] + 1e-8
    dinv[...] = lax.rsqrt(deg)


def _layer_body(p0, p1, dinv, acc_in, emb, u, acc_out):
    e = dinv[...] * (p0[...] + p1[...])
    emb[...] = e
    u[...] = dinv[...] * e
    acc_out[...] = acc_in[...] + e


def _dot_body(gu, gi, out):
    out[...] = jnp.sum(gu[...] * gi[...], axis=1) * (1.0 / ((GCN_LAYER + 1) ** 2))


def _combine(partials):
    p = partials.reshape(2, N_PASS, TBL_ROWS, FP)[:, :, :NODE_CHUNK, :F]
    p = p.reshape(2, N_TOTAL, F)
    return p[0], p[1]


def _fpad(x):
    return jnp.pad(x, ((0, 0), (0, FP - F)))


def kernel(user_ids, item_ids, edge_user, edge_item, user_emb, item_emb):
    segsum = _make_segsum()
    pairgather = _make_pairgather()

    u = edge_user
    i = edge_item + N_USER
    rows = jnp.concatenate([u, i])
    cols = jnp.concatenate([i, u])
    pad = E_PAD - 2 * N_EDGES
    rows = jnp.concatenate([rows, jnp.full((pad,), 1 << 20, jnp.int32)])
    cols = jnp.concatenate([cols, jnp.zeros((pad,), jnp.int32)])
    zeros = jnp.zeros((TBL_ROWS, FP), jnp.float32)
    ones_tbl = jnp.ones((N_TOTAL, FP), jnp.float32)

    d0, d1 = _combine(segsum(ones_tbl, cols, rows, zeros))
    dinv = _tc_eltwise(_dinv_body, 1, d0, d1)

    ego = jnp.concatenate([user_emb, item_emb], axis=0)
    u_tbl = dinv * ego
    acc = ego
    for _ in range(GCN_LAYER):
        p0, p1 = _combine(segsum(_fpad(u_tbl), cols, rows, zeros))
        _emb, u_tbl, acc = _tc_eltwise(_layer_body, 3, p0, p1, dinv, acc)

    idx = jnp.concatenate([user_ids, item_ids + N_USER])
    g = pairgather(_fpad(acc), idx)
    gu, gi = g[:4096, :F], g[4096:, :F]
    preds = pl.pallas_call(
        _dot_body,
        out_shape=jax.ShapeDtypeStruct((4096,), jnp.float32),
    )(gu, gi)
    return preds

# --- scband reference (transcript-rebuilt; emitter-appended) ---
"""Pipeline reference for scband-gdmsr-light-gcn-72945724555838 (READ-ONLY COPY).

The authoritative reference and input builder live on the scoring server;
editing this copy changes nothing except your own understanding.
"""

import jax, jax.numpy as jnp
import numpy as np

N_USER = 50000
N_ITEM = 50000
N_FACTOR = 64
GCN_LAYER = 3
N_EDGES = 800000
BATCH = 4096


def setup_inputs(seed: int = 0) -> dict:
    key = jax.random.key(seed)
    k1, k2, k3, k4, k5, k6 = jax.random.split(key, 6)
    user_ids = jax.random.randint(k1, (BATCH,), 0, N_USER, dtype=jnp.int64 if jax.config.jax_enable_x64 else jnp.int32).astype(jnp.int32)
    item_ids = jax.random.randint(k2, (BATCH,), 0, N_ITEM).astype(jnp.int32)
    edge_user = jax.random.randint(k3, (N_EDGES,), 0, N_USER).astype(jnp.int32)
    edge_item = jax.random.randint(k4, (N_EDGES,), 0, N_ITEM).astype(jnp.int32)
    user_emb = (jax.random.normal(k5, (N_USER, N_FACTOR), dtype=jnp.float32) * 0.01)
    item_emb = (jax.random.normal(k6, (N_ITEM, N_FACTOR), dtype=jnp.float32) * 0.01)
    return {
        "user_ids": user_ids,
        "item_ids": item_ids,
        "edge_user": edge_user,
        "edge_item": edge_item,
        "user_emb": user_emb,
        "item_emb": item_emb,
    }


def reference(user_ids, item_ids, edge_user, edge_item, user_emb, item_emb):
    n_total = N_USER + N_ITEM
    # build_lightgcn_adj: symmetric bipartite adjacency with D^-1/2 A D^-1/2 normalization
    u = edge_user
    i = edge_item + N_USER
    rows = jnp.concatenate([u, i])
    cols = jnp.concatenate([i, u])
    data = jnp.ones(rows.shape[0], dtype=jnp.float32)
    degree = jax.ops.segment_sum(data, rows, num_segments=n_total) + 1e-08
    dinv_sqrt = jnp.power(degree, -0.5)
    dinv_sqrt = jnp.where(jnp.isinf(dinv_sqrt), 0.0, dinv_sqrt)
    norm_data = dinv_sqrt[rows] * data * dinv_sqrt[cols]
    # create_lightgcn_emb: gcn_layer rounds of sparse propagation, then mean over layers
    ego_emb = jnp.concatenate([user_emb, item_emb], axis=0)
    all_emb = [ego_emb]
    for _ in range(GCN_LAYER):
        msg = norm_data[:, None] * all_emb[-1][cols]
        tmp = jax.ops.segment_sum(msg, rows, num_segments=n_total)
        all_emb.append(tmp)
    mean_emb = jnp.mean(jnp.stack(all_emb, axis=1), axis=1)
    user_final = mean_emb[:N_USER]
    item_final = mean_emb[N_USER:]
    predictions = jnp.sum(user_final[user_ids] * item_final[item_ids], axis=1)
    return predictions

if __name__ == "__main__":
    import jax
    _d = setup_inputs()
    print(jax.jit(kernel)(*tuple(_d.values())))

</pallas_src>

<mosaic_0001>
#map = affine_map<(d0, d1) -> (0, 0)>
#map1 = affine_map<(d0, d1) -> (0)>
#map2 = affine_map<(d0, d1) -> (0, 0, 0)>
module attributes {stable_mosaic.version = 14 : i64} {
  func.func @segsum(%arg0: i32, %arg1: i32, %arg2: memref<100000x128xf32, #tpu.memory_space<hbm>>, %arg3: memref<1605632xi32, #tpu.memory_space<hbm>>, %arg4: memref<1605632xi32, #tpu.memory_space<hbm>>, %arg5: memref<12544x128xf32, #tpu.memory_space<hbm>>, %arg6: memref<2x100352x128xf32, #tpu.memory_space<hbm>>, %arg7: memref<128xi32, #tpu.memory_space<vmem>>, %arg8: memref<128xi32, #tpu.memory_space<vmem>>, %arg9: memref<128xi32, #tpu.memory_space<vmem>>, %arg10: memref<128x128xf32, #tpu.memory_space<vmem>>, %arg11: memref<12544x128xf32, #tpu.memory_space<vmem_shared>>, %arg12: memref<!tpu.dma_semaphore, #tpu.memory_space<semaphore_mem>>) attributes {dimension_semantics = [#tpu.dimension_semantics<core_parallel>, #tpu.dimension_semantics<subcore_parallel>], iteration_bounds = array<i64: 2, 16>, scalar_prefetch = 0 : i64, scratch_operands = 6 : i64, tpu.core_type = #tpu.core_type<sc_vector_subcore>, window_params = [{transform_indices = #map}, {transform_indices = #map1}, {transform_indices = #map1}, {transform_indices = #map}, {transform_indices = #map2}]} {
    %mul3A = arith.constant 2 : i32
    %mul3A_0 = arith.muli %arg1, %mul3A : i32
    %add3A = arith.addi %mul3A_0, %arg0 : i32
    %scan3A = arith.constant 0 : i32
    %scan3A_1 = arith.constant 0 : i32
    %scan3A_2 = arith.constant 8 : i32
    %scan3A_3 = arith.addi %scan3A_1, %scan3A_2 : i32
    %scan3A_4 = arith.constant 1 : i32
    %scan3A_5 = scf.for %scan3A_7 = %scan3A_1 to %scan3A_3 step %scan3A_4 iter_args(%scan3A_8 = %scan3A) -> (i32)  : i32 {
      %mul3A_9 = arith.constant 12500 : i32
      %mul3A_10 = arith.muli %scan3A_7, %mul3A_9 : i32
      %mul3A_11 = arith.constant 784 : i32
      %mul3A_12 = arith.muli %arg1, %mul3A_11 : i32
      %mul3A_13 = arith.constant 784 : i32
      %mul3A_14 = arith.muli %arg1, %mul3A_13 : i32
      "tpu.region"() ({
        %run_scoped3A = tpu.sem_alloc : memref<!tpu.dma_semaphore, #tpu.memory_space<semaphore_mem>>
        %dma_start3A = arith.constant 0 : i32
        %dma_start3A_32 = tpu.memref_slice %arg11[%mul3A_14, %dma_start3A] : memref<12544x128xf32, #tpu.memory_space<vmem_shared>> -> memref<784x128xf32, #tpu.memory_space<vmem_shared>>
        %dma_start3A_33 = arith.constant 0 : i32
        %dma_start3A_34 = tpu.memref_slice %arg5[%mul3A_12, %dma_start3A_33] : memref<12544x128xf32, #tpu.memory_space<hbm>> -> memref<784x128xf32, #tpu.memory_space<hbm>>
        tpu.enqueue_dma source(%dma_start3A_34 : memref<784x128xf32, #tpu.memory_space<hbm>>) target(%dma_start3A_32 : memref<784x128xf32, #tpu.memory_space<vmem_shared>>) target_semaphore(%run_scoped3A : memref<!tpu.dma_semaphore, #tpu.memory_space<semaphore_mem>>)
        %dma_wait3A = arith.constant 0 : i32
        %dma_wait3A_35 = tpu.memref_slice %arg11[%mul3A_14, %dma_wait3A] : memref<12544x128xf32, #tpu.memory_space<vmem_shared>> -> memref<784x128xf32, #tpu.memory_space<vmem_shared>>
        %dma_wait3A_36 = arith.constant 0 : i32
        %dma_wait3A_37 = tpu.memref_slice %arg5[%mul3A_12, %dma_wait3A_36] : memref<12544x128xf32, #tpu.memory_space<hbm>> -> memref<784x128xf32, #tpu.memory_space<hbm>>
        tpu.wait_dma2 semaphore(%run_scoped3A : memref<!tpu.dma_semaphore, #tpu.memory_space<semaphore_mem>>) src(%dma_wait3A_37 : memref<784x128xf32, #tpu.memory_space<hbm>>) dst(%dma_wait3A_35 : memref<784x128xf32, #tpu.memory_space<vmem_shared>>)
        tpu.yield
      }) : () -> ()
      %barrier3A = arith.constant 0 : index
      tpu.barrier barrier_id(%barrier3A)
      %scan3A_15 = arith.constant 0 : i32
      %scan3A_16 = arith.constant 0 : i32
      %scan3A_17 = arith.constant 392 : i32
      %scan3A_18 = arith.addi %scan3A_16, %scan3A_17 : i32
      %scan3A_19 = arith.constant 1 : i32
      %scan3A_20 = scf.for %scan3A_32 = %scan3A_16 to %scan3A_18 step %scan3A_19 iter_args(%scan3A_33 = %scan3A_15) -> (i32)  : i32 {
        %mul3A_34 = arith.constant 50176 : i32
        %mul3A_35 = arith.muli %add3A, %mul3A_34 : i32
        %mul3A_36 = arith.constant 128 : i32
        %mul3A_37 = arith.muli %scan3A_32, %mul3A_36 : i32
        %add3A_38 = arith.addi %mul3A_35, %mul3A_37 : i32
        "tpu.region"() ({
          %run_scoped3A = tpu.sem_alloc : memref<!tpu.dma_semaphore, #tpu.memory_space<semaphore_mem>>
          %dma_start3A_187 = tpu.memref_slice %arg3[%add3A_38] : memref<1605632xi32, #tpu.memory_space<hbm>> -> memref<128xi32, #tpu.memory_space<hbm>>
          %dma_start3A_188 = tpu.memref_slice %arg3[%add3A_38] : memref<1605632xi32, #tpu.memory_space<hbm>> -> memref<128xi32, #tpu.memory_space<hbm>>
          tpu.enqueue_dma source(%dma_start3A_188 : memref<128xi32, #tpu.memory_space<hbm>>) target(%arg7 : memref<128xi32, #tpu.memory_space<vmem>>) target_semaphore(%run_scoped3A : memref<!tpu.dma_semaphore, #tpu.memory_space<semaphore_mem>>)
          %dma_wait3A_189 = tpu.memref_slice %arg3[%add3A_38] : memref<1605632xi32, #tpu.memory_space<hbm>> -> memref<128xi32, #tpu.memory_space<hbm>>
          %dma_wait3A_190 = tpu.memref_slice %arg3[%add3A_38] : memref<1605632xi32, #tpu.memory_space<hbm>> -> memref<128xi32, #tpu.memory_space<hbm>>
          tpu.wait_dma2 semaphore(%run_scoped3A : memref<!tpu.dma_semaphore, #tpu.memory_space<semaphore_mem>>) src(%dma_wait3A_190 : memref<128xi32, #tpu.memory_space<hbm>>) dst(%arg7 : memref<128xi32, #tpu.memory_space<vmem>>)
          tpu.yield
        }) : () -> ()
        "tpu.region"() ({
          %run_scoped3A = tpu.sem_alloc : memref<!tpu.dma_semaphore, #tpu.memory_space<semaphore_mem>>
          %dma_start3A_187 = tpu.memref_slice %arg4[%add3A_38] : memref<1605632xi32, #tpu.memory_space<hbm>> -> memref<128xi32, #tpu.memory_space<hbm>>
          %dma_start3A_188 = tpu.memref_slice %arg4[%add3A_38] : memref<1605632xi32, #tpu.memory_space<hbm>> -> memref<128xi32, #tpu.memory_space<hbm>>
          tpu.enqueue_dma source(%dma_start3A_188 : memref<128xi32, #tpu.memory_space<hbm>>) target(%arg8 : memref<128xi32, #tpu.memory_space<vmem>>) target_semaphore(%run_scoped3A : memref<!tpu.dma_semaphore, #tpu.memory_space<semaphore_mem>>)
          %dma_wait3A_189 = tpu.memref_slice %arg4[%add3A_38] : memref<1605632xi32, #tpu.memory_space<hbm>> -> memref<128xi32, #tpu.memory_space<hbm>>
          %dma_wait3A_190 = tpu.memref_slice %arg4[%add3A_38] : memref<1605632xi32, #tpu.memory_space<hbm>> -> memref<128xi32, #tpu.memory_space<hbm>>
          tpu.wait_dma2 semaphore(%run_scoped3A : memref<!tpu.dma_semaphore, #tpu.memory_space<semaphore_mem>>) src(%dma_wait3A_190 : memref<128xi32, #tpu.memory_space<hbm>>) dst(%arg8 : memref<128xi32, #tpu.memory_space<vmem>>)
          tpu.yield
        }) : () -> ()
        %get3A = arith.constant 0 : index
        %get3A_39 = tpu.vector_load %arg8[%get3A] {strides = array<i32>} : memref<128xi32, #tpu.memory_space<vmem>>, vector<16xi32>,
        %get3A_40 = vector.shape_cast %get3A_39 : vector<16xi32> to vector<16xi32>
        %ge3A = vector.broadcast %mul3A_10 : i32 to vector<16xi32>
        %ge3A_41 = arith.cmpi sge, %get3A_40, %ge3A : vector<16xi32>
        %add3A_42 = arith.constant 12500 : i32
        %add3A_43 = arith.addi %mul3A_10, %add3A_42 : i32
        %lt3A = vector.broadcast %add3A_43 : i32 to vector<16xi32>
        %lt3A_44 = arith.cmpi slt, %get3A_40, %lt3A : vector<16xi32>
        %and3A = arith.andi %ge3A_41, %lt3A_44 : vector<16xi1>
        %sub3A = vector.broadcast %mul3A_10 : i32 to vector<16xi32>
        %sub3A_45 = arith.subi %get3A_40, %sub3A : vector<16xi32>
        %jit3A = arith.constant 12500 : i32
        %broadcast_in_dim3A = vector.broadcast %jit3A : i32 to vector<16xi32>
        %select_n3A = arith.select %and3A, %sub3A_45, %broadcast_in_dim3A : vector<16xi1>, vector<16xi32>
        %swap3A = arith.constant 0 : index
        %swap3A_46 = tpu.vector_load %arg9[%swap3A] {strides = array<i32>} : memref<128xi32, #tpu.memory_space<vmem>>, vector<16xi32>,
        %swap3A_47 = vector.shape_cast %swap3A_46 : vector<16xi32> to vector<16xi32>
        %swap3A_48 = vector.shape_cast %select_n3A : vector<16xi32> to vector<16xi32>
        tpu.vector_store %arg9[%swap3A], %swap3A_48 {strides = array<i32>} : memref<128xi32, #tpu.memory_space<vmem>>, vector<16xi32>,
        %get3A_49 = arith.constant 16 : index
        %get3A_50 = tpu.vector_load %arg8[%get3A_49] {strides = array<i32>} : memref<128xi32, #tpu.memory_space<vmem>>, vector<16xi32>,
        %get3A_51 = vector.shape_cast %get3A_50 : vector<16xi32> to vector<16xi32>
        %ge3A_52 = vector.broadcast %mul3A_10 : i32 to vector<16xi32>
        %ge3A_53 = arith.cmpi sge, %get3A_51, %ge3A_52 : vector<16xi32>
        %add3A_54 = arith.constant 12500 : i32
        %add3A_55 = arith.addi %mul3A_10, %add3A_54 : i32
        %lt3A_56 = vector.broadcast %add3A_55 : i32 to vector<16xi32>
        %lt3A_57 = arith.cmpi slt, %get3A_51, %lt3A_56 : vector<16xi32>
        %and3A_58 = arith.andi %ge3A_53, %lt3A_57 : vector<16xi1>
        %sub3A_59 = vector.broadcast %mul3A_10 : i32 to vector<16xi32>
        %sub3A_60 = arith.subi %get3A_51, %sub3A_59 : vector<16xi32>
        %jit3A_61 = arith.constant 12500 : i32
        %broadcast_in_dim3A_62 = vector.broadcast %jit3A_61 : i32 to vector<16xi32>
        %select_n3A_63 = arith.select %and3A_58, %sub3A_60, %broadcast_in_dim3A_62 : vector<16xi1>, vector<16xi32>
        %swap3A_64 = arith.constant 16 : index
        %swap3A_65 = tpu.vector_load %arg9[%swap3A_64] {strides = array<i32>} : memref<128xi32, #tpu.memory_space<vmem>>, vector<16xi32>,
        %swap3A_66 = vector.shape_cast %swap3A_65 : vector<16xi32> to vector<16xi32>
        %swap3A_67 = vector.shape_cast %select_n3A_63 : vector<16xi32> to vector<16xi32>
        tpu.vector_store %arg9[%swap3A_64], %swap3A_67 {strides = array<i32>} : memref<128xi32, #tpu.memory_space<vmem>>, vector<16xi32>,
        %get3A_68 = arith.constant 32 : index
        %get3A_69 = tpu.vector_load %arg8[%get3A_68] {strides = array<i32>} : memref<128xi32, #tpu.memory_space<vmem>>, vector<16xi32>,
        %get3A_70 = vector.shape_cast %get3A_69 : vector<16xi32> to vector<16xi32>
        %ge3A_71 = vector.broadcast %mul3A_10 : i32 to vector<16xi32>
        %ge3A_72 = arith.cmpi sge, %get3A_70, %ge3A_71 : vector<16xi32>
        %add3A_73 = arith.constant 12500 : i32
        %add3A_74 = arith.addi %mul3A_10, %add3A_73 : i32
        %lt3A_75 = vector.broadcast %add3A_74 : i32 to vector<16xi32>
        %lt3A_76 = arith.cmpi slt, %get3A_70, %lt3A_75 : vector<16xi32>
        %and3A_77 = arith.andi %ge3A_72, %lt3A_76 : vector<16xi1>
        %sub3A_78 = vector.broadcast %mul3A_10 : i32 to vector<16xi32>
        %sub3A_79 = arith.subi %get3A_70, %sub3A_78 : vector<16xi32>
        %jit3A_80 = arith.constant 12500 : i32
        %broadcast_in_dim3A_81 = vector.broadcast %jit3A_80 : i32 to vector<16xi32>
        %select_n3A_82 = arith.select %and3A_77, %sub3A_79, %broadcast_in_dim3A_81 : vector<16xi1>, vector<16xi32>
        %swap3A_83 = arith.constant 32 : index
        %swap3A_84 = tpu.vector_load %arg9[%swap3A_83] {strides = array<i32>} : memref<128xi32, #tpu.memory_space<vmem>>, vector<16xi32>,
        %swap3A_85 = vector.shape_cast %swap3A_84 : vector<16xi32> to vector<16xi32>
        %swap3A_86 = vector.shape_cast %select_n3A_82 : vector<16xi32> to vector<16xi32>
        tpu.vector_store %arg9[%swap3A_83], %swap3A_86 {strides = array<i32>} : memref<128xi32, #tpu.memory_space<vmem>>, vector<16xi32>,
        %get3A_87 = arith.constant 48 : index
        %get3A_88 = tpu.vector_load %arg8[%get3A_87] {strides = array<i32>} : memref<128xi32, #tpu.memory_space<vmem>>, vector<16xi32>,
        %get3A_89 = vector.shape_cast %get3A_88 : vector<16xi32> to vector<16xi32>
        %ge3A_90 = vector.broadcast %mul3A_10 : i32 to vector<16xi32>
        %ge3A_91 = arith.cmpi sge, %get3A_89, %ge3A_90 : vector<16xi32>
        %add3A_92 = arith.constant 12500 : i32
        %add3A_93 = arith.addi %mul3A_10, %add3A_92 : i32
        %lt3A_94 = vector.broadcast %add3A_93 : i32 to vector<16xi32>
        %lt3A_95 = arith.cmpi slt, %get3A_89, %lt3A_94 : vector<16xi32>
        %and3A_96 = arith.andi %ge3A_91, %lt3A_95 : vector<16xi1>
        %sub3A_97 = vector.broadcast %mul3A_10 : i32 to vector<16xi32>
        %sub3A_98 = arith.subi %get3A_89, %sub3A_97 : vector<16xi32>
        %jit3A_99 = arith.constant 12500 : i32
        %broadcast_in_dim3A_100 = vector.broadcast %jit3A_99 : i32 to vector<16xi32>
        %select_n3A_101 = arith.select %and3A_96, %sub3A_98, %broadcast_in_dim3A_100 : vector<16xi1>, vector<16xi32>
        %swap3A_102 = arith.constant 48 : index
        %swap3A_103 = tpu.vector_load %arg9[%swap3A_102] {strides = array<i32>} : memref<128xi32, #tpu.memory_space<vmem>>, vector<16xi32>,
        %swap3A_104 = vector.shape_cast %swap3A_103 : vector<16xi32> to vector<16xi32>
        %swap3A_105 = vector.shape_cast %select_n3A_101 : vector<16xi32> to vector<16xi32>
        tpu.vector_store %arg9[%swap3A_102], %swap3A_105 {strides = array<i32>} : memref<128xi32, #tpu.memory_space<vmem>>, vector<16xi32>,
        %get3A_106 = arith.constant 64 : index
        %get3A_107 = tpu.vector_load %arg8[%get3A_106] {strides = array<i32>} : memref<128xi32, #tpu.memory_space<vmem>>, vector<16xi32>,
        %get3A_108 = vector.shape_cast %get3A_107 : vector<16xi32> to vector<16xi32>
        %ge3A_109 = vector.broadcast %mul3A_10 : i32 to vector<16xi32>
        %ge3A_110 = arith.cmpi sge, %get3A_108, %ge3A_109 : vector<16xi32>
        %add3A_111 = arith.constant 12500 : i32
        %add3A_112 = arith.addi %mul3A_10, %add3A_111 : i32
        %lt3A_113 = vector.broadcast %add3A_112 : i32 to vector<16xi32>
        %lt3A_114 = arith.cmpi slt, %get3A_108, %lt3A_113 : vector<16xi32>
        %and3A_115 = arith.andi %ge3A_110, %lt3A_114 : vector<16xi1>
        %sub3A_116 = vector.broadcast %mul3A_10 : i32 to vector<16xi32>
        %sub3A_117 = arith.subi %get3A_108, %sub3A_116 : vector<16xi32>
        %jit3A_118 = arith.constant 12500 : i32
        %broadcast_in_dim3A_119 = vector.broadcast %jit3A_118 : i32 to vector<16xi32>
        %select_n3A_120 = arith.select %and3A_115, %sub3A_117, %broadcast_in_dim3A_119 : vector<16xi1>, vector<16xi32>
        %swap3A_121 = arith.constant 64 : index
        %swap3A_122 = tpu.vector_load %arg9[%swap3A_121] {strides = array<i32>} : memref<128xi32, #tpu.memory_space<vmem>>, vector<16xi32>,
        %swap3A_123 = vector.shape_cast %swap3A_122 : vector<16xi32> to vector<16xi32>
        %swap3A_124 = vector.shape_cast %select_n3A_120 : vector<16xi32> to vector<16xi32>
        tpu.vector_store %arg9[%swap3A_121], %swap3A_124 {strides = array<i32>} : memref<128xi32, #tpu.memory_space<vmem>>, vector<16xi32>,
        %get3A_125 = arith.constant 80 : index
        %get3A_126 = tpu.vector_load %arg8[%get3A_125] {strides = array<i32>} : memref<128xi32, #tpu.memory_space<vmem>>, vector<16xi32>,
        %get3A_127 = vector.shape_cast %get3A_126 : vector<16xi32> to vector<16xi32>
        %ge3A_128 = vector.broadcast %mul3A_10 : i32 to vector<16xi32>
        %ge3A_129 = arith.cmpi sge, %get3A_127, %ge3A_128 : vector<16xi32>
        %add3A_130 = arith.constant 12500 : i32
        %add3A_131 = arith.addi %mul3A_10, %add3A_130 : i32
        %lt3A_132 = vector.broadcast %add3A_131 : i32 to vector<16xi32>
        %lt3A_133 = arith.cmpi slt, %get3A_127, %lt3A_132 : vector<16xi32>
        %and3A_134 = arith.andi %ge3A_129, %lt3A_133 : vector<16xi1>
        %sub3A_135 = vector.broadcast %mul3A_10 : i32 to vector<16xi32>
        %sub3A_136 = arith.subi %get3A_127, %sub3A_135 : vector<16xi32>
        %jit3A_137 = arith.constant 12500 : i32
        %broadcast_in_dim3A_138 = vector.broadcast %jit3A_137 : i32 to vector<16xi32>
        %select_n3A_139 = arith.select %and3A_134, %sub3A_136, %broadcast_in_dim3A_138 : vector<16xi1>, vector<16xi32>
        %swap3A_140 = arith.constant 80 : index
        %swap3A_141 = tpu.vector_load %arg9[%swap3A_140] {strides = array<i32>} : memref<128xi32, #tpu.memory_space<vmem>>, vector<16xi32>,
        %swap3A_142 = vector.shape_cast %swap3A_141 : vector<16xi32> to vector<16xi32>
        %swap3A_143 = vector.shape_cast %select_n3A_139 : vector<16xi32> to vector<16xi32>
        tpu.vector_store %arg9[%swap3A_140], %swap3A_143 {strides = array<i32>} : memref<128xi32, #tpu.memory_space<vmem>>, vector<16xi32>,
        %get3A_144 = arith.constant 96 : index
        %get3A_145 = tpu.vector_load %arg8[%get3A_144] {strides = array<i32>} : memref<128xi32, #tpu.memory_space<vmem>>, vector<16xi32>,
        %get3A_146 = vector.shape_cast %get3A_145 : vector<16xi32> to vector<16xi32>
        %ge3A_147 = vector.broadcast %mul3A_10 : i32 to vector<16xi32>
        %ge3A_148 = arith.cmpi sge, %get3A_146, %ge3A_147 : vector<16xi32>
        %add3A_149 = arith.constant 12500 : i32
        %add3A_150 = arith.addi %mul3A_10, %add3A_149 : i32
        %lt3A_151 = vector.broadcast %add3A_150 : i32 to vector<16xi32>
        %lt3A_152 = arith.cmpi slt, %get3A_146, %lt3A_151 : vector<16xi32>
        %and3A_153 = arith.andi %ge3A_148, %lt3A_152 : vector<16xi1>
        %sub3A_154 = vector.broadcast %mul3A_10 : i32 to vector<16xi32>
        %sub3A_155 = arith.subi %get3A_146, %sub3A_154 : vector<16xi32>
        %jit3A_156 = arith.constant 12500 : i32
        %broadcast_in_dim3A_157 = vector.broadcast %jit3A_156 : i32 to vector<16xi32>
        %select_n3A_158 = arith.select %and3A_153, %sub3A_155, %broadcast_in_dim3A_157 : vector<16xi1>, vector<16xi32>
        %swap3A_159 = arith.constant 96 : index
        %swap3A_160 = tpu.vector_load %arg9[%swap3A_159] {strides = array<i32>} : memref<128xi32, #tpu.memory_space<vmem>>, vector<16xi32>,
        %swap3A_161 = vector.shape_cast %swap3A_160 : vector<16xi32> to vector<16xi32>
        %swap3A_162 = vector.shape_cast %select_n3A_158 : vector<16xi32> to vector<16xi32>
        tpu.vector_store %arg9[%swap3A_159], %swap3A_162 {strides = array<i32>} : memref<128xi32, #tpu.memory_space<vmem>>, vector<16xi32>,
        %get3A_163 = arith.constant 112 : index
        %get3A_164 = tpu.vector_load %arg8[%get3A_163] {strides = array<i32>} : memref<128xi32, #tpu.memory_space<vmem>>, vector<16xi32>,
        %get3A_165 = vector.shape_cast %get3A_164 : vector<16xi32> to vector<16xi32>
        %ge3A_166 = vector.broadcast %mul3A_10 : i32 to vector<16xi32>
        %ge3A_167 = arith.cmpi sge, %get3A_165, %ge3A_166 : vector<16xi32>
        %add3A_168 = arith.constant 12500 : i32
        %add3A_169 = arith.addi %mul3A_10, %add3A_168 : i32
        %lt3A_170 = vector.broadcast %add3A_169 : i32 to vector<16xi32>
        %lt3A_171 = arith.cmpi slt, %get3A_165, %lt3A_170 : vector<16xi32>
        %and3A_172 = arith.andi %ge3A_167, %lt3A_171 : vector<16xi1>
        %sub3A_173 = vector.broadcast %mul3A_10 : i32 to vector<16xi32>
        %sub3A_174 = arith.subi %get3A_165, %sub3A_173 : vector<16xi32>
        %jit3A_175 = arith.constant 12500 : i32
        %broadcast_in_dim3A_176 = vector.broadcast %jit3A_175 : i32 to vector<16xi32>
        %select_n3A_177 = arith.select %and3A_172, %sub3A_174, %broadcast_in_dim3A_176 : vector<16xi1>, vector<16xi32>
        %swap3A_178 = arith.constant 112 : index
        %swap3A_179 = tpu.vector_load %arg9[%swap3A_178] {strides = array<i32>} : memref<128xi32, #tpu.memory_space<vmem>>, vector<16xi32>,
        %swap3A_180 = vector.shape_cast %swap3A_179 : vector<16xi32> to vector<16xi32>
        %swap3A_181 = vector.shape_cast %select_n3A_177 : vector<16xi32> to vector<16xi32>
        tpu.vector_store %arg9[%swap3A_178], %swap3A_181 {strides = array<i32>} : memref<128xi32, #tpu.memory_space<vmem>>, vector<16xi32>,
        %dma_start3A = arith.constant 0 : i32
        %dma_start3A_182 = arith.constant 0 : i32
        %dma_start3A_183 = tpu.memref_slice %arg2[%dma_start3A, %dma_start3A_182] : memref<100000x128xf32, #tpu.memory_space<hbm>> -> memref<100000x128xf32, #tpu.memory_space<hbm>>
        tpu.enqueue_indirect_dma source(%dma_start3A_183 : memref<100000x128xf32, #tpu.memory_space<hbm>>) target(%arg10 : memref<128x128xf32, #tpu.memory_space<vmem>>) offsets(%arg7 : memref<128xi32, #tpu.memory_space<vmem>>) semaphore(%arg12 : memref<!tpu.dma_semaphore, #tpu.memory_space<semaphore_mem>>)
        %dma_wait3A = arith.constant 0 : i32
        %dma_wait3A_184 = arith.constant 0 : i32
        %dma_wait3A_185 = tpu.memref_slice %arg2[%dma_wait3A, %dma_wait3A_184] : memref<100000x128xf32, #tpu.memory_space<hbm>> -> memref<100000x128xf32, #tpu.memory_space<hbm>>
        tpu.wait_indirect_dma semaphore(%arg12 : memref<!tpu.dma_semaphore, #tpu.memory_space<semaphore_mem>>) src(%dma_wait3A_185 : memref<100000x128xf32, #tpu.memory_space<hbm>>) dst(%arg10 : memref<128x128xf32, #tpu.memory_space<vmem>>)
        "tpu.region"() ({
          %run_scoped3A = tpu.sem_alloc : memref<!tpu.dma_semaphore, #tpu.memory_space<semaphore_mem>>
          %dma_start3A_187 = arith.constant 0 : i32
          %dma_start3A_188 = arith.constant 0 : i32
          %dma_start3A_189 = tpu.memref_slice %arg11[%dma_start3A_187, %dma_start3A_188] : memref<12544x128xf32, #tpu.memory_space<vmem_shared>> -> memref<12544x128xf32, #tpu.memory_space<vmem_shared>>
          tpu.enqueue_indirect_dma source(%arg10 : memref<128x128xf32, #tpu.memory_space<vmem>>) target(%dma_start3A_189 : memref<12544x128xf32, #tpu.memory_space<vmem_shared>>) offsets(%arg9 : memref<128xi32, #tpu.memory_space<vmem>>) semaphore(%run_scoped3A : memref<!tpu.dma_semaphore, #tpu.memory_space<semaphore_mem>>) {add = true}
          %dma_wait3A_190 = arith.constant 0 : i32
          %dma_wait3A_191 = arith.constant 0 : i32
          %dma_wait3A_192 = tpu.memref_slice %arg11[%dma_wait3A_190, %dma_wait3A_191] : memref<12544x128xf32, #tpu.memory_space<vmem_shared>> -> memref<12544x128xf32, #tpu.memory_space<vmem_shared>>
          tpu.wait_indirect_dma semaphore(%run_scoped3A : memref<!tpu.dma_semaphore, #tpu.memory_space<semaphore_mem>>) src(%arg10 : memref<128x128xf32, #tpu.memory_space<vmem>>) dst(%dma_wait3A_192 : memref<12544x128xf32, #tpu.memory_space<vmem_shared>>)
          tpu.yield
        }) : () -> ()
        %scan3A_186 = arith.constant 0 : i32
        scf.yield %scan3A_186 : i32
      }
      %scan3A_21 = arith.constant 392 : i32
      %barrier3A_22 = arith.constant 0 : index
      tpu.barrier barrier_id(%barrier3A_22)
      %mul3A_23 = arith.constant 784 : i32
      %mul3A_24 = arith.muli %arg1, %mul3A_23 : i32
      %mul3A_25 = arith.constant 12544 : i32
      %mul3A_26 = arith.muli %scan3A_7, %mul3A_25 : i32
      %mul3A_27 = arith.constant 784 : i32
      %mul3A_28 = arith.muli %arg1, %mul3A_27 : i32
      %add3A_29 = arith.addi %mul3A_26, %mul3A_28 : i32
      "tpu.region"() ({
        %run_scoped3A = tpu.sem_alloc : memref<!tpu.dma_semaphore, #tpu.memory_space<semaphore_mem>>
        %dma_start3A = arith.constant 0 : i32
        %dma_start3A_32 = arith.constant 0 : i32
        %dma_start3A_33 = tpu.memref_slice %arg6[%arg0, %dma_start3A, %dma_start3A_32] : memref<2x100352x128xf32, #tpu.memory_space<hbm>> -> memref<1x100352x128xf32, #tpu.memory_space<hbm>>
        %dma_start3A_34 = tpu.memref_squeeze %dma_start3A_33 : memref<1x100352x128xf32, #tpu.memory_space<hbm>> -> memref<100352x128xf32, #tpu.memory_space<hbm>>
        %dma_start3A_35 = arith.constant 0 : i32
        %dma_start3A_36 = tpu.memref_slice %dma_start3A_34[%add3A_29, %dma_start3A_35] : memref<100352x128xf32, #tpu.memory_space<hbm>> -> memref<784x128xf32, #tpu.memory_space<hbm>>
        %dma_start3A_37 = arith.constant 0 : i32
        %dma_start3A_38 = tpu.memref_slice %arg11[%mul3A_24, %dma_start3A_37] : memref<12544x128xf32, #tpu.memory_space<vmem_shared>> -> memref<784x128xf32, #tpu.memory_space<vmem_shared>>
        tpu.enqueue_dma source(%dma_start3A_38 : memref<784x128xf32, #tpu.memory_space<vmem_shared>>) target(%dma_start3A_36 : memref<784x128xf32, #tpu.memory_space<hbm>>) target_semaphore(%run_scoped3A : memref<!tpu.dma_semaphore, #tpu.memory_space<semaphore_mem>>)
        %dma_wait3A = arith.constant 0 : i32
        %dma_wait3A_39 = arith.constant 0 : i32
        %dma_wait3A_40 = tpu.memref_slice %arg6[%arg0, %dma_wait3A, %dma_wait3A_39] : memref<2x100352x128xf32, #tpu.memory_space<hbm>> -> memref<1x100352x128xf32, #tpu.memory_space<hbm>>
        %dma_wait3A_41 = tpu.memref_squeeze %dma_wait3A_40 : memref<1x100352x128xf32, #tpu.memory_space<hbm>> -> memref<100352x128xf32, #tpu.memory_space<hbm>>
        %dma_wait3A_42 = arith.constant 0 : i32
        %dma_wait3A_43 = tpu.memref_slice %dma_wait3A_41[%add3A_29, %dma_wait3A_42] : memref<100352x128xf32, #tpu.memory_space<hbm>> -> memref<784x128xf32, #tpu.memory_space<hbm>>
        %dma_wait3A_44 = arith.constant 0 : i32
        %dma_wait3A_45 = tpu.memref_slice %arg11[%mul3A_24, %dma_wait3A_44] : memref<12544x128xf32, #tpu.memory_space<vmem_shared>> -> memref<784x128xf32, #tpu.memory_space<vmem_shared>>
        tpu.wait_dma2 semaphore(%run_scoped3A : memref<!tpu.dma_semaphore, #tpu.memory_space<semaphore_mem>>) src(%dma_wait3A_45 : memref<784x128xf32, #tpu.memory_space<vmem_shared>>) dst(%dma_wait3A_43 : memref<784x128xf32, #tpu.memory_space<hbm>>)
        tpu.yield
      }) : () -> ()
      %barrier3A_30 = arith.constant 0 : index
      tpu.barrier barrier_id(%barrier3A_30)
      %scan3A_31 = arith.constant 0 : i32
      scf.yield %scan3A_31 : i32
    }
    %scan3A_6 = arith.constant 8 : i32
    return
  }
}

#map = affine_map<(d0, d1) -> (0, 0)>
#map1 = affine_map<(d0, d1) -> (0)>
#map2 = affine_map<(d0, d1) -> (0, 0, 0)>
module attributes {stable_mosaic.version = 14 : i64} {
  func.func @segsum(%arg0: i32, %arg1: i32, %arg2: memref<100000x128xf32, #tpu.memory_space<hbm>>, %arg3: memref<1605632xi32, #tpu.memory_space<hbm>>, %arg4: memref<1605632xi32, #tpu.memory_space<hbm>>, %arg5: memref<12544x128xf32, #tpu.memory_space<hbm>>, %arg6: memref<2x100352x128xf32, #tpu.memory_space<hbm>>, %arg7: memref<128xi32, #tpu.memory_space<vmem>>, %arg8: memref<128xi32, #tpu.memory_space<vmem>>, %arg9: memref<128xi32, #tpu.memory_space<vmem>>, %arg10: memref<128x128xf32, #tpu.memory_space<vmem>>, %arg11: memref<12544x128xf32, #tpu.memory_space<vmem_shared>>, %arg12: memref<!tpu.dma_semaphore, #tpu.memory_space<semaphore_mem>>) attributes {dimension_semantics = [#tpu.dimension_semantics<core_parallel>, #tpu.dimension_semantics<subcore_parallel>], iteration_bounds = array<i64: 2, 16>, scalar_prefetch = 0 : i64, scratch_operands = 6 : i64, tpu.core_type = #tpu.core_type<sc_vector_subcore>, window_params = [{transform_indices = #map}, {transform_indices = #map1}, {transform_indices = #map1}, {transform_indices = #map}, {transform_indices = #map2}]} {
    %mul3A = arith.constant 2 : i32
    %mul3A_0 = arith.muli %arg1, %mul3A : i32
    %add3A = arith.addi %mul3A_0, %arg0 : i32
    %scan3A = arith.constant 0 : i32
    %scan3A_1 = arith.constant 0 : i32
    %scan3A_2 = arith.constant 8 : i32
    %scan3A_3 = arith.addi %scan3A_1, %scan3A_2 : i32
    %scan3A_4 = arith.constant 1 : i32
    %scan3A_5 = scf.for %scan3A_7 = %scan3A_1 to %scan3A_3 step %scan3A_4 iter_args(%scan3A_8 = %scan3A) -> (i32)  : i32 {
      %mul3A_9 = arith.constant 12500 : i32
      %mul3A_10 = arith.muli %scan3A_7, %mul3A_9 : i32
      %mul3A_11 = arith.constant 784 : i32
      %mul3A_12 = arith.muli %arg1, %mul3A_11 : i32
      %mul3A_13 = arith.constant 784 : i32
      %mul3A_14 = arith.muli %arg1, %mul3A_13 : i32
      "tpu.region"() ({
        %run_scoped3A = tpu.sem_alloc : memref<!tpu.dma_semaphore, #tpu.memory_space<semaphore_mem>>
        %dma_start3A = arith.constant 0 : i32
        %dma_start3A_32 = tpu.memref_slice %arg11[%mul3A_14, %dma_start3A] : memref<12544x128xf32, #tpu.memory_space<vmem_shared>> -> memref<784x128xf32, #tpu.memory_space<vmem_shared>>
        %dma_start3A_33 = arith.constant 0 : i32
        %dma_start3A_34 = tpu.memref_slice %arg5[%mul3A_12, %dma_start3A_33] : memref<12544x128xf32, #tpu.memory_space<hbm>> -> memref<784x128xf32, #tpu.memory_space<hbm>>
        tpu.enqueue_dma source(%dma_start3A_34 : memref<784x128xf32, #tpu.memory_space<hbm>>) target(%dma_start3A_32 : memref<784x128xf32, #tpu.memory_space<vmem_shared>>) target_semaphore(%run_scoped3A : memref<!tpu.dma_semaphore, #tpu.memory_space<semaphore_mem>>)
        %dma_wait3A = arith.constant 0 : i32
        %dma_wait3A_35 = tpu.memref_slice %arg11[%mul3A_14, %dma_wait3A] : memref<12544x128xf32, #tpu.memory_space<vmem_shared>> -> memref<784x128xf32, #tpu.memory_space<vmem_shared>>
        %dma_wait3A_36 = arith.constant 0 : i32
        %dma_wait3A_37 = tpu.memref_slice %arg5[%mul3A_12, %dma_wait3A_36] : memref<12544x128xf32, #tpu.memory_space<hbm>> -> memref<784x128xf32, #tpu.memory_space<hbm>>
        tpu.wait_dma2 semaphore(%run_scoped3A : memref<!tpu.dma_semaphore, #tpu.memory_space<semaphore_mem>>) src(%dma_wait3A_37 : memref<784x128xf32, #tpu.memory_space<hbm>>) dst(%dma_wait3A_35 : memref<784x128xf32, #tpu.memory_space<vmem_shared>>)
        tpu.yield
      }) : () -> ()
      %barrier3A = arith.constant 0 : index
      tpu.barrier barrier_id(%barrier3A)
      %scan3A_15 = arith.constant 0 : i32
      %scan3A_16 = arith.constant 0 : i32
      %scan3A_17 = arith.constant 392 : i32
      %scan3A_18 = arith.addi %scan3A_16, %scan3A_17 : i32
      %scan3A_19 = arith.constant 1 : i32
      %scan3A_20 = scf.for %scan3A_32 = %scan3A_16 to %scan3A_18 step %scan3A_19 iter_args(%scan3A_33 = %scan3A_15) -> (i32)  : i32 {
        %mul3A_34 = arith.constant 50176 : i32
        %mul3A_35 = arith.muli %add3A, %mul3A_34 : i32
        %mul3A_36 = arith.constant 128 : i32
        %mul3A_37 = arith.muli %scan3A_32, %mul3A_36 : i32
        %add3A_38 = arith.addi %mul3A_35, %mul3A_37 : i32
        "tpu.region"() ({
          %run_scoped3A = tpu.sem_alloc : memref<!tpu.dma_semaphore, #tpu.memory_space<semaphore_mem>>
          %dma_start3A_187 = tpu.memref_slice %arg3[%add3A_38] : memref<1605632xi32, #tpu.memory_space<hbm>> -> memref<128xi32, #tpu.memory_space<hbm>>
          %dma_start3A_188 = tpu.memref_slice %arg3[%add3A_38] : memref<1605632xi32, #tpu.memory_space<hbm>> -> memref<128xi32, #tpu.memory_space<hbm>>
          tpu.enqueue_dma source(%dma_start3A_188 : memref<128xi32, #tpu.memory_space<hbm>>) target(%arg7 : memref<128xi32, #tpu.memory_space<vmem>>) target_semaphore(%run_scoped3A : memref<!tpu.dma_semaphore, #tpu.memory_space<semaphore_mem>>)
          %dma_wait3A_189 = tpu.memref_slice %arg3[%add3A_38] : memref<1605632xi32, #tpu.memory_space<hbm>> -> memref<128xi32, #tpu.memory_space<hbm>>
          %dma_wait3A_190 = tpu.memref_slice %arg3[%add3A_38] : memref<1605632xi32, #tpu.memory_space<hbm>> -> memref<128xi32, #tpu.memory_space<hbm>>
          tpu.wait_dma2 semaphore(%run_scoped3A : memref<!tpu.dma_semaphore, #tpu.memory_space<semaphore_mem>>) src(%dma_wait3A_190 : memref<128xi32, #tpu.memory_space<hbm>>) dst(%arg7 : memref<128xi32, #tpu.memory_space<vmem>>)
          tpu.yield
        }) : () -> ()
        "tpu.region"() ({
          %run_scoped3A = tpu.sem_alloc : memref<!tpu.dma_semaphore, #tpu.memory_space<semaphore_mem>>
          %dma_start3A_187 = tpu.memref_slice %arg4[%add3A_38] : memref<1605632xi32, #tpu.memory_space<hbm>> -> memref<128xi32, #tpu.memory_space<hbm>>
          %dma_start3A_188 = tpu.memref_slice %arg4[%add3A_38] : memref<1605632xi32, #tpu.memory_space<hbm>> -> memref<128xi32, #tpu.memory_space<hbm>>
          tpu.enqueue_dma source(%dma_start3A_188 : memref<128xi32, #tpu.memory_space<hbm>>) target(%arg8 : memref<128xi32, #tpu.memory_space<vmem>>) target_semaphore(%run_scoped3A : memref<!tpu.dma_semaphore, #tpu.memory_space<semaphore_mem>>)
          %dma_wait3A_189 = tpu.memref_slice %arg4[%add3A_38] : memref<1605632xi32, #tpu.memory_space<hbm>> -> memref<128xi32, #tpu.memory_space<hbm>>
          %dma_wait3A_190 = tpu.memref_slice %arg4[%add3A_38] : memref<1605632xi32, #tpu.memory_space<hbm>> -> memref<128xi32, #tpu.memory_space<hbm>>
          tpu.wait_dma2 semaphore(%run_scoped3A : memref<!tpu.dma_semaphore, #tpu.memory_space<semaphore_mem>>) src(%dma_wait3A_190 : memref<128xi32, #tpu.memory_space<hbm>>) dst(%arg8 : memref<128xi32, #tpu.memory_space<vmem>>)
          tpu.yield
        }) : () -> ()
        %get3A = arith.constant 0 : index
        %get3A_39 = tpu.vector_load %arg8[%get3A] {strides = array<i32>} : memref<128xi32, #tpu.memory_space<vmem>>, vector<16xi32>,
        %get3A_40 = vector.shape_cast %get3A_39 : vector<16xi32> to vector<16xi32>
        %ge3A = vector.broadcast %mul3A_10 : i32 to vector<16xi32>
        %ge3A_41 = arith.cmpi sge, %get3A_40, %ge3A : vector<16xi32>
        %add3A_42 = arith.constant 12500 : i32
        %add3A_43 = arith.addi %mul3A_10, %add3A_42 : i32
        %lt3A = vector.broadcast %add3A_43 : i32 to vector<16xi32>
        %lt3A_44 = arith.cmpi slt, %get3A_40, %lt3A : vector<16xi32>
        %and3A = arith.andi %ge3A_41, %lt3A_44 : vector<16xi1>
        %sub3A = vector.broadcast %mul3A_10 : i32 to vector<16xi32>
        %sub3A_45 = arith.subi %get3A_40, %sub3A : vector<16xi32>
        %jit3A = arith.constant 12500 : i32
        %broadcast_in_dim3A = vector.broadcast %jit3A : i32 to vector<16xi32>
        %select_n3A = arith.select %and3A, %sub3A_45, %broadcast_in_dim3A : vector<16xi1>, vector<16xi32>
        %swap3A = arith.constant 0 : index
        %swap3A_46 = tpu.vector_load %arg9[%swap3A] {strides = array<i32>} : memref<128xi32, #tpu.memory_space<vmem>>, vector<16xi32>,
        %swap3A_47 = vector.shape_cast %swap3A_46 : vector<16xi32> to vector<16xi32>
        %swap3A_48 = vector.shape_cast %select_n3A : vector<16xi32> to vector<16xi32>
        tpu.vector_store %arg9[%swap3A], %swap3A_48 {strides = array<i32>} : memref<128xi32, #tpu.memory_space<vmem>>, vector<16xi32>,
        %get3A_49 = arith.constant 16 : index
        %get3A_50 = tpu.vector_load %arg8[%get3A_49] {strides = array<i32>} : memref<128xi32, #tpu.memory_space<vmem>>, vector<16xi32>,
        %get3A_51 = vector.shape_cast %get3A_50 : vector<16xi32> to vector<16xi32>
        %ge3A_52 = vector.broadcast %mul3A_10 : i32 to vector<16xi32>
        %ge3A_53 = arith.cmpi sge, %get3A_51, %ge3A_52 : vector<16xi32>
        %add3A_54 = arith.constant 12500 : i32
        %add3A_55 = arith.addi %mul3A_10, %add3A_54 : i32
        %lt3A_56 = vector.broadcast %add3A_55 : i32 to vector<16xi32>
        %lt3A_57 = arith.cmpi slt, %get3A_51, %lt3A_56 : vector<16xi32>
        %and3A_58 = arith.andi %ge3A_53, %lt3A_57 : vector<16xi1>
        %sub3A_59 = vector.broadcast %mul3A_10 : i32 to vector<16xi32>
        %sub3A_60 = arith.subi %get3A_51, %sub3A_59 : vector<16xi32>
        %jit3A_61 = arith.constant 12500 : i32
        %broadcast_in_dim3A_62 = vector.broadcast %jit3A_61 : i32 to vector<16xi32>
        %select_n3A_63 = arith.select %and3A_58, %sub3A_60, %broadcast_in_dim3A_62 : vector<16xi1>, vector<16xi32>
        %swap3A_64 = arith.constant 16 : index
        %swap3A_65 = tpu.vector_load %arg9[%swap3A_64] {strides = array<i32>} : memref<128xi32, #tpu.memory_space<vmem>>, vector<16xi32>,
        %swap3A_66 = vector.shape_cast %swap3A_65 : vector<16xi32> to vector<16xi32>
        %swap3A_67 = vector.shape_cast %select_n3A_63 : vector<16xi32> to vector<16xi32>
        tpu.vector_store %arg9[%swap3A_64], %swap3A_67 {strides = array<i32>} : memref<128xi32, #tpu.memory_space<vmem>>, vector<16xi32>,
        %get3A_68 = arith.constant 32 : index
        %get3A_69 = tpu.vector_load %arg8[%get3A_68] {strides = array<i32>} : memref<128xi32, #tpu.memory_space<vmem>>, vector<16xi32>,
        %get3A_70 = vector.shape_cast %get3A_69 : vector<16xi32> to vector<16xi32>
        %ge3A_71 = vector.broadcast %mul3A_10 : i32 to vector<16xi32>
        %ge3A_72 = arith.cmpi sge, %get3A_70, %ge3A_71 : vector<16xi32>
        %add3A_73 = arith.constant 12500 : i32
        %add3A_74 = arith.addi %mul3A_10, %add3A_73 : i32
        %lt3A_75 = vector.broadcast %add3A_74 : i32 to vector<16xi32>
        %lt3A_76 = arith.cmpi slt, %get3A_70, %lt3A_75 : vector<16xi32>
        %and3A_77 = arith.andi %ge3A_72, %lt3A_76 : vector<16xi1>
        %sub3A_78 = vector.broadcast %mul3A_10 : i32 to vector<16xi32>
        %sub3A_79 = arith.subi %get3A_70, %sub3A_78 : vector<16xi32>
        %jit3A_80 = arith.constant 12500 : i32
        %broadcast_in_dim3A_81 = vector.broadcast %jit3A_80 : i32 to vector<16xi32>
        %select_n3A_82 = arith.select %and3A_77, %sub3A_79, %broadcast_in_dim3A_81 : vector<16xi1>, vector<16xi32>
        %swap3A_83 = arith.constant 32 : index
        %swap3A_84 = tpu.vector_load %arg9[%swap3A_83] {strides = array<i32>} : memref<128xi32, #tpu.memory_space<vmem>>, vector<16xi32>,
        %swap3A_85 = vector.shape_cast %swap3A_84 : vector<16xi32> to vector<16xi32>
        %swap3A_86 = vector.shape_cast %select_n3A_82 : vector<16xi32> to vector<16xi32>
        tpu.vector_store %arg9[%swap3A_83], %swap3A_86 {strides = array<i32>} : memref<128xi32, #tpu.memory_space<vmem>>, vector<16xi32>,
        %get3A_87 = arith.constant 48 : index
        %get3A_88 = tpu.vector_load %arg8[%get3A_87] {strides = array<i32>} : memref<128xi32, #tpu.memory_space<vmem>>, vector<16xi32>,
        %get3A_89 = vector.shape_cast %get3A_88 : vector<16xi32> to vector<16xi32>
        %ge3A_90 = vector.broadcast %mul3A_10 : i32 to vector<16xi32>
        %ge3A_91 = arith.cmpi sge, %get3A_89, %ge3A_90 : vector<16xi32>
        %add3A_92 = arith.constant 12500 : i32
        %add3A_93 = arith.addi %mul3A_10, %add3A_92 : i32
        %lt3A_94 = vector.broadcast %add3A_93 : i32 to vector<16xi32>
        %lt3A_95 = arith.cmpi slt, %get3A_89, %lt3A_94 : vector<16xi32>
        %and3A_96 = arith.andi %ge3A_91, %lt3A_95 : vector<16xi1>
        %sub3A_97 = vector.broadcast %mul3A_10 : i32 to vector<16xi32>
        %sub3A_98 = arith.subi %get3A_89, %sub3A_97 : vector<16xi32>
        %jit3A_99 = arith.constant 12500 : i32
        %broadcast_in_dim3A_100 = vector.broadcast %jit3A_99 : i32 to vector<16xi32>
        %select_n3A_101 = arith.select %and3A_96, %sub3A_98, %broadcast_in_dim3A_100 : vector<16xi1>, vector<16xi32>
        %swap3A_102 = arith.constant 48 : index
        %swap3A_103 = tpu.vector_load %arg9[%swap3A_102] {strides = array<i32>} : memref<128xi32, #tpu.memory_space<vmem>>, vector<16xi32>,
        %swap3A_104 = vector.shape_cast %swap3A_103 : vector<16xi32> to vector<16xi32>
        %swap3A_105 = vector.shape_cast %select_n3A_101 : vector<16xi32> to vector<16xi32>
        tpu.vector_store %arg9[%swap3A_102], %swap3A_105 {strides = array<i32>} : memref<128xi32, #tpu.memory_space<vmem>>, vector<16xi32>,
        %get3A_106 = arith.constant 64 : index
        %get3A_107 = tpu.vector_load %arg8[%get3A_106] {strides = array<i32>} : memref<128xi32, #tpu.memory_space<vmem>>, vector<16xi32>,
        %get3A_108 = vector.shape_cast %get3A_107 : vector<16xi32> to vector<16xi32>
        %ge3A_109 = vector.broadcast %mul3A_10 : i32 to vector<16xi32>
        %ge3A_110 = arith.cmpi sge, %get3A_108, %ge3A_109 : vector<16xi32>
        %add3A_111 = arith.constant 12500 : i32
        %add3A_112 = arith.addi %mul3A_10, %add3A_111 : i32
        %lt3A_113 = vector.broadcast %add3A_112 : i32 to vector<16xi32>
        %lt3A_114 = arith.cmpi slt, %get3A_108, %lt3A_113 : vector<16xi32>
        %and3A_115 = arith.andi %ge3A_110, %lt3A_114 : vector<16xi1>
        %sub3A_116 = vector.broadcast %mul3A_10 : i32 to vector<16xi32>
        %sub3A_117 = arith.subi %get3A_108, %sub3A_116 : vector<16xi32>
        %jit3A_118 = arith.constant 12500 : i32
        %broadcast_in_dim3A_119 = vector.broadcast %jit3A_118 : i32 to vector<16xi32>
        %select_n3A_120 = arith.select %and3A_115, %sub3A_117, %broadcast_in_dim3A_119 : vector<16xi1>, vector<16xi32>
        %swap3A_121 = arith.constant 64 : index
        %swap3A_122 = tpu.vector_load %arg9[%swap3A_121] {strides = array<i32>} : memref<128xi32, #tpu.memory_space<vmem>>, vector<16xi32>,
        %swap3A_123 = vector.shape_cast %swap3A_122 : vector<16xi32> to vector<16xi32>
        %swap3A_124 = vector.shape_cast %select_n3A_120 : vector<16xi32> to vector<16xi32>
        tpu.vector_store %arg9[%swap3A_121], %swap3A_124 {strides = array<i32>} : memref<128xi32, #tpu.memory_space<vmem>>, vector<16xi32>,
        %get3A_125 = arith.constant 80 : index
        %get3A_126 = tpu.vector_load %arg8[%get3A_125] {strides = array<i32>} : memref<128xi32, #tpu.memory_space<vmem>>, vector<16xi32>,
        %get3A_127 = vector.shape_cast %get3A_126 : vector<16xi32> to vector<16xi32>
        %ge3A_128 = vector.broadcast %mul3A_10 : i32 to vector<16xi32>
        %ge3A_129 = arith.cmpi sge, %get3A_127, %ge3A_128 : vector<16xi32>
        %add3A_130 = arith.constant 12500 : i32
        %add3A_131 = arith.addi %mul3A_10, %add3A_130 : i32
        %lt3A_132 = vector.broadcast %add3A_131 : i32 to vector<16xi32>
        %lt3A_133 = arith.cmpi slt, %get3A_127, %lt3A_132 : vector<16xi32>
        %and3A_134 = arith.andi %ge3A_129, %lt3A_133 : vector<16xi1>
        %sub3A_135 = vector.broadcast %mul3A_10 : i32 to vector<16xi32>
        %sub3A_136 = arith.subi %get3A_127, %sub3A_135 : vector<16xi32>
        %jit3A_137 = arith.constant 12500 : i32
        %broadcast_in_dim3A_138 = vector.broadcast %jit3A_137 : i32 to vector<16xi32>
        %select_n3A_139 = arith.select %and3A_134, %sub3A_136, %broadcast_in_dim3A_138 : vector<16xi1>, vector<16xi32>
        %swap3A_140 = arith.constant 80 : index
        %swap3A_141 = tpu.vector_load %arg9[%swap3A_140] {strides = array<i32>} : memref<128xi32, #tpu.memory_space<vmem>>, vector<16xi32>,
        %swap3A_142 = vector.shape_cast %swap3A_141 : vector<16xi32> to vector<16xi32>
        %swap3A_143 = vector.shape_cast %select_n3A_139 : vector<16xi32> to vector<16xi32>
        tpu.vector_store %arg9[%swap3A_140], %swap3A_143 {strides = array<i32>} : memref<128xi32, #tpu.memory_space<vmem>>, vector<16xi32>,
        %get3A_144 = arith.constant 96 : index
        %get3A_145 = tpu.vector_load %arg8[%get3A_144] {strides = array<i32>} : memref<128xi32, #tpu.memory_space<vmem>>, vector<16xi32>,
        %get3A_146 = vector.shape_cast %get3A_145 : vector<16xi32> to vector<16xi32>
        %ge3A_147 = vector.broadcast %mul3A_10 : i32 to vector<16xi32>
        %ge3A_148 = arith.cmpi sge, %get3A_146, %ge3A_147 : vector<16xi32>
        %add3A_149 = arith.constant 12500 : i32
        %add3A_150 = arith.addi %mul3A_10, %add3A_149 : i32
        %lt3A_151 = vector.broadcast %add3A_150 : i32 to vector<16xi32>
        %lt3A_152 = arith.cmpi slt, %get3A_146, %lt3A_151 : vector<16xi32>
        %and3A_153 = arith.andi %ge3A_148, %lt3A_152 : vector<16xi1>
        %sub3A_154 = vector.broadcast %mul3A_10 : i32 to vector<16xi32>
        %sub3A_155 = arith.subi %get3A_146, %sub3A_154 : vector<16xi32>
        %jit3A_156 = arith.constant 12500 : i32
        %broadcast_in_dim3A_157 = vector.broadcast %jit3A_156 : i32 to vector<16xi32>
        %select_n3A_158 = arith.select %and3A_153, %sub3A_155, %broadcast_in_dim3A_157 : vector<16xi1>, vector<16xi32>
        %swap3A_159 = arith.constant 96 : index
        %swap3A_160 = tpu.vector_load %arg9[%swap3A_159] {strides = array<i32>} : memref<128xi32, #tpu.memory_space<vmem>>, vector<16xi32>,
        %swap3A_161 = vector.shape_cast %swap3A_160 : vector<16xi32> to vector<16xi32>
        %swap3A_162 = vector.shape_cast %select_n3A_158 : vector<16xi32> to vector<16xi32>
        tpu.vector_store %arg9[%swap3A_159], %swap3A_162 {strides = array<i32>} : memref<128xi32, #tpu.memory_space<vmem>>, vector<16xi32>,
        %get3A_163 = arith.constant 112 : index
        %get3A_164 = tpu.vector_load %arg8[%get3A_163] {strides = array<i32>} : memref<128xi32, #tpu.memory_space<vmem>>, vector<16xi32>,
        %get3A_165 = vector.shape_cast %get3A_164 : vector<16xi32> to vector<16xi32>
        %ge3A_166 = vector.broadcast %mul3A_10 : i32 to vector<16xi32>
        %ge3A_167 = arith.cmpi sge, %get3A_165, %ge3A_166 : vector<16xi32>
        %add3A_168 = arith.constant 12500 : i32
        %add3A_169 = arith.addi %mul3A_10, %add3A_168 : i32
        %lt3A_170 = vector.broadcast %add3A_169 : i32 to vector<16xi32>
        %lt3A_171 = arith.cmpi slt, %get3A_165, %lt3A_170 : vector<16xi32>
        %and3A_172 = arith.andi %ge3A_167, %lt3A_171 : vector<16xi1>
        %sub3A_173 = vector.broadcast %mul3A_10 : i32 to vector<16xi32>
        %sub3A_174 = arith.subi %get3A_165, %sub3A_173 : vector<16xi32>
        %jit3A_175 = arith.constant 12500 : i32
        %broadcast_in_dim3A_176 = vector.broadcast %jit3A_175 : i32 to vector<16xi32>
        %select_n3A_177 = arith.select %and3A_172, %sub3A_174, %broadcast_in_dim3A_176 : vector<16xi1>, vector<16xi32>
        %swap3A_178 = arith.constant 112 : index
        %swap3A_179 = tpu.vector_load %arg9[%swap3A_178] {strides = array<i32>} : memref<128xi32, #tpu.memory_space<vmem>>, vector<16xi32>,
        %swap3A_180 = vector.shape_cast %swap3A_179 : vector<16xi32> to vector<16xi32>
        %swap3A_181 = vector.shape_cast %select_n3A_177 : vector<16xi32> to vector<16xi32>
        tpu.vector_store %arg9[%swap3A_178], %swap3A_181 {strides = array<i32>} : memref<128xi32, #tpu.memory_space<vmem>>, vector<16xi32>,
        %dma_start3A = arith.constant 0 : i32
        %dma_start3A_182 = arith.constant 0 : i32
        %dma_start3A_183 = tpu.memref_slice %arg2[%dma_start3A, %dma_start3A_182] : memref<100000x128xf32, #tpu.memory_space<hbm>> -> memref<100000x128xf32, #tpu.memory_space<hbm>>
        tpu.enqueue_indirect_dma source(%dma_start3A_183 : memref<100000x128xf32, #tpu.memory_space<hbm>>) target(%arg10 : memref<128x128xf32, #tpu.memory_space<vmem>>) offsets(%arg7 : memref<128xi32, #tpu.memory_space<vmem>>) semaphore(%arg12 : memref<!tpu.dma_semaphore, #tpu.memory_space<semaphore_mem>>)
        %dma_wait3A = arith.constant 0 : i32
        %dma_wait3A_184 = arith.constant 0 : i32
        %dma_wait3A_185 = tpu.memref_slice %arg2[%dma_wait3A, %dma_wait3A_184] : memref<100000x128xf32, #tpu.memory_space<hbm>> -> memref<100000x128xf32, #tpu.memory_space<hbm>>
        tpu.wait_indirect_dma semaphore(%arg12 : memref<!tpu.dma_semaphore, #tpu.memory_space<semaphore_mem>>) src(%dma_wait3A_185 : memref<100000x128xf32, #tpu.memory_space<hbm>>) dst(%arg10 : memref<128x128xf32, #tpu.memory_space<vmem>>)
        "tpu.region"() ({
          %run_scoped3A = tpu.sem_alloc : memref<!tpu.dma_semaphore, #tpu.memory_space<semaphore_mem>>
          %dma_start3A_187 = arith.constant 0 : i32
          %dma_start3A_188 = arith.constant 0 : i32
          %dma_start3A_189 = tpu.memref_slice %arg11[%dma_start3A_187, %dma_start3A_188] : memref<12544x128xf32, #tpu.memory_space<vmem_shared>> -> memref<12544x128xf32, #tpu.memory_space<vmem_shared>>
          tpu.enqueue_indirect_dma source(%arg10 : memref<128x128xf32, #tpu.memory_space<vmem>>) target(%dma_start3A_189 : memref<12544x128xf32, #tpu.memory_space<vmem_shared>>) offsets(%arg9 : memref<128xi32, #tpu.memory_space<vmem>>) semaphore(%run_scoped3A : memref<!tpu.dma_semaphore, #tpu.memory_space<semaphore_mem>>) {add = true}
          %dma_wait3A_190 = arith.constant 0 : i32
          %dma_wait3A_191 = arith.constant 0 : i32
          %dma_wait3A_192 = tpu.memref_slice %arg11[%dma_wait3A_190, %dma_wait3A_191] : memref<12544x128xf32, #tpu.memory_space<vmem_shared>> -> memref<12544x128xf32, #tpu.memory_space<vmem_shared>>
          tpu.wait_indirect_dma semaphore(%run_scoped3A : memref<!tpu.dma_semaphore, #tpu.memory_space<semaphore_mem>>) src(%arg10 : memref<128x128xf32, #tpu.memory_space<vmem>>) dst(%dma_wait3A_192 : memref<12544x128xf32, #tpu.memory_space<vmem_shared>>)
          tpu.yield
        }) : () -> ()
        %scan3A_186 = arith.constant 0 : i32
        scf.yield %scan3A_186 : i32
      }
      %scan3A_21 = arith.constant 392 : i32
      %barrier3A_22 = arith.constant 0 : index
      tpu.barrier barrier_id(%barrier3A_22)
      %mul3A_23 = arith.constant 784 : i32
      %mul3A_24 = arith.muli %arg1, %mul3A_23 : i32
      %mul3A_25 = arith.constant 12544 : i32
      %mul3A_26 = arith.muli %scan3A_7, %mul3A_25 : i32
      %mul3A_27 = arith.constant 784 : i32
      %mul3A_28 = arith.muli %arg1, %mul3A_27 : i32
      %add3A_29 = arith.addi %mul3A_26, %mul3A_28 : i32
      "tpu.region"() ({
        %run_scoped3A = tpu.sem_alloc : memref<!tpu.dma_semaphore, #tpu.memory_space<semaphore_mem>>
        %dma_start3A = arith.constant 0 : i32
        %dma_start3A_32 = arith.constant 0 : i32
        %dma_start3A_33 = tpu.memref_slice %arg6[%arg0, %dma_start3A, %dma_start3A_32] : memref<2x100352x128xf32, #tpu.memory_space<hbm>> -> memref<1x100352x128xf32, #tpu.memory_space<hbm>>
        %dma_start3A_34 = tpu.memref_squeeze %dma_start3A_33 : memref<1x100352x128xf32, #tpu.memory_space<hbm>> -> memref<100352x128xf32, #tpu.memory_space<hbm>>
        %dma_start3A_35 = arith.constant 0 : i32
        %dma_start3A_36 = tpu.memref_slice %dma_start3A_34[%add3A_29, %dma_start3A_35] : memref<100352x128xf32, #tpu.memory_space<hbm>> -> memref<784x128xf32, #tpu.memory_space<hbm>>
        %dma_start3A_37 = arith.constant 0 : i32
        %dma_start3A_38 = tpu.memref_slice %arg11[%mul3A_24, %dma_start3A_37] : memref<12544x128xf32, #tpu.memory_space<vmem_shared>> -> memref<784x128xf32, #tpu.memory_space<vmem_shared>>
        tpu.enqueue_dma source(%dma_start3A_38 : memref<784x128xf32, #tpu.memory_space<vmem_shared>>) target(%dma_start3A_36 : memref<784x128xf32, #tpu.memory_space<hbm>>) target_semaphore(%run_scoped3A : memref<!tpu.dma_semaphore, #tpu.memory_space<semaphore_mem>>)
        %dma_wait3A = arith.constant 0 : i32
        %dma_wait3A_39 = arith.constant 0 : i32
        %dma_wait3A_40 = tpu.memref_slice %arg6[%arg0, %dma_wait3A, %dma_wait3A_39] : memref<2x100352x128xf32, #tpu.memory_space<hbm>> -> memref<1x100352x128xf32, #tpu.memory_space<hbm>>
        %dma_wait3A_41 = tpu.memref_squeeze %dma_wait3A_40 : memref<1x100352x128xf32, #tpu.memory_space<hbm>> -> memref<100352x128xf32, #tpu.memory_space<hbm>>
        %dma_wait3A_42 = arith.constant 0 : i32
        %dma_wait3A_43 = tpu.memref_slice %dma_wait3A_41[%add3A_29, %dma_wait3A_42] : memref<100352x128xf32, #tpu.memory_space<hbm>> -> memref<784x128xf32, #tpu.memory_space<hbm>>
        %dma_wait3A_44 = arith.constant 0 : i32
        %dma_wait3A_45 = tpu.memref_slice %arg11[%mul3A_24, %dma_wait3A_44] : memref<12544x128xf32, #tpu.memory_space<vmem_shared>> -> memref<784x128xf32, #tpu.memory_space<vmem_shared>>
        tpu.wait_dma2 semaphore(%run_scoped3A : memref<!tpu.dma_semaphore, #tpu.memory_space<semaphore_mem>>) src(%dma_wait3A_45 : memref<784x128xf32, #tpu.memory_space<vmem_shared>>) dst(%dma_wait3A_43 : memref<784x128xf32, #tpu.memory_space<hbm>>)
        tpu.yield
      }) : () -> ()
      %barrier3A_30 = arith.constant 0 : index
      tpu.barrier barrier_id(%barrier3A_30)
      %scan3A_31 = arith.constant 0 : i32
      scf.yield %scan3A_31 : i32
    }
    %scan3A_6 = arith.constant 8 : i32
    return
  }
}

#map = affine_map<(d0, d1) -> (0, 0)>
#map1 = affine_map<(d0, d1) -> (0)>
#map2 = affine_map<(d0, d1) -> (0, 0, 0)>
module attributes {stable_mosaic.version = 14 : i64} {
  func.func @segsum(%arg0: i32, %arg1: i32, %arg2: memref<100000x128xf32, #tpu.memory_space<hbm>>, %arg3: memref<1605632xi32, #tpu.memory_space<hbm>>, %arg4: memref<1605632xi32, #tpu.memory_space<hbm>>, %arg5: memref<12544x128xf32, #tpu.memory_space<hbm>>, %arg6: memref<2x100352x128xf32, #tpu.memory_space<hbm>>, %arg7: memref<128xi32, #tpu.memory_space<vmem>>, %arg8: memref<128xi32, #tpu.memory_space<vmem>>, %arg9: memref<128xi32, #tpu.memory_space<vmem>>, %arg10: memref<128x128xf32, #tpu.memory_space<vmem>>, %arg11: memref<12544x128xf32, #tpu.memory_space<vmem_shared>>, %arg12: memref<!tpu.dma_semaphore, #tpu.memory_space<semaphore_mem>>) attributes {dimension_semantics = [#tpu.dimension_semantics<core_parallel>, #tpu.dimension_semantics<subcore_parallel>], iteration_bounds = array<i64: 2, 16>, scalar_prefetch = 0 : i64, scratch_operands = 6 : i64, tpu.core_type = #tpu.core_type<sc_vector_subcore>, window_params = [{transform_indices = #map}, {transform_indices = #map1}, {transform_indices = #map1}, {transform_indices = #map}, {transform_indices = #map2}]} {
    %mul3A = arith.constant 2 : i32
    %mul3A_0 = arith.muli %arg1, %mul3A : i32
    %add3A = arith.addi %mul3A_0, %arg0 : i32
    %scan3A = arith.constant 0 : i32
    %scan3A_1 = arith.constant 0 : i32
    %scan3A_2 = arith.constant 8 : i32
    %scan3A_3 = arith.addi %scan3A_1, %scan3A_2 : i32
    %scan3A_4 = arith.constant 1 : i32
    %scan3A_5 = scf.for %scan3A_7 = %scan3A_1 to %scan3A_3 step %scan3A_4 iter_args(%scan3A_8 = %scan3A) -> (i32)  : i32 {
      %mul3A_9 = arith.constant 12500 : i32
      %mul3A_10 = arith.muli %scan3A_7, %mul3A_9 : i32
      %mul3A_11 = arith.constant 784 : i32
      %mul3A_12 = arith.muli %arg1, %mul3A_11 : i32
      %mul3A_13 = arith.constant 784 : i32
      %mul3A_14 = arith.muli %arg1, %mul3A_13 : i32
      "tpu.region"() ({
        %run_scoped3A = tpu.sem_alloc : memref<!tpu.dma_semaphore, #tpu.memory_space<semaphore_mem>>
        %dma_start3A = arith.constant 0 : i32
        %dma_start3A_32 = tpu.memref_slice %arg11[%mul3A_14, %dma_start3A] : memref<12544x128xf32, #tpu.memory_space<vmem_shared>> -> memref<784x128xf32, #tpu.memory_space<vmem_shared>>
        %dma_start3A_33 = arith.constant 0 : i32
        %dma_start3A_34 = tpu.memref_slice %arg5[%mul3A_12, %dma_start3A_33] : memref<12544x128xf32, #tpu.memory_space<hbm>> -> memref<784x128xf32, #tpu.memory_space<hbm>>
        tpu.enqueue_dma source(%dma_start3A_34 : memref<784x128xf32, #tpu.memory_space<hbm>>) target(%dma_start3A_32 : memref<784x128xf32, #tpu.memory_space<vmem_shared>>) target_semaphore(%run_scoped3A : memref<!tpu.dma_semaphore, #tpu.memory_space<semaphore_mem>>)
        %dma_wait3A = arith.constant 0 : i32
        %dma_wait3A_35 = tpu.memref_slice %arg11[%mul3A_14, %dma_wait3A] : memref<12544x128xf32, #tpu.memory_space<vmem_shared>> -> memref<784x128xf32, #tpu.memory_space<vmem_shared>>
        %dma_wait3A_36 = arith.constant 0 : i32
        %dma_wait3A_37 = tpu.memref_slice %arg5[%mul3A_12, %dma_wait3A_36] : memref<12544x128xf32, #tpu.memory_space<hbm>> -> memref<784x128xf32, #tpu.memory_space<hbm>>
        tpu.wait_dma2 semaphore(%run_scoped3A : memref<!tpu.dma_semaphore, #tpu.memory_space<semaphore_mem>>) src(%dma_wait3A_37 : memref<784x128xf32, #tpu.memory_space<hbm>>) dst(%dma_wait3A_35 : memref<784x128xf32, #tpu.memory_space<vmem_shared>>)
        tpu.yield
      }) : () -> ()
      %barrier3A = arith.constant 0 : index
      tpu.barrier barrier_id(%barrier3A)
      %scan3A_15 = arith.constant 0 : i32
      %scan3A_16 = arith.constant 0 : i32
      %scan3A_17 = arith.constant 392 : i32
      %scan3A_18 = arith.addi %scan3A_16, %scan3A_17 : i32
      %scan3A_19 = arith.constant 1 : i32
      %scan3A_20 = scf.for %scan3A_32 = %scan3A_16 to %scan3A_18 step %scan3A_19 iter_args(%scan3A_33 = %scan3A_15) -> (i32)  : i32 {
        %mul3A_34 = arith.constant 50176 : i32
        %mul3A_35 = arith.muli %add3A, %mul3A_34 : i32
        %mul3A_36 = arith.constant 128 : i32
        %mul3A_37 = arith.muli %scan3A_32, %mul3A_36 : i32
        %add3A_38 = arith.addi %mul3A_35, %mul3A_37 : i32
        "tpu.region"() ({
          %run_scoped3A = tpu.sem_alloc : memref<!tpu.dma_semaphore, #tpu.memory_space<semaphore_mem>>
          %dma_start3A_187 = tpu.memref_slice %arg3[%add3A_38] : memref<1605632xi32, #tpu.memory_space<hbm>> -> memref<128xi32, #tpu.memory_space<hbm>>
          %dma_start3A_188 = tpu.memref_slice %arg3[%add3A_38] : memref<1605632xi32, #tpu.memory_space<hbm>> -> memref<128xi32, #tpu.memory_space<hbm>>
          tpu.enqueue_dma source(%dma_start3A_188 : memref<128xi32, #tpu.memory_space<hbm>>) target(%arg7 : memref<128xi32, #tpu.memory_space<vmem>>) target_semaphore(%run_scoped3A : memref<!tpu.dma_semaphore, #tpu.memory_space<semaphore_mem>>)
          %dma_wait3A_189 = tpu.memref_slice %arg3[%add3A_38] : memref<1605632xi32, #tpu.memory_space<hbm>> -> memref<128xi32, #tpu.memory_space<hbm>>
          %dma_wait3A_190 = tpu.memref_slice %arg3[%add3A_38] : memref<1605632xi32, #tpu.memory_space<hbm>> -> memref<128xi32, #tpu.memory_space<hbm>>
          tpu.wait_dma2 semaphore(%run_scoped3A : memref<!tpu.dma_semaphore, #tpu.memory_space<semaphore_mem>>) src(%dma_wait3A_190 : memref<128xi32, #tpu.memory_space<hbm>>) dst(%arg7 : memref<128xi32, #tpu.memory_space<vmem>>)
          tpu.yield
        }) : () -> ()
        "tpu.region"() ({
          %run_scoped3A = tpu.sem_alloc : memref<!tpu.dma_semaphore, #tpu.memory_space<semaphore_mem>>
          %dma_start3A_187 = tpu.memref_slice %arg4[%add3A_38] : memref<1605632xi32, #tpu.memory_space<hbm>> -> memref<128xi32, #tpu.memory_space<hbm>>
          %dma_start3A_188 = tpu.memref_slice %arg4[%add3A_38] : memref<1605632xi32, #tpu.memory_space<hbm>> -> memref<128xi32, #tpu.memory_space<hbm>>
          tpu.enqueue_dma source(%dma_start3A_188 : memref<128xi32, #tpu.memory_space<hbm>>) target(%arg8 : memref<128xi32, #tpu.memory_space<vmem>>) target_semaphore(%run_scoped3A : memref<!tpu.dma_semaphore, #tpu.memory_space<semaphore_mem>>)
          %dma_wait3A_189 = tpu.memref_slice %arg4[%add3A_38] : memref<1605632xi32, #tpu.memory_space<hbm>> -> memref<128xi32, #tpu.memory_space<hbm>>
          %dma_wait3A_190 = tpu.memref_slice %arg4[%add3A_38] : memref<1605632xi32, #tpu.memory_space<hbm>> -> memref<128xi32, #tpu.memory_space<hbm>>
          tpu.wait_dma2 semaphore(%run_scoped3A : memref<!tpu.dma_semaphore, #tpu.memory_space<semaphore_mem>>) src(%dma_wait3A_190 : memref<128xi32, #tpu.memory_space<hbm>>) dst(%arg8 : memref<128xi32, #tpu.memory_space<vmem>>)
          tpu.yield
        }) : () -> ()
        %get3A = arith.constant 0 : index
        %get3A_39 = tpu.vector_load %arg8[%get3A] {strides = array<i32>} : memref<128xi32, #tpu.memory_space<vmem>>, vector<16xi32>,
        %get3A_40 = vector.shape_cast %get3A_39 : vector<16xi32> to vector<16xi32>
        %ge3A = vector.broadcast %mul3A_10 : i32 to vector<16xi32>
        %ge3A_41 = arith.cmpi sge, %get3A_40, %ge3A : vector<16xi32>
        %add3A_42 = arith.constant 12500 : i32
        %add3A_43 = arith.addi %mul3A_10, %add3A_42 : i32
        %lt3A = vector.broadcast %add3A_43 : i32 to vector<16xi32>
        %lt3A_44 = arith.cmpi slt, %get3A_40, %lt3A : vector<16xi32>
        %and3A = arith.andi %ge3A_41, %lt3A_44 : vector<16xi1>
        %sub3A = vector.broadcast %mul3A_10 : i32 to vector<16xi32>
        %sub3A_45 = arith.subi %get3A_40, %sub3A : vector<16xi32>
        %jit3A = arith.constant 12500 : i32
        %broadcast_in_dim3A = vector.broadcast %jit3A : i32 to vector<16xi32>
        %select_n3A = arith.select %and3A, %sub3A_45, %broadcast_in_dim3A : vector<16xi1>, vector<16xi32>
        %swap3A = arith.constant 0 : index
        %swap3A_46 = tpu.vector_load %arg9[%swap3A] {strides = array<i32>} : memref<128xi32, #tpu.memory_space<vmem>>, vector<16xi32>,
        %swap3A_47 = vector.shape_cast %swap3A_46 : vector<16xi32> to vector<16xi32>
        %swap3A_48 = vector.shape_cast %select_n3A : vector<16xi32> to vector<16xi32>
        tpu.vector_store %arg9[%swap3A], %swap3A_48 {strides = array<i32>} : memref<128xi32, #tpu.memory_space<vmem>>, vector<16xi32>,
        %get3A_49 = arith.constant 16 : index
        %get3A_50 = tpu.vector_load %arg8[%get3A_49] {strides = array<i32>} : memref<128xi32, #tpu.memory_space<vmem>>, vector<16xi32>,
        %get3A_51 = vector.shape_cast %get3A_50 : vector<16xi32> to vector<16xi32>
        %ge3A_52 = vector.broadcast %mul3A_10 : i32 to vector<16xi32>
        %ge3A_53 = arith.cmpi sge, %get3A_51, %ge3A_52 : vector<16xi32>
        %add3A_54 = arith.constant 12500 : i32
        %add3A_55 = arith.addi %mul3A_10, %add3A_54 : i32
        %lt3A_56 = vector.broadcast %add3A_55 : i32 to vector<16xi32>
        %lt3A_57 = arith.cmpi slt, %get3A_51, %lt3A_56 : vector<16xi32>
        %and3A_58 = arith.andi %ge3A_53, %lt3A_57 : vector<16xi1>
        %sub3A_59 = vector.broadcast %mul3A_10 : i32 to vector<16xi32>
        %sub3A_60 = arith.subi %get3A_51, %sub3A_59 : vector<16xi32>
        %jit3A_61 = arith.constant 12500 : i32
        %broadcast_in_dim3A_62 = vector.broadcast %jit3A_61 : i32 to vector<16xi32>
        %select_n3A_63 = arith.select %and3A_58, %sub3A_60, %broadcast_in_dim3A_62 : vector<16xi1>, vector<16xi32>
        %swap3A_64 = arith.constant 16 : index
        %swap3A_65 = tpu.vector_load %arg9[%swap3A_64] {strides = array<i32>} : memref<128xi32, #tpu.memory_space<vmem>>, vector<16xi32>,
        %swap3A_66 = vector.shape_cast %swap3A_65 : vector<16xi32> to vector<16xi32>
        %swap3A_67 = vector.shape_cast %select_n3A_63 : vector<16xi32> to vector<16xi32>
        tpu.vector_store %arg9[%swap3A_64], %swap3A_67 {strides = array<i32>} : memref<128xi32, #tpu.memory_space<vmem>>, vector<16xi32>,
        %get3A_68 = arith.constant 32 : index
        %get3A_69 = tpu.vector_load %arg8[%get3A_68] {strides = array<i32>} : memref<128xi32, #tpu.memory_space<vmem>>, vector<16xi32>,
        %get3A_70 = vector.shape_cast %get3A_69 : vector<16xi32> to vector<16xi32>
        %ge3A_71 = vector.broadcast %mul3A_10 : i32 to vector<16xi32>
        %ge3A_72 = arith.cmpi sge, %get3A_70, %ge3A_71 : vector<16xi32>
        %add3A_73 = arith.constant 12500 : i32
        %add3A_74 = arith.addi %mul3A_10, %add3A_73 : i32
        %lt3A_75 = vector.broadcast %add3A_74 : i32 to vector<16xi32>
        %lt3A_76 = arith.cmpi slt, %get3A_70, %lt3A_75 : vector<16xi32>
        %and3A_77 = arith.andi %ge3A_72, %lt3A_76 : vector<16xi1>
        %sub3A_78 = vector.broadcast %mul3A_10 : i32 to vector<16xi32>
        %sub3A_79 = arith.subi %get3A_70, %sub3A_78 : vector<16xi32>
        %jit3A_80 = arith.constant 12500 : i32
        %broadcast_in_dim3A_81 = vector.broadcast %jit3A_80 : i32 to vector<16xi32>
        %select_n3A_82 = arith.select %and3A_77, %sub3A_79, %broadcast_in_dim3A_81 : vector<16xi1>, vector<16xi32>
        %swap3A_83 = arith.constant 32 : index
        %swap3A_84 = tpu.vector_load %arg9[%swap3A_83] {strides = array<i32>} : memref<128xi32, #tpu.memory_space<vmem>>, vector<16xi32>,
        %swap3A_85 = vector.shape_cast %swap3A_84 : vector<16xi32> to vector<16xi32>
        %swap3A_86 = vector.shape_cast %select_n3A_82 : vector<16xi32> to vector<16xi32>
        tpu.vector_store %arg9[%swap3A_83], %swap3A_86 {strides = array<i32>} : memref<128xi32, #tpu.memory_space<vmem>>, vector<16xi32>,
        %get3A_87 = arith.constant 48 : index
        %get3A_88 = tpu.vector_load %arg8[%get3A_87] {strides = array<i32>} : memref<128xi32, #tpu.memory_space<vmem>>, vector<16xi32>,
        %get3A_89 = vector.shape_cast %get3A_88 : vector<16xi32> to vector<16xi32>
        %ge3A_90 = vector.broadcast %mul3A_10 : i32 to vector<16xi32>
        %ge3A_91 = arith.cmpi sge, %get3A_89, %ge3A_90 : vector<16xi32>
        %add3A_92 = arith.constant 12500 : i32
        %add3A_93 = arith.addi %mul3A_10, %add3A_92 : i32
        %lt3A_94 = vector.broadcast %add3A_93 : i32 to vector<16xi32>
        %lt3A_95 = arith.cmpi slt, %get3A_89, %lt3A_94 : vector<16xi32>
        %and3A_96 = arith.andi %ge3A_91, %lt3A_95 : vector<16xi1>
        %sub3A_97 = vector.broadcast %mul3A_10 : i32 to vector<16xi32>
        %sub3A_98 = arith.subi %get3A_89, %sub3A_97 : vector<16xi32>
        %jit3A_99 = arith.constant 12500 : i32
        %broadcast_in_dim3A_100 = vector.broadcast %jit3A_99 : i32 to vector<16xi32>
        %select_n3A_101 = arith.select %and3A_96, %sub3A_98, %broadcast_in_dim3A_100 : vector<16xi1>, vector<16xi32>
        %swap3A_102 = arith.constant 48 : index
        %swap3A_103 = tpu.vector_load %arg9[%swap3A_102] {strides = array<i32>} : memref<128xi32, #tpu.memory_space<vmem>>, vector<16xi32>,
        %swap3A_104 = vector.shape_cast %swap3A_103 : vector<16xi32> to vector<16xi32>
        %swap3A_105 = vector.shape_cast %select_n3A_101 : vector<16xi32> to vector<16xi32>
        tpu.vector_store %arg9[%swap3A_102], %swap3A_105 {strides = array<i32>} : memref<128xi32, #tpu.memory_space<vmem>>, vector<16xi32>,
        %get3A_106 = arith.constant 64 : index
        %get3A_107 = tpu.vector_load %arg8[%get3A_106] {strides = array<i32>} : memref<128xi32, #tpu.memory_space<vmem>>, vector<16xi32>,
        %get3A_108 = vector.shape_cast %get3A_107 : vector<16xi32> to vector<16xi32>
        %ge3A_109 = vector.broadcast %mul3A_10 : i32 to vector<16xi32>
        %ge3A_110 = arith.cmpi sge, %get3A_108, %ge3A_109 : vector<16xi32>
        %add3A_111 = arith.constant 12500 : i32
        %add3A_112 = arith.addi %mul3A_10, %add3A_111 : i32
        %lt3A_113 = vector.broadcast %add3A_112 : i32 to vector<16xi32>
        %lt3A_114 = arith.cmpi slt, %get3A_108, %lt3A_113 : vector<16xi32>
        %and3A_115 = arith.andi %ge3A_110, %lt3A_114 : vector<16xi1>
        %sub3A_116 = vector.broadcast %mul3A_10 : i32 to vector<16xi32>
        %sub3A_117 = arith.subi %get3A_108, %sub3A_116 : vector<16xi32>
        %jit3A_118 = arith.constant 12500 : i32
        %broadcast_in_dim3A_119 = vector.broadcast %jit3A_118 : i32 to vector<16xi32>
        %select_n3A_120 = arith.select %and3A_115, %sub3A_117, %broadcast_in_dim3A_119 : vector<16xi1>, vector<16xi32>
        %swap3A_121 = arith.constant 64 : index
        %swap3A_122 = tpu.vector_load %arg9[%swap3A_121] {strides = array<i32>} : memref<128xi32, #tpu.memory_space<vmem>>, vector<16xi32>,
        %swap3A_123 = vector.shape_cast %swap3A_122 : vector<16xi32> to vector<16xi32>
        %swap3A_124 = vector.shape_cast %select_n3A_120 : vector<16xi32> to vector<16xi32>
        tpu.vector_store %arg9[%swap3A_121], %swap3A_124 {strides = array<i32>} : memref<128xi32, #tpu.memory_space<vmem>>, vector<16xi32>,
        %get3A_125 = arith.constant 80 : index
        %get3A_126 = tpu.vector_load %arg8[%get3A_125] {strides = array<i32>} : memref<128xi32, #tpu.memory_space<vmem>>, vector<16xi32>,
        %get3A_127 = vector.shape_cast %get3A_126 : vector<16xi32> to vector<16xi32>
        %ge3A_128 = vector.broadcast %mul3A_10 : i32 to vector<16xi32>
        %ge3A_129 = arith.cmpi sge, %get3A_127, %ge3A_128 : vector<16xi32>
        %add3A_130 = arith.constant 12500 : i32
        %add3A_131 = arith.addi %mul3A_10, %add3A_130 : i32
        %lt3A_132 = vector.broadcast %add3A_131 : i32 to vector<16xi32>
        %lt3A_133 = arith.cmpi slt, %get3A_127, %lt3A_132 : vector<16xi32>
        %and3A_134 = arith.andi %ge3A_129, %lt3A_133 : vector<16xi1>
        %sub3A_135 = vector.broadcast %mul3A_10 : i32 to vector<16xi32>
        %sub3A_136 = arith.subi %get3A_127, %sub3A_135 : vector<16xi32>
        %jit3A_137 = arith.constant 12500 : i32
        %broadcast_in_dim3A_138 = vector.broadcast %jit3A_137 : i32 to vector<16xi32>
        %select_n3A_139 = arith.select %and3A_134, %sub3A_136, %broadcast_in_dim3A_138 : vector<16xi1>, vector<16xi32>
        %swap3A_140 = arith.constant 80 : index
        %swap3A_141 = tpu.vector_load %arg9[%swap3A_140] {strides = array<i32>} : memref<128xi32, #tpu.memory_space<vmem>>, vector<16xi32>,
        %swap3A_142 = vector.shape_cast %swap3A_141 : vector<16xi32> to vector<16xi32>
        %swap3A_143 = vector.shape_cast %select_n3A_139 : vector<16xi32> to vector<16xi32>
        tpu.vector_store %arg9[%swap3A_140], %swap3A_143 {strides = array<i32>} : memref<128xi32, #tpu.memory_space<vmem>>, vector<16xi32>,
        %get3A_144 = arith.constant 96 : index
        %get3A_145 = tpu.vector_load %arg8[%get3A_144] {strides = array<i32>} : memref<128xi32, #tpu.memory_space<vmem>>, vector<16xi32>,
        %get3A_146 = vector.shape_cast %get3A_145 : vector<16xi32> to vector<16xi32>
        %ge3A_147 = vector.broadcast %mul3A_10 : i32 to vector<16xi32>
        %ge3A_148 = arith.cmpi sge, %get3A_146, %ge3A_147 : vector<16xi32>
        %add3A_149 = arith.constant 12500 : i32
        %add3A_150 = arith.addi %mul3A_10, %add3A_149 : i32
        %lt3A_151 = vector.broadcast %add3A_150 : i32 to vector<16xi32>
        %lt3A_152 = arith.cmpi slt, %get3A_146, %lt3A_151 : vector<16xi32>
        %and3A_153 = arith.andi %ge3A_148, %lt3A_152 : vector<16xi1>
        %sub3A_154 = vector.broadcast %mul3A_10 : i32 to vector<16xi32>
        %sub3A_155 = arith.subi %get3A_146, %sub3A_154 : vector<16xi32>
        %jit3A_156 = arith.constant 12500 : i32
        %broadcast_in_dim3A_157 = vector.broadcast %jit3A_156 : i32 to vector<16xi32>
        %select_n3A_158 = arith.select %and3A_153, %sub3A_155, %broadcast_in_dim3A_157 : vector<16xi1>, vector<16xi32>
        %swap3A_159 = arith.constant 96 : index
        %swap3A_160 = tpu.vector_load %arg9[%swap3A_159] {strides = array<i32>} : memref<128xi32, #tpu.memory_space<vmem>>, vector<16xi32>,
        %swap3A_161 = vector.shape_cast %swap3A_160 : vector<16xi32> to vector<16xi32>
        %swap3A_162 = vector.shape_cast %select_n3A_158 : vector<16xi32> to vector<16xi32>
        tpu.vector_store %arg9[%swap3A_159], %swap3A_162 {strides = array<i32>} : memref<128xi32, #tpu.memory_space<vmem>>, vector<16xi32>,
        %get3A_163 = arith.constant 112 : index
        %get3A_164 = tpu.vector_load %arg8[%get3A_163] {strides = array<i32>} : memref<128xi32, #tpu.memory_space<vmem>>, vector<16xi32>,
        %get3A_165 = vector.shape_cast %get3A_164 : vector<16xi32> to vector<16xi32>
        %ge3A_166 = vector.broadcast %mul3A_10 : i32 to vector<16xi32>
        %ge3A_167 = arith.cmpi sge, %get3A_165, %ge3A_166 : vector<16xi32>
        %add3A_168 = arith.constant 12500 : i32
        %add3A_169 = arith.addi %mul3A_10, %add3A_168 : i32
        %lt3A_170 = vector.broadcast %add3A_169 : i32 to vector<16xi32>
        %lt3A_171 = arith.cmpi slt, %get3A_165, %lt3A_170 : vector<16xi32>
        %and3A_172 = arith.andi %ge3A_167, %lt3A_171 : vector<16xi1>
        %sub3A_173 = vector.broadcast %mul3A_10 : i32 to vector<16xi32>
        %sub3A_174 = arith.subi %get3A_165, %sub3A_173 : vector<16xi32>
        %jit3A_175 = arith.constant 12500 : i32
        %broadcast_in_dim3A_176 = vector.broadcast %jit3A_175 : i32 to vector<16xi32>
        %select_n3A_177 = arith.select %and3A_172, %sub3A_174, %broadcast_in_dim3A_176 : vector<16xi1>, vector<16xi32>
        %swap3A_178 = arith.constant 112 : index
        %swap3A_179 = tpu.vector_load %arg9[%swap3A_178] {strides = array<i32>} : memref<128xi32, #tpu.memory_space<vmem>>, vector<16xi32>,
        %swap3A_180 = vector.shape_cast %swap3A_179 : vector<16xi32> to vector<16xi32>
        %swap3A_181 = vector.shape_cast %select_n3A_177 : vector<16xi32> to vector<16xi32>
        tpu.vector_store %arg9[%swap3A_178], %swap3A_181 {strides = array<i32>} : memref<128xi32, #tpu.memory_space<vmem>>, vector<16xi32>,
        %dma_start3A = arith.constant 0 : i32
        %dma_start3A_182 = arith.constant 0 : i32
        %dma_start3A_183 = tpu.memref_slice %arg2[%dma_start3A, %dma_start3A_182] : memref<100000x128xf32, #tpu.memory_space<hbm>> -> memref<100000x128xf32, #tpu.memory_space<hbm>>
        tpu.enqueue_indirect_dma source(%dma_start3A_183 : memref<100000x128xf32, #tpu.memory_space<hbm>>) target(%arg10 : memref<128x128xf32, #tpu.memory_space<vmem>>) offsets(%arg7 : memref<128xi32, #tpu.memory_space<vmem>>) semaphore(%arg12 : memref<!tpu.dma_semaphore, #tpu.memory_space<semaphore_mem>>)
        %dma_wait3A = arith.constant 0 : i32
        %dma_wait3A_184 = arith.constant 0 : i32
        %dma_wait3A_185 = tpu.memref_slice %arg2[%dma_wait3A, %dma_wait3A_184] : memref<100000x128xf32, #tpu.memory_space<hbm>> -> memref<100000x128xf32, #tpu.memory_space<hbm>>
        tpu.wait_indirect_dma semaphore(%arg12 : memref<!tpu.dma_semaphore, #tpu.memory_space<semaphore_mem>>) src(%dma_wait3A_185 : memref<100000x128xf32, #tpu.memory_space<hbm>>) dst(%arg10 : memref<128x128xf32, #tpu.memory_space<vmem>>)
        "tpu.region"() ({
          %run_scoped3A = tpu.sem_alloc : memref<!tpu.dma_semaphore, #tpu.memory_space<semaphore_mem>>
          %dma_start3A_187 = arith.constant 0 : i32
          %dma_start3A_188 = arith.constant 0 : i32
          %dma_start3A_189 = tpu.memref_slice %arg11[%dma_start3A_187, %dma_start3A_188] : memref<12544x128xf32, #tpu.memory_space<vmem_shared>> -> memref<12544x128xf32, #tpu.memory_space<vmem_shared>>
          tpu.enqueue_indirect_dma source(%arg10 : memref<128x128xf32, #tpu.memory_space<vmem>>) target(%dma_start3A_189 : memref<12544x128xf32, #tpu.memory_space<vmem_shared>>) offsets(%arg9 : memref<128xi32, #tpu.memory_space<vmem>>) semaphore(%run_scoped3A : memref<!tpu.dma_semaphore, #tpu.memory_space<semaphore_mem>>) {add = true}
          %dma_wait3A_190 = arith.constant 0 : i32
          %dma_wait3A_191 = arith.constant 0 : i32
          %dma_wait3A_192 = tpu.memref_slice %arg11[%dma_wait3A_190, %dma_wait3A_191] : memref<12544x128xf32, #tpu.memory_space<vmem_shared>> -> memref<12544x128xf32, #tpu.memory_space<vmem_shared>>
          tpu.wait_indirect_dma semaphore(%run_scoped3A : memref<!tpu.dma_semaphore, #tpu.memory_space<semaphore_mem>>) src(%arg10 : memref<128x128xf32, #tpu.memory_space<vmem>>) dst(%dma_wait3A_192 : memref<12544x128xf32, #tpu.memory_space<vmem_shared>>)
          tpu.yield
        }) : () -> ()
        %scan3A_186 = arith.constant 0 : i32
        scf.yield %scan3A_186 : i32
      }
      %scan3A_21 = arith.constant 392 : i32
      %barrier3A_22 = arith.constant 0 : index
      tpu.barrier barrier_id(%barrier3A_22)
      %mul3A_23 = arith.constant 784 : i32
      %mul3A_24 = arith.muli %arg1, %mul3A_23 : i32
      %mul3A_25 = arith.constant 12544 : i32
      %mul3A_26 = arith.muli %scan3A_7, %mul3A_25 : i32
      %mul3A_27 = arith.constant 784 : i32
      %mul3A_28 = arith.muli %arg1, %mul3A_27 : i32
      %add3A_29 = arith.addi %mul3A_26, %mul3A_28 : i32
      "tpu.region"() ({
        %run_scoped3A = tpu.sem_alloc : memref<!tpu.dma_semaphore, #tpu.memory_space<semaphore_mem>>
        %dma_start3A = arith.constant 0 : i32
        %dma_start3A_32 = arith.constant 0 : i32
        %dma_start3A_33 = tpu.memref_slice %arg6[%arg0, %dma_start3A, %dma_start3A_32] : memref<2x100352x128xf32, #tpu.memory_space<hbm>> -> memref<1x100352x128xf32, #tpu.memory_space<hbm>>
        %dma_start3A_34 = tpu.memref_squeeze %dma_start3A_33 : memref<1x100352x128xf32, #tpu.memory_space<hbm>> -> memref<100352x128xf32, #tpu.memory_space<hbm>>
        %dma_start3A_35 = arith.constant 0 : i32
        %dma_start3A_36 = tpu.memref_slice %dma_start3A_34[%add3A_29, %dma_start3A_35] : memref<100352x128xf32, #tpu.memory_space<hbm>> -> memref<784x128xf32, #tpu.memory_space<hbm>>
        %dma_start3A_37 = arith.constant 0 : i32
        %dma_start3A_38 = tpu.memref_slice %arg11[%mul3A_24, %dma_start3A_37] : memref<12544x128xf32, #tpu.memory_space<vmem_shared>> -> memref<784x128xf32, #tpu.memory_space<vmem_shared>>
        tpu.enqueue_dma source(%dma_start3A_38 : memref<784x128xf32, #tpu.memory_space<vmem_shared>>) target(%dma_start3A_36 : memref<784x128xf32, #tpu.memory_space<hbm>>) target_semaphore(%run_scoped3A : memref<!tpu.dma_semaphore, #tpu.memory_space<semaphore_mem>>)
        %dma_wait3A = arith.constant 0 : i32
        %dma_wait3A_39 = arith.constant 0 : i32
        %dma_wait3A_40 = tpu.memref_slice %arg6[%arg0, %dma_wait3A, %dma_wait3A_39] : memref<2x100352x128xf32, #tpu.memory_space<hbm>> -> memref<1x100352x128xf32, #tpu.memory_space<hbm>>
        %dma_wait3A_41 = tpu.memref_squeeze %dma_wait3A_40 : memref<1x100352x128xf32, #tpu.memory_space<hbm>> -> memref<100352x128xf32, #tpu.memory_space<hbm>>
        %dma_wait3A_42 = arith.constant 0 : i32
        %dma_wait3A_43 = tpu.memref_slice %dma_wait3A_41[%add3A_29, %dma_wait3A_42] : memref<100352x128xf32, #tpu.memory_space<hbm>> -> memref<784x128xf32, #tpu.memory_space<hbm>>
        %dma_wait3A_44 = arith.constant 0 : i32
        %dma_wait3A_45 = tpu.memref_slice %arg11[%mul3A_24, %dma_wait3A_44] : memref<12544x128xf32, #tpu.memory_space<vmem_shared>> -> memref<784x128xf32, #tpu.memory_space<vmem_shared>>
        tpu.wait_dma2 semaphore(%run_scoped3A : memref<!tpu.dma_semaphore, #tpu.memory_space<semaphore_mem>>) src(%dma_wait3A_45 : memref<784x128xf32, #tpu.memory_space<vmem_shared>>) dst(%dma_wait3A_43 : memref<784x128xf32, #tpu.memory_space<hbm>>)
        tpu.yield
      }) : () -> ()
      %barrier3A_30 = arith.constant 0 : index
      tpu.barrier barrier_id(%barrier3A_30)
      %scan3A_31 = arith.constant 0 : i32
      scf.yield %scan3A_31 : i32
    }
    %scan3A_6 = arith.constant 8 : i32
    return
  }
}

#map = affine_map<(d0, d1) -> (0, 0)>
#map1 = affine_map<(d0, d1) -> (0)>
#map2 = affine_map<(d0, d1) -> (0, 0, 0)>
module attributes {stable_mosaic.version = 14 : i64} {
  func.func @segsum(%arg0: i32, %arg1: i32, %arg2: memref<100000x128xf32, #tpu.memory_space<hbm>>, %arg3: memref<1605632xi32, #tpu.memory_space<hbm>>, %arg4: memref<1605632xi32, #tpu.memory_space<hbm>>, %arg5: memref<12544x128xf32, #tpu.memory_space<hbm>>, %arg6: memref<2x100352x128xf32, #tpu.memory_space<hbm>>, %arg7: memref<128xi32, #tpu.memory_space<vmem>>, %arg8: memref<128xi32, #tpu.memory_space<vmem>>, %arg9: memref<128xi32, #tpu.memory_space<vmem>>, %arg10: memref<128x128xf32, #tpu.memory_space<vmem>>, %arg11: memref<12544x128xf32, #tpu.memory_space<vmem_shared>>, %arg12: memref<!tpu.dma_semaphore, #tpu.memory_space<semaphore_mem>>) attributes {dimension_semantics = [#tpu.dimension_semantics<core_parallel>, #tpu.dimension_semantics<subcore_parallel>], iteration_bounds = array<i64: 2, 16>, scalar_prefetch = 0 : i64, scratch_operands = 6 : i64, tpu.core_type = #tpu.core_type<sc_vector_subcore>, window_params = [{transform_indices = #map}, {transform_indices = #map1}, {transform_indices = #map1}, {transform_indices = #map}, {transform_indices = #map2}]} {
    %mul3A = arith.constant 2 : i32
    %mul3A_0 = arith.muli %arg1, %mul3A : i32
    %add3A = arith.addi %mul3A_0, %arg0 : i32
    %scan3A = arith.constant 0 : i32
    %scan3A_1 = arith.constant 0 : i32
    %scan3A_2 = arith.constant 8 : i32
    %scan3A_3 = arith.addi %scan3A_1, %scan3A_2 : i32
    %scan3A_4 = arith.constant 1 : i32
    %scan3A_5 = scf.for %scan3A_7 = %scan3A_1 to %scan3A_3 step %scan3A_4 iter_args(%scan3A_8 = %scan3A) -> (i32)  : i32 {
      %mul3A_9 = arith.constant 12500 : i32
      %mul3A_10 = arith.muli %scan3A_7, %mul3A_9 : i32
      %mul3A_11 = arith.constant 784 : i32
      %mul3A_12 = arith.muli %arg1, %mul3A_11 : i32
      %mul3A_13 = arith.constant 784 : i32
      %mul3A_14 = arith.muli %arg1, %mul3A_13 : i32
      "tpu.region"() ({
        %run_scoped3A = tpu.sem_alloc : memref<!tpu.dma_semaphore, #tpu.memory_space<semaphore_mem>>
        %dma_start3A = arith.constant 0 : i32
        %dma_start3A_32 = tpu.memref_slice %arg11[%mul3A_14, %dma_start3A] : memref<12544x128xf32, #tpu.memory_space<vmem_shared>> -> memref<784x128xf32, #tpu.memory_space<vmem_shared>>
        %dma_start3A_33 = arith.constant 0 : i32
        %dma_start3A_34 = tpu.memref_slice %arg5[%mul3A_12, %dma_start3A_33] : memref<12544x128xf32, #tpu.memory_space<hbm>> -> memref<784x128xf32, #tpu.memory_space<hbm>>
        tpu.enqueue_dma source(%dma_start3A_34 : memref<784x128xf32, #tpu.memory_space<hbm>>) target(%dma_start3A_32 : memref<784x128xf32, #tpu.memory_space<vmem_shared>>) target_semaphore(%run_scoped3A : memref<!tpu.dma_semaphore, #tpu.memory_space<semaphore_mem>>)
        %dma_wait3A = arith.constant 0 : i32
        %dma_wait3A_35 = tpu.memref_slice %arg11[%mul3A_14, %dma_wait3A] : memref<12544x128xf32, #tpu.memory_space<vmem_shared>> -> memref<784x128xf32, #tpu.memory_space<vmem_shared>>
        %dma_wait3A_36 = arith.constant 0 : i32
        %dma_wait3A_37 = tpu.memref_slice %arg5[%mul3A_12, %dma_wait3A_36] : memref<12544x128xf32, #tpu.memory_space<hbm>> -> memref<784x128xf32, #tpu.memory_space<hbm>>
        tpu.wait_dma2 semaphore(%run_scoped3A : memref<!tpu.dma_semaphore, #tpu.memory_space<semaphore_mem>>) src(%dma_wait3A_37 : memref<784x128xf32, #tpu.memory_space<hbm>>) dst(%dma_wait3A_35 : memref<784x128xf32, #tpu.memory_space<vmem_shared>>)
        tpu.yield
      }) : () -> ()
      %barrier3A = arith.constant 0 : index
      tpu.barrier barrier_id(%barrier3A)
      %scan3A_15 = arith.constant 0 : i32
      %scan3A_16 = arith.constant 0 : i32
      %scan3A_17 = arith.constant 392 : i32
      %scan3A_18 = arith.addi %scan3A_16, %scan3A_17 : i32
      %scan3A_19 = arith.constant 1 : i32
      %scan3A_20 = scf.for %scan3A_32 = %scan3A_16 to %scan3A_18 step %scan3A_19 iter_args(%scan3A_33 = %scan3A_15) -> (i32)  : i32 {
        %mul3A_34 = arith.constant 50176 : i32
        %mul3A_35 = arith.muli %add3A, %mul3A_34 : i32
        %mul3A_36 = arith.constant 128 : i32
        %mul3A_37 = arith.muli %scan3A_32, %mul3A_36 : i32
        %add3A_38 = arith.addi %mul3A_35, %mul3A_37 : i32
        "tpu.region"() ({
          %run_scoped3A = tpu.sem_alloc : memref<!tpu.dma_semaphore, #tpu.memory_space<semaphore_mem>>
          %dma_start3A_187 = tpu.memref_slice %arg3[%add3A_38] : memref<1605632xi32, #tpu.memory_space<hbm>> -> memref<128xi32, #tpu.memory_space<hbm>>
          %dma_start3A_188 = tpu.memref_slice %arg3[%add3A_38] : memref<1605632xi32, #tpu.memory_space<hbm>> -> memref<128xi32, #tpu.memory_space<hbm>>
          tpu.enqueue_dma source(%dma_start3A_188 : memref<128xi32, #tpu.memory_space<hbm>>) target(%arg7 : memref<128xi32, #tpu.memory_space<vmem>>) target_semaphore(%run_scoped3A : memref<!tpu.dma_semaphore, #tpu.memory_space<semaphore_mem>>)
          %dma_wait3A_189 = tpu.memref_slice %arg3[%add3A_38] : memref<1605632xi32, #tpu.memory_space<hbm>> -> memref<128xi32, #tpu.memory_space<hbm>>
          %dma_wait3A_190 = tpu.memref_slice %arg3[%add3A_38] : memref<1605632xi32, #tpu.memory_space<hbm>> -> memref<128xi32, #tpu.memory_space<hbm>>
          tpu.wait_dma2 semaphore(%run_scoped3A : memref<!tpu.dma_semaphore, #tpu.memory_space<semaphore_mem>>) src(%dma_wait3A_190 : memref<128xi32, #tpu.memory_space<hbm>>) dst(%arg7 : memref<128xi32, #tpu.memory_space<vmem>>)
          tpu.yield
        }) : () -> ()
        "tpu.region"() ({
          %run_scoped3A = tpu.sem_alloc : memref<!tpu.dma_semaphore, #tpu.memory_space<semaphore_mem>>
          %dma_start3A_187 = tpu.memref_slice %arg4[%add3A_38] : memref<1605632xi32, #tpu.memory_space<hbm>> -> memref<128xi32, #tpu.memory_space<hbm>>
          %dma_start3A_188 = tpu.memref_slice %arg4[%add3A_38] : memref<1605632xi32, #tpu.memory_space<hbm>> -> memref<128xi32, #tpu.memory_space<hbm>>
          tpu.enqueue_dma source(%dma_start3A_188 : memref<128xi32, #tpu.memory_space<hbm>>) target(%arg8 : memref<128xi32, #tpu.memory_space<vmem>>) target_semaphore(%run_scoped3A : memref<!tpu.dma_semaphore, #tpu.memory_space<semaphore_mem>>)
          %dma_wait3A_189 = tpu.memref_slice %arg4[%add3A_38] : memref<1605632xi32, #tpu.memory_space<hbm>> -> memref<128xi32, #tpu.memory_space<hbm>>
          %dma_wait3A_190 = tpu.memref_slice %arg4[%add3A_38] : memref<1605632xi32, #tpu.memory_space<hbm>> -> memref<128xi32, #tpu.memory_space<hbm>>
          tpu.wait_dma2 semaphore(%run_scoped3A : memref<!tpu.dma_semaphore, #tpu.memory_space<semaphore_mem>>) src(%dma_wait3A_190 : memref<128xi32, #tpu.memory_space<hbm>>) dst(%arg8 : memref<128xi32, #tpu.memory_space<vmem>>)
          tpu.yield
        }) : () -> ()
        %get3A = arith.constant 0 : index
        %get3A_39 = tpu.vector_load %arg8[%get3A] {strides = array<i32>} : memref<128xi32, #tpu.memory_space<vmem>>, vector<16xi32>,
        %get3A_40 = vector.shape_cast %get3A_39 : vector<16xi32> to vector<16xi32>
        %ge3A = vector.broadcast %mul3A_10 : i32 to vector<16xi32>
        %ge3A_41 = arith.cmpi sge, %get3A_40, %ge3A : vector<16xi32>
        %add3A_42 = arith.constant 12500 : i32
        %add3A_43 = arith.addi %mul3A_10, %add3A_42 : i32
        %lt3A = vector.broadcast %add3A_43 : i32 to vector<16xi32>
        %lt3A_44 = arith.cmpi slt, %get3A_40, %lt3A : vector<16xi32>
        %and3A = arith.andi %ge3A_41, %lt3A_44 : vector<16xi1>
        %sub3A = vector.broadcast %mul3A_10 : i32 to vector<16xi32>
        %sub3A_45 = arith.subi %get3A_40, %sub3A : vector<16xi32>
        %jit3A = arith.constant 12500 : i32
        %broadcast_in_dim3A = vector.broadcast %jit3A : i32 to vector<16xi32>
        %select_n3A = arith.select %and3A, %sub3A_45, %broadcast_in_dim3A : vector<16xi1>, vector<16xi32>
        %swap3A = arith.constant 0 : index
        %swap3A_46 = tpu.vector_load %arg9[%swap3A] {strides = array<i32>} : memref<128xi32, #tpu.memory_space<vmem>>, vector<16xi32>,
        %swap3A_47 = vector.shape_cast %swap3A_46 : vector<16xi32> to vector<16xi32>
        %swap3A_48 = vector.shape_cast %select_n3A : vector<16xi32> to vector<16xi32>
        tpu.vector_store %arg9[%swap3A], %swap3A_48 {strides = array<i32>} : memref<128xi32, #tpu.memory_space<vmem>>, vector<16xi32>,
        %get3A_49 = arith.constant 16 : index
        %get3A_50 = tpu.vector_load %arg8[%get3A_49] {strides = array<i32>} : memref<128xi32, #tpu.memory_space<vmem>>, vector<16xi32>,
        %get3A_51 = vector.shape_cast %get3A_50 : vector<16xi32> to vector<16xi32>
        %ge3A_52 = vector.broadcast %mul3A_10 : i32 to vector<16xi32>
        %ge3A_53 = arith.cmpi sge, %get3A_51, %ge3A_52 : vector<16xi32>
        %add3A_54 = arith.constant 12500 : i32
        %add3A_55 = arith.addi %mul3A_10, %add3A_54 : i32
        %lt3A_56 = vector.broadcast %add3A_55 : i32 to vector<16xi32>
        %lt3A_57 = arith.cmpi slt, %get3A_51, %lt3A_56 : vector<16xi32>
        %and3A_58 = arith.andi %ge3A_53, %lt3A_57 : vector<16xi1>
        %sub3A_59 = vector.broadcast %mul3A_10 : i32 to vector<16xi32>
        %sub3A_60 = arith.subi %get3A_51, %sub3A_59 : vector<16xi32>
        %jit3A_61 = arith.constant 12500 : i32
        %broadcast_in_dim3A_62 = vector.broadcast %jit3A_61 : i32 to vector<16xi32>
        %select_n3A_63 = arith.select %and3A_58, %sub3A_60, %broadcast_in_dim3A_62 : vector<16xi1>, vector<16xi32>
        %swap3A_64 = arith.constant 16 : index
        %swap3A_65 = tpu.vector_load %arg9[%swap3A_64] {strides = array<i32>} : memref<128xi32, #tpu.memory_space<vmem>>, vector<16xi32>,
        %swap3A_66 = vector.shape_cast %swap3A_65 : vector<16xi32> to vector<16xi32>
        %swap3A_67 = vector.shape_cast %select_n3A_63 : vector<16xi32> to vector<16xi32>
        tpu.vector_store %arg9[%swap3A_64], %swap3A_67 {strides = array<i32>} : memref<128xi32, #tpu.memory_space<vmem>>, vector<16xi32>,
        %get3A_68 = arith.constant 32 : index
        %get3A_69 = tpu.vector_load %arg8[%get3A_68] {strides = array<i32>} : memref<128xi32, #tpu.memory_space<vmem>>, vector<16xi32>,
        %get3A_70 = vector.shape_cast %get3A_69 : vector<16xi32> to vector<16xi32>
        %ge3A_71 = vector.broadcast %mul3A_10 : i32 to vector<16xi32>
        %ge3A_72 = arith.cmpi sge, %get3A_70, %ge3A_71 : vector<16xi32>
        %add3A_73 = arith.constant 12500 : i32
        %add3A_74 = arith.addi %mul3A_10, %add3A_73 : i32
        %lt3A_75 = vector.broadcast %add3A_74 : i32 to vector<16xi32>
        %lt3A_76 = arith.cmpi slt, %get3A_70, %lt3A_75 : vector<16xi32>
        %and3A_77 = arith.andi %ge3A_72, %lt3A_76 : vector<16xi1>
        %sub3A_78 = vector.broadcast %mul3A_10 : i32 to vector<16xi32>
        %sub3A_79 = arith.subi %get3A_70, %sub3A_78 : vector<16xi32>
        %jit3A_80 = arith.constant 12500 : i32
        %broadcast_in_dim3A_81 = vector.broadcast %jit3A_80 : i32 to vector<16xi32>
        %select_n3A_82 = arith.select %and3A_77, %sub3A_79, %broadcast_in_dim3A_81 : vector<16xi1>, vector<16xi32>
        %swap3A_83 = arith.constant 32 : index
        %swap3A_84 = tpu.vector_load %arg9[%swap3A_83] {strides = array<i32>} : memref<128xi32, #tpu.memory_space<vmem>>, vector<16xi32>,
        %swap3A_85 = vector.shape_cast %swap3A_84 : vector<16xi32> to vector<16xi32>
        %swap3A_86 = vector.shape_cast %select_n3A_82 : vector<16xi32> to vector<16xi32>
        tpu.vector_store %arg9[%swap3A_83], %swap3A_86 {strides = array<i32>} : memref<128xi32, #tpu.memory_space<vmem>>, vector<16xi32>,
        %get3A_87 = arith.constant 48 : index
        %get3A_88 = tpu.vector_load %arg8[%get3A_87] {strides = array<i32>} : memref<128xi32, #tpu.memory_space<vmem>>, vector<16xi32>,
        %get3A_89 = vector.shape_cast %get3A_88 : vector<16xi32> to vector<16xi32>
        %ge3A_90 = vector.broadcast %mul3A_10 : i32 to vector<16xi32>
        %ge3A_91 = arith.cmpi sge, %get3A_89, %ge3A_90 : vector<16xi32>
        %add3A_92 = arith.constant 12500 : i32
        %add3A_93 = arith.addi %mul3A_10, %add3A_92 : i32
        %lt3A_94 = vector.broadcast %add3A_93 : i32 to vector<16xi32>
        %lt3A_95 = arith.cmpi slt, %get3A_89, %lt3A_94 : vector<16xi32>
        %and3A_96 = arith.andi %ge3A_91, %lt3A_95 : vector<16xi1>
        %sub3A_97 = vector.broadcast %mul3A_10 : i32 to vector<16xi32>
        %sub3A_98 = arith.subi %get3A_89, %sub3A_97 : vector<16xi32>
        %jit3A_99 = arith.constant 12500 : i32
        %broadcast_in_dim3A_100 = vector.broadcast %jit3A_99 : i32 to vector<16xi32>
        %select_n3A_101 = arith.select %and3A_96, %sub3A_98, %broadcast_in_dim3A_100 : vector<16xi1>, vector<16xi32>
        %swap3A_102 = arith.constant 48 : index
        %swap3A_103 = tpu.vector_load %arg9[%swap3A_102] {strides = array<i32>} : memref<128xi32, #tpu.memory_space<vmem>>, vector<16xi32>,
        %swap3A_104 = vector.shape_cast %swap3A_103 : vector<16xi32> to vector<16xi32>
        %swap3A_105 = vector.shape_cast %select_n3A_101 : vector<16xi32> to vector<16xi32>
        tpu.vector_store %arg9[%swap3A_102], %swap3A_105 {strides = array<i32>} : memref<128xi32, #tpu.memory_space<vmem>>, vector<16xi32>,
        %get3A_106 = arith.constant 64 : index
        %get3A_107 = tpu.vector_load %arg8[%get3A_106] {strides = array<i32>} : memref<128xi32, #tpu.memory_space<vmem>>, vector<16xi32>,
        %get3A_108 = vector.shape_cast %get3A_107 : vector<16xi32> to vector<16xi32>
        %ge3A_109 = vector.broadcast %mul3A_10 : i32 to vector<16xi32>
        %ge3A_110 = arith.cmpi sge, %get3A_108, %ge3A_109 : vector<16xi32>
        %add3A_111 = arith.constant 12500 : i32
        %add3A_112 = arith.addi %mul3A_10, %add3A_111 : i32
        %lt3A_113 = vector.broadcast %add3A_112 : i32 to vector<16xi32>
        %lt3A_114 = arith.cmpi slt, %get3A_108, %lt3A_113 : vector<16xi32>
        %and3A_115 = arith.andi %ge3A_110, %lt3A_114 : vector<16xi1>
        %sub3A_116 = vector.broadcast %mul3A_10 : i32 to vector<16xi32>
        %sub3A_117 = arith.subi %get3A_108, %sub3A_116 : vector<16xi32>
        %jit3A_118 = arith.constant 12500 : i32
        %broadcast_in_dim3A_119 = vector.broadcast %jit3A_118 : i32 to vector<16xi32>
        %select_n3A_120 = arith.select %and3A_115, %sub3A_117, %broadcast_in_dim3A_119 : vector<16xi1>, vector<16xi32>
        %swap3A_121 = arith.constant 64 : index
        %swap3A_122 = tpu.vector_load %arg9[%swap3A_121] {strides = array<i32>} : memref<128xi32, #tpu.memory_space<vmem>>, vector<16xi32>,
        %swap3A_123 = vector.shape_cast %swap3A_122 : vector<16xi32> to vector<16xi32>
        %swap3A_124 = vector.shape_cast %select_n3A_120 : vector<16xi32> to vector<16xi32>
        tpu.vector_store %arg9[%swap3A_121], %swap3A_124 {strides = array<i32>} : memref<128xi32, #tpu.memory_space<vmem>>, vector<16xi32>,
        %get3A_125 = arith.constant 80 : index
        %get3A_126 = tpu.vector_load %arg8[%get3A_125] {strides = array<i32>} : memref<128xi32, #tpu.memory_space<vmem>>, vector<16xi32>,
        %get3A_127 = vector.shape_cast %get3A_126 : vector<16xi32> to vector<16xi32>
        %ge3A_128 = vector.broadcast %mul3A_10 : i32 to vector<16xi32>
        %ge3A_129 = arith.cmpi sge, %get3A_127, %ge3A_128 : vector<16xi32>
        %add3A_130 = arith.constant 12500 : i32
        %add3A_131 = arith.addi %mul3A_10, %add3A_130 : i32
        %lt3A_132 = vector.broadcast %add3A_131 : i32 to vector<16xi32>
        %lt3A_133 = arith.cmpi slt, %get3A_127, %lt3A_132 : vector<16xi32>
        %and3A_134 = arith.andi %ge3A_129, %lt3A_133 : vector<16xi1>
        %sub3A_135 = vector.broadcast %mul3A_10 : i32 to vector<16xi32>
        %sub3A_136 = arith.subi %get3A_127, %sub3A_135 : vector<16xi32>
        %jit3A_137 = arith.constant 12500 : i32
        %broadcast_in_dim3A_138 = vector.broadcast %jit3A_137 : i32 to vector<16xi32>
        %select_n3A_139 = arith.select %and3A_134, %sub3A_136, %broadcast_in_dim3A_138 : vector<16xi1>, vector<16xi32>
        %swap3A_140 = arith.constant 80 : index
        %swap3A_141 = tpu.vector_load %arg9[%swap3A_140] {strides = array<i32>} : memref<128xi32, #tpu.memory_space<vmem>>, vector<16xi32>,
        %swap3A_142 = vector.shape_cast %swap3A_141 : vector<16xi32> to vector<16xi32>
        %swap3A_143 = vector.shape_cast %select_n3A_139 : vector<16xi32> to vector<16xi32>
        tpu.vector_store %arg9[%swap3A_140], %swap3A_143 {strides = array<i32>} : memref<128xi32, #tpu.memory_space<vmem>>, vector<16xi32>,
        %get3A_144 = arith.constant 96 : index
        %get3A_145 = tpu.vector_load %arg8[%get3A_144] {strides = array<i32>} : memref<128xi32, #tpu.memory_space<vmem>>, vector<16xi32>,
        %get3A_146 = vector.shape_cast %get3A_145 : vector<16xi32> to vector<16xi32>
        %ge3A_147 = vector.broadcast %mul3A_10 : i32 to vector<16xi32>
        %ge3A_148 = arith.cmpi sge, %get3A_146, %ge3A_147 : vector<16xi32>
        %add3A_149 = arith.constant 12500 : i32
        %add3A_150 = arith.addi %mul3A_10, %add3A_149 : i32
        %lt3A_151 = vector.broadcast %add3A_150 : i32 to vector<16xi32>
        %lt3A_152 = arith.cmpi slt, %get3A_146, %lt3A_151 : vector<16xi32>
        %and3A_153 = arith.andi %ge3A_148, %lt3A_152 : vector<16xi1>
        %sub3A_154 = vector.broadcast %mul3A_10 : i32 to vector<16xi32>
        %sub3A_155 = arith.subi %get3A_146, %sub3A_154 : vector<16xi32>
        %jit3A_156 = arith.constant 12500 : i32
        %broadcast_in_dim3A_157 = vector.broadcast %jit3A_156 : i32 to vector<16xi32>
        %select_n3A_158 = arith.select %and3A_153, %sub3A_155, %broadcast_in_dim3A_157 : vector<16xi1>, vector<16xi32>
        %swap3A_159 = arith.constant 96 : index
        %swap3A_160 = tpu.vector_load %arg9[%swap3A_159] {strides = array<i32>} : memref<128xi32, #tpu.memory_space<vmem>>, vector<16xi32>,
        %swap3A_161 = vector.shape_cast %swap3A_160 : vector<16xi32> to vector<16xi32>
        %swap3A_162 = vector.shape_cast %select_n3A_158 : vector<16xi32> to vector<16xi32>
        tpu.vector_store %arg9[%swap3A_159], %swap3A_162 {strides = array<i32>} : memref<128xi32, #tpu.memory_space<vmem>>, vector<16xi32>,
        %get3A_163 = arith.constant 112 : index
        %get3A_164 = tpu.vector_load %arg8[%get3A_163] {strides = array<i32>} : memref<128xi32, #tpu.memory_space<vmem>>, vector<16xi32>,
        %get3A_165 = vector.shape_cast %get3A_164 : vector<16xi32> to vector<16xi32>
        %ge3A_166 = vector.broadcast %mul3A_10 : i32 to vector<16xi32>
        %ge3A_167 = arith.cmpi sge, %get3A_165, %ge3A_166 : vector<16xi32>
        %add3A_168 = arith.constant 12500 : i32
        %add3A_169 = arith.addi %mul3A_10, %add3A_168 : i32
        %lt3A_170 = vector.broadcast %add3A_169 : i32 to vector<16xi32>
        %lt3A_171 = arith.cmpi slt, %get3A_165, %lt3A_170 : vector<16xi32>
        %and3A_172 = arith.andi %ge3A_167, %lt3A_171 : vector<16xi1>
        %sub3A_173 = vector.broadcast %mul3A_10 : i32 to vector<16xi32>
        %sub3A_174 = arith.subi %get3A_165, %sub3A_173 : vector<16xi32>
        %jit3A_175 = arith.constant 12500 : i32
        %broadcast_in_dim3A_176 = vector.broadcast %jit3A_175 : i32 to vector<16xi32>
        %select_n3A_177 = arith.select %and3A_172, %sub3A_174, %broadcast_in_dim3A_176 : vector<16xi1>, vector<16xi32>
        %swap3A_178 = arith.constant 112 : index
        %swap3A_179 = tpu.vector_load %arg9[%swap3A_178] {strides = array<i32>} : memref<128xi32, #tpu.memory_space<vmem>>, vector<16xi32>,
        %swap3A_180 = vector.shape_cast %swap3A_179 : vector<16xi32> to vector<16xi32>
        %swap3A_181 = vector.shape_cast %select_n3A_177 : vector<16xi32> to vector<16xi32>
        tpu.vector_store %arg9[%swap3A_178], %swap3A_181 {strides = array<i32>} : memref<128xi32, #tpu.memory_space<vmem>>, vector<16xi32>,
        %dma_start3A = arith.constant 0 : i32
        %dma_start3A_182 = arith.constant 0 : i32
        %dma_start3A_183 = tpu.memref_slice %arg2[%dma_start3A, %dma_start3A_182] : memref<100000x128xf32, #tpu.memory_space<hbm>> -> memref<100000x128xf32, #tpu.memory_space<hbm>>
        tpu.enqueue_indirect_dma source(%dma_start3A_183 : memref<100000x128xf32, #tpu.memory_space<hbm>>) target(%arg10 : memref<128x128xf32, #tpu.memory_space<vmem>>) offsets(%arg7 : memref<128xi32, #tpu.memory_space<vmem>>) semaphore(%arg12 : memref<!tpu.dma_semaphore, #tpu.memory_space<semaphore_mem>>)
        %dma_wait3A = arith.constant 0 : i32
        %dma_wait3A_184 = arith.constant 0 : i32
        %dma_wait3A_185 = tpu.memref_slice %arg2[%dma_wait3A, %dma_wait3A_184] : memref<100000x128xf32, #tpu.memory_space<hbm>> -> memref<100000x128xf32, #tpu.memory_space<hbm>>
        tpu.wait_indirect_dma semaphore(%arg12 : memref<!tpu.dma_semaphore, #tpu.memory_space<semaphore_mem>>) src(%dma_wait3A_185 : memref<100000x128xf32, #tpu.memory_space<hbm>>) dst(%arg10 : memref<128x128xf32, #tpu.memory_space<vmem>>)
        "tpu.region"() ({
          %run_scoped3A = tpu.sem_alloc : memref<!tpu.dma_semaphore, #tpu.memory_space<semaphore_mem>>
          %dma_start3A_187 = arith.constant 0 : i32
          %dma_start3A_188 = arith.constant 0 : i32
          %dma_start3A_189 = tpu.memref_slice %arg11[%dma_start3A_187, %dma_start3A_188] : memref<12544x128xf32, #tpu.memory_space<vmem_shared>> -> memref<12544x128xf32, #tpu.memory_space<vmem_shared>>
          tpu.enqueue_indirect_dma source(%arg10 : memref<128x128xf32, #tpu.memory_space<vmem>>) target(%dma_start3A_189 : memref<12544x128xf32, #tpu.memory_space<vmem_shared>>) offsets(%arg9 : memref<128xi32, #tpu.memory_space<vmem>>) semaphore(%run_scoped3A : memref<!tpu.dma_semaphore, #tpu.memory_space<semaphore_mem>>) {add = true}
          %dma_wait3A_190 = arith.constant 0 : i32
          %dma_wait3A_191 = arith.constant 0 : i32
          %dma_wait3A_192 = tpu.memref_slice %arg11[%dma_wait3A_190, %dma_wait3A_191] : memref<12544x128xf32, #tpu.memory_space<vmem_shared>> -> memref<12544x128xf32, #tpu.memory_space<vmem_shared>>
          tpu.wait_indirect_dma semaphore(%run_scoped3A : memref<!tpu.dma_semaphore, #tpu.memory_space<semaphore_mem>>) src(%arg10 : memref<128x128xf32, #tpu.memory_space<vmem>>) dst(%dma_wait3A_192 : memref<12544x128xf32, #tpu.memory_space<vmem_shared>>)
          tpu.yield
        }) : () -> ()
        %scan3A_186 = arith.constant 0 : i32
        scf.yield %scan3A_186 : i32
      }
      %scan3A_21 = arith.constant 392 : i32
      %barrier3A_22 = arith.constant 0 : index
      tpu.barrier barrier_id(%barrier3A_22)
      %mul3A_23 = arith.constant 784 : i32
      %mul3A_24 = arith.muli %arg1, %mul3A_23 : i32
      %mul3A_25 = arith.constant 12544 : i32
      %mul3A_26 = arith.muli %scan3A_7, %mul3A_25 : i32
      %mul3A_27 = arith.constant 784 : i32
      %mul3A_28 = arith.muli %arg1, %mul3A_27 : i32
      %add3A_29 = arith.addi %mul3A_26, %mul3A_28 : i32
      "tpu.region"() ({
        %run_scoped3A = tpu.sem_alloc : memref<!tpu.dma_semaphore, #tpu.memory_space<semaphore_mem>>
        %dma_start3A = arith.constant 0 : i32
        %dma_start3A_32 = arith.constant 0 : i32
        %dma_start3A_33 = tpu.memref_slice %arg6[%arg0, %dma_start3A, %dma_start3A_32] : memref<2x100352x128xf32, #tpu.memory_space<hbm>> -> memref<1x100352x128xf32, #tpu.memory_space<hbm>>
        %dma_start3A_34 = tpu.memref_squeeze %dma_start3A_33 : memref<1x100352x128xf32, #tpu.memory_space<hbm>> -> memref<100352x128xf32, #tpu.memory_space<hbm>>
        %dma_start3A_35 = arith.constant 0 : i32
        %dma_start3A_36 = tpu.memref_slice %dma_start3A_34[%add3A_29, %dma_start3A_35] : memref<100352x128xf32, #tpu.memory_space<hbm>> -> memref<784x128xf32, #tpu.memory_space<hbm>>
        %dma_start3A_37 = arith.constant 0 : i32
        %dma_start3A_38 = tpu.memref_slice %arg11[%mul3A_24, %dma_start3A_37] : memref<12544x128xf32, #tpu.memory_space<vmem_shared>> -> memref<784x128xf32, #tpu.memory_space<vmem_shared>>
        tpu.enqueue_dma source(%dma_start3A_38 : memref<784x128xf32, #tpu.memory_space<vmem_shared>>) target(%dma_start3A_36 : memref<784x128xf32, #tpu.memory_space<hbm>>) target_semaphore(%run_scoped3A : memref<!tpu.dma_semaphore, #tpu.memory_space<semaphore_mem>>)
        %dma_wait3A = arith.constant 0 : i32
        %dma_wait3A_39 = arith.constant 0 : i32
        %dma_wait3A_40 = tpu.memref_slice %arg6[%arg0, %dma_wait3A, %dma_wait3A_39] : memref<2x100352x128xf32, #tpu.memory_space<hbm>> -> memref<1x100352x128xf32, #tpu.memory_space<hbm>>
        %dma_wait3A_41 = tpu.memref_squeeze %dma_wait3A_40 : memref<1x100352x128xf32, #tpu.memory_space<hbm>> -> memref<100352x128xf32, #tpu.memory_space<hbm>>
        %dma_wait3A_42 = arith.constant 0 : i32
        %dma_wait3A_43 = tpu.memref_slice %dma_wait3A_41[%add3A_29, %dma_wait3A_42] : memref<100352x128xf32, #tpu.memory_space<hbm>> -> memref<784x128xf32, #tpu.memory_space<hbm>>
        %dma_wait3A_44 = arith.constant 0 : i32
        %dma_wait3A_45 = tpu.memref_slice %arg11[%mul3A_24, %dma_wait3A_44] : memref<12544x128xf32, #tpu.memory_space<vmem_shared>> -> memref<784x128xf32, #tpu.memory_space<vmem_shared>>
        tpu.wait_dma2 semaphore(%run_scoped3A : memref<!tpu.dma_semaphore, #tpu.memory_space<semaphore_mem>>) src(%dma_wait3A_45 : memref<784x128xf32, #tpu.memory_space<vmem_shared>>) dst(%dma_wait3A_43 : memref<784x128xf32, #tpu.memory_space<hbm>>)
        tpu.yield
      }) : () -> ()
      %barrier3A_30 = arith.constant 0 : index
      tpu.barrier barrier_id(%barrier3A_30)
      %scan3A_31 = arith.constant 0 : i32
      scf.yield %scan3A_31 : i32
    }
    %scan3A_6 = arith.constant 8 : i32
    return
  }
}

#map = affine_map<(d0, d1) -> (0, 0)>
#map1 = affine_map<(d0, d1) -> (0)>
module attributes {stable_mosaic.version = 14 : i64} {
  func.func @pairgather(%arg0: i32, %arg1: i32, %arg2: memref<100000x128xf32, #tpu.memory_space<hbm>>, %arg3: memref<8192xi32, #tpu.memory_space<hbm>>, %arg4: memref<8192x128xf32, #tpu.memory_space<hbm>>, %arg5: memref<256xi32, #tpu.memory_space<vmem>>, %arg6: memref<256x128xf32, #tpu.memory_space<vmem>>, %arg7: memref<!tpu.dma_semaphore, #tpu.memory_space<semaphore_mem>>) attributes {dimension_semantics = [#tpu.dimension_semantics<core_parallel>, #tpu.dimension_semantics<subcore_parallel>], iteration_bounds = array<i64: 2, 16>, scalar_prefetch = 0 : i64, scratch_operands = 3 : i64, tpu.core_type = #tpu.core_type<sc_vector_subcore>, window_params = [{transform_indices = #map}, {transform_indices = #map1}, {transform_indices = #map}]} {
    %mul3A = arith.constant 2 : i32
    %mul3A_0 = arith.muli %arg1, %mul3A : i32
    %add3A = arith.addi %mul3A_0, %arg0 : i32
    %mul3A_1 = arith.constant 256 : i32
    %mul3A_2 = arith.muli %add3A, %mul3A_1 : i32
    "tpu.region"() ({
      %run_scoped3A = tpu.sem_alloc : memref<!tpu.dma_semaphore, #tpu.memory_space<semaphore_mem>>
      %dma_start3A_7 = tpu.memref_slice %arg3[%mul3A_2] : memref<8192xi32, #tpu.memory_space<hbm>> -> memref<256xi32, #tpu.memory_space<hbm>>
      %dma_start3A_8 = tpu.memref_slice %arg3[%mul3A_2] : memref<8192xi32, #tpu.memory_space<hbm>> -> memref<256xi32, #tpu.memory_space<hbm>>
      tpu.enqueue_dma source(%dma_start3A_8 : memref<256xi32, #tpu.memory_space<hbm>>) target(%arg5 : memref<256xi32, #tpu.memory_space<vmem>>) target_semaphore(%run_scoped3A : memref<!tpu.dma_semaphore, #tpu.memory_space<semaphore_mem>>)
      %dma_wait3A_9 = tpu.memref_slice %arg3[%mul3A_2] : memref<8192xi32, #tpu.memory_space<hbm>> -> memref<256xi32, #tpu.memory_space<hbm>>
      %dma_wait3A_10 = tpu.memref_slice %arg3[%mul3A_2] : memref<8192xi32, #tpu.memory_space<hbm>> -> memref<256xi32, #tpu.memory_space<hbm>>
      tpu.wait_dma2 semaphore(%run_scoped3A : memref<!tpu.dma_semaphore, #tpu.memory_space<semaphore_mem>>) src(%dma_wait3A_10 : memref<256xi32, #tpu.memory_space<hbm>>) dst(%arg5 : memref<256xi32, #tpu.memory_space<vmem>>)
      tpu.yield
    }) : () -> ()
    %dma_start3A = arith.constant 0 : i32
    %dma_start3A_3 = arith.constant 0 : i32
    %dma_start3A_4 = tpu.memref_slice %arg2[%dma_start3A, %dma_start3A_3] : memref<100000x128xf32, #tpu.memory_space<hbm>> -> memref<100000x128xf32, #tpu.memory_space<hbm>>
    tpu.enqueue_indirect_dma source(%dma_start3A_4 : memref<100000x128xf32, #tpu.memory_space<hbm>>) target(%arg6 : memref<256x128xf32, #tpu.memory_space<vmem>>) offsets(%arg5 : memref<256xi32, #tpu.memory_space<vmem>>) semaphore(%arg7 : memref<!tpu.dma_semaphore, #tpu.memory_space<semaphore_mem>>)
    %dma_wait3A = arith.constant 0 : i32
    %dma_wait3A_5 = arith.constant 0 : i32
    %dma_wait3A_6 = tpu.memref_slice %arg2[%dma_wait3A, %dma_wait3A_5] : memref<100000x128xf32, #tpu.memory_space<hbm>> -> memref<100000x128xf32, #tpu.memory_space<hbm>>
    tpu.wait_indirect_dma semaphore(%arg7 : memref<!tpu.dma_semaphore, #tpu.memory_space<semaphore_mem>>) src(%dma_wait3A_6 : memref<100000x128xf32, #tpu.memory_space<hbm>>) dst(%arg6 : memref<256x128xf32, #tpu.memory_space<vmem>>)
    "tpu.region"() ({
      %run_scoped3A = tpu.sem_alloc : memref<!tpu.dma_semaphore, #tpu.memory_space<semaphore_mem>>
      %dma_start3A_7 = arith.constant 0 : i32
      %dma_start3A_8 = tpu.memref_slice %arg4[%mul3A_2, %dma_start3A_7] : memref<8192x128xf32, #tpu.memory_space<hbm>> -> memref<256x128xf32, #tpu.memory_space<hbm>>
      %dma_start3A_9 = arith.constant 0 : i32
      %dma_start3A_10 = tpu.memref_slice %arg4[%mul3A_2, %dma_start3A_9] : memref<8192x128xf32, #tpu.memory_space<hbm>> -> memref<256x128xf32, #tpu.memory_space<hbm>>
      tpu.enqueue_dma source(%arg6 : memref<256x128xf32, #tpu.memory_space<vmem>>) target(%dma_start3A_10 : memref<256x128xf32, #tpu.memory_space<hbm>>) target_semaphore(%run_scoped3A : memref<!tpu.dma_semaphore, #tpu.memory_space<semaphore_mem>>)
      %dma_wait3A_11 = arith.constant 0 : i32
      %dma_wait3A_12 = tpu.memref_slice %arg4[%mul3A_2, %dma_wait3A_11] : memref<8192x128xf32, #tpu.memory_space<hbm>> -> memref<256x128xf32, #tpu.memory_space<hbm>>
      %dma_wait3A_13 = arith.constant 0 : i32
      %dma_wait3A_14 = tpu.memref_slice %arg4[%mul3A_2, %dma_wait3A_13] : memref<8192x128xf32, #tpu.memory_space<hbm>> -> memref<256x128xf32, #tpu.memory_space<hbm>>
      tpu.wait_dma2 semaphore(%run_scoped3A : memref<!tpu.dma_semaphore, #tpu.memory_space<semaphore_mem>>) src(%arg6 : memref<256x128xf32, #tpu.memory_space<vmem>>) dst(%dma_wait3A_14 : memref<256x128xf32, #tpu.memory_space<hbm>>)
      tpu.yield
    }) : () -> ()
    return
  }
}

module attributes {stable_mosaic.version = 14 : i64} {
  func.func @_dinv_body(%arg0: i32, %arg1: memref<4000x64xf32, #tpu.memory_space<vmem>>, %arg2: memref<4000x64xf32, #tpu.memory_space<vmem>>, %arg3: memref<4000x64xf32, #tpu.memory_space<vmem>>) attributes {dimension_semantics = [#tpu.dimension_semantics<arbitrary>], iteration_bounds = array<i64: 25>, scalar_prefetch = 0 : i64, scratch_operands = 0 : i64, tpu.core_type = #tpu.core_type<tc>, window_params = [{transform_indices = @transform_0, window_bounds = array<i64: 4000, 64>}, {transform_indices = @transform_1, window_bounds = array<i64: 4000, 64>}, {transform_indices = @transform_2, window_bounds = array<i64: 4000, 64>}]} {
    %get3A = arith.constant 0 : index
    %get3A_0 = arith.constant 0 : index
    %get3A_1 = vector.load %arg1[%get3A, %get3A_0] : memref<4000x64xf32, #tpu.memory_space<vmem>>, vector<4000x64xf32>
    %get3A_2 = arith.constant 0 : index
    %get3A_3 = arith.constant 0 : index
    %get3A_4 = vector.load %arg2[%get3A_2, %get3A_3] : memref<4000x64xf32, #tpu.memory_space<vmem>>, vector<4000x64xf32>
    %add3A = arith.addf %get3A_1, %get3A_4 : vector<4000x64xf32>
    %add3A_5 = arith.constant 9.99999993E-9 : f32
    %add3A_6 = vector.broadcast %add3A_5 : f32 to vector<4000x64xf32>
    %add3A_7 = arith.addf %add3A, %add3A_6 : vector<4000x64xf32>
    %rsqrt3A = math.rsqrt %add3A_7 : vector<4000x64xf32>
    %swap3A = arith.constant 0 : index
    %swap3A_8 = arith.constant 0 : index
    %swap3A_9 = vector.load %arg3[%swap3A, %swap3A_8] : memref<4000x64xf32, #tpu.memory_space<vmem>>, vector<4000x64xf32>
    tpu.vector_store %arg3[%swap3A, %swap3A_8], %rsqrt3A {strides = array<i32>} : memref<4000x64xf32, #tpu.memory_space<vmem>>, vector<4000x64xf32>,
    return
  }
  func.func @transform_0(%arg0: i32) -> (i32, i32) {
    %c0_i32 = arith.constant 0 : i32
    %c0_i32_0 = arith.constant 0 : i32
    return %arg0, %c0_i32 : i32, i32
  }
  func.func @transform_1(%arg0: i32) -> (i32, i32) {
    %c0_i32 = arith.constant 0 : i32
    %c0_i32_0 = arith.constant 0 : i32
    return %arg0, %c0_i32 : i32, i32
  }
  func.func @transform_2(%arg0: i32) -> (i32, i32) {
    %c0_i32 = arith.constant 0 : i32
    %c0_i32_0 = arith.constant 0 : i32
    return %arg0, %c0_i32 : i32, i32
  }
}

module attributes {stable_mosaic.version = 14 : i64} {
  func.func @_layer_body(%arg0: i32, %arg1: memref<4000x64xf32, #tpu.memory_space<vmem>>, %arg2: memref<4000x64xf32, #tpu.memory_space<vmem>>, %arg3: memref<4000x64xf32, #tpu.memory_space<vmem>>, %arg4: memref<4000x64xf32, #tpu.memory_space<vmem>>, %arg5: memref<4000x64xf32, #tpu.memory_space<vmem>>, %arg6: memref<4000x64xf32, #tpu.memory_space<vmem>>, %arg7: memref<4000x64xf32, #tpu.memory_space<vmem>>) attributes {dimension_semantics = [#tpu.dimension_semantics<arbitrary>], iteration_bounds = array<i64: 25>, scalar_prefetch = 0 : i64, scratch_operands = 0 : i64, tpu.core_type = #tpu.core_type<tc>, window_params = [{transform_indices = @transform_0, window_bounds = array<i64: 4000, 64>}, {transform_indices = @transform_1, window_bounds = array<i64: 4000, 64>}, {transform_indices = @transform_2, window_bounds = array<i64: 4000, 64>}, {transform_indices = @transform_3, window_bounds = array<i64: 4000, 64>}, {transform_indices = @transform_4, window_bounds = array<i64: 4000, 64>}, {transform_indices = @transform_5, window_bounds = array<i64: 4000, 64>}, {transform_indices = @transform_6, window_bounds = array<i64: 4000, 64>}]} {
    %get3A = arith.constant 0 : index
    %get3A_0 = arith.constant 0 : index
    %get3A_1 = vector.load %arg3[%get3A, %get3A_0] : memref<4000x64xf32, #tpu.memory_space<vmem>>, vector<4000x64xf32>
    %get3A_2 = arith.constant 0 : index
    %get3A_3 = arith.constant 0 : index
    %get3A_4 = vector.load %arg1[%get3A_2, %get3A_3] : memref<4000x64xf32, #tpu.memory_space<vmem>>, vector<4000x64xf32>
    %get3A_5 = arith.constant 0 : index
    %get3A_6 = arith.constant 0 : index
    %get3A_7 = vector.load %arg2[%get3A_5, %get3A_6] : memref<4000x64xf32, #tpu.memory_space<vmem>>, vector<4000x64xf32>
    %add3A = arith.addf %get3A_4, %get3A_7 : vector<4000x64xf32>
    %mul3A = arith.mulf %get3A_1, %add3A : vector<4000x64xf32>
    %swap3A = arith.constant 0 : index
    %swap3A_8 = arith.constant 0 : index
    %swap3A_9 = vector.load %arg5[%swap3A, %swap3A_8] : memref<4000x64xf32, #tpu.memory_space<vmem>>, vector<4000x64xf32>
    tpu.vector_store %arg5[%swap3A, %swap3A_8], %mul3A {strides = array<i32>} : memref<4000x64xf32, #tpu.memory_space<vmem>>, vector<4000x64xf32>,
    %get3A_10 = arith.constant 0 : index
    %get3A_11 = arith.constant 0 : index
    %get3A_12 = vector.load %arg3[%get3A_10, %get3A_11] : memref<4000x64xf32, #tpu.memory_space<vmem>>, vector<4000x64xf32>
    %mul3A_13 = arith.mulf %get3A_12, %mul3A : vector<4000x64xf32>
    %swap3A_14 = arith.constant 0 : index
    %swap3A_15 = arith.constant 0 : index
    %swap3A_16 = vector.load %arg6[%swap3A_14, %swap3A_15] : memref<4000x64xf32, #tpu.memory_space<vmem>>, vector<4000x64xf32>
    tpu.vector_store %arg6[%swap3A_14, %swap3A_15], %mul3A_13 {strides = array<i32>} : memref<4000x64xf32, #tpu.memory_space<vmem>>, vector<4000x64xf32>,
    %get3A_17 = arith.constant 0 : index
    %get3A_18 = arith.constant 0 : index
    %get3A_19 = vector.load %arg4[%get3A_17, %get3A_18] : memref<4000x64xf32, #tpu.memory_space<vmem>>, vector<4000x64xf32>
    %add3A_20 = arith.addf %get3A_19, %mul3A : vector<4000x64xf32>
    %swap3A_21 = arith.constant 0 : index
    %swap3A_22 = arith.constant 0 : index
    %swap3A_23 = vector.load %arg7[%swap3A_21, %swap3A_22] : memref<4000x64xf32, #tpu.memory_space<vmem>>, vector<4000x64xf32>
    tpu.vector_store %arg7[%swap3A_21, %swap3A_22], %add3A_20 {strides = array<i32>} : memref<4000x64xf32, #tpu.memory_space<vmem>>, vector<4000x64xf32>,
    return
  }
  func.func @transform_0(%arg0: i32) -> (i32, i32) {
    %c0_i32 = arith.constant 0 : i32
    %c0_i32_0 = arith.constant 0 : i32
    return %arg0, %c0_i32 : i32, i32
  }
  func.func @transform_1(%arg0: i32) -> (i32, i32) {
    %c0_i32 = arith.constant 0 : i32
    %c0_i32_0 = arith.constant 0 : i32
    return %arg0, %c0_i32 : i32, i32
  }
  func.func @transform_2(%arg0: i32) -> (i32, i32) {
    %c0_i32 = arith.constant 0 : i32
    %c0_i32_0 = arith.constant 0 : i32
    return %arg0, %c0_i32 : i32, i32
  }
  func.func @transform_3(%arg0: i32) -> (i32, i32) {
    %c0_i32 = arith.constant 0 : i32
    %c0_i32_0 = arith.constant 0 : i32
    return %arg0, %c0_i32 : i32, i32
  }
  func.func @transform_4(%arg0: i32) -> (i32, i32) {
    %c0_i32 = arith.constant 0 : i32
    %c0_i32_0 = arith.constant 0 : i32
    return %arg0, %c0_i32 : i32, i32
  }
  func.func @transform_5(%arg0: i32) -> (i32, i32) {
    %c0_i32 = arith.constant 0 : i32
    %c0_i32_0 = arith.constant 0 : i32
    return %arg0, %c0_i32 : i32, i32
  }
  func.func @transform_6(%arg0: i32) -> (i32, i32) {
    %c0_i32 = arith.constant 0 : i32
    %c0_i32_0 = arith.constant 0 : i32
    return %arg0, %c0_i32 : i32, i32
  }
}

module attributes {stable_mosaic.version = 14 : i64} {
  func.func @_dot_body(%arg0: memref<4096x64xf32, #tpu.memory_space<vmem>>, %arg1: memref<4096x64xf32, #tpu.memory_space<vmem>>, %arg2: memref<4096xf32, #tpu.memory_space<vmem>>) attributes {dimension_semantics = [], scalar_prefetch = 0 : i64, scratch_operands = 0 : i64, tpu.core_type = #tpu.core_type<tc>} {
    %get3A = arith.constant 0 : index
    %get3A_0 = arith.constant 0 : index
    %get3A_1 = vector.load %arg0[%get3A, %get3A_0] : memref<4096x64xf32, #tpu.memory_space<vmem>>, vector<4096x64xf32>
    %get3A_2 = arith.constant 0 : index
    %get3A_3 = arith.constant 0 : index
    %get3A_4 = vector.load %arg1[%get3A_2, %get3A_3] : memref<4096x64xf32, #tpu.memory_space<vmem>>, vector<4096x64xf32>
    %mul3A = arith.mulf %get3A_1, %get3A_4 : vector<4096x64xf32>
    %reduce_sum3A = arith.constant dense<0.000000e+00> : vector<4096xf32>
    %reduce_sum3A_5 = vector.multi_reduction <add>, %mul3A, %reduce_sum3A [1] : vector<4096x64xf32> to vector<4096xf32>
    %mul3A_6 = arith.constant 6.250000e-02 : f32
    %mul3A_7 = vector.broadcast %mul3A_6 : f32 to vector<4096xf32>
    %mul3A_8 = arith.mulf %reduce_sum3A_5, %mul3A_7 : vector<4096xf32>
    %swap3A = arith.constant 0 : index
    %swap3A_9 = vector.load %arg2[%swap3A] : memref<4096xf32, #tpu.memory_space<vmem>>, vector<4096xf32>
    tpu.vector_store %arg2[%swap3A], %mul3A_8 {strides = array<i32>} : memref<4096xf32, #tpu.memory_space<vmem>>, vector<4096xf32>,
    return
  }
}

</mosaic_0001>

<sc_bundles>
// kernel: kernel.12.cloned.1.call-start
scs
__scs_entry_jumppad:
0x0: {  	(pc) =	sbr.rel $0x88, $3  }
0x1: {  	(tag) =	ssettag $0x0;
	lr =	simm.s32 $0x1  }
0x2: {  	[smem:$0x3F9B] =	sst lr;
	_ =	strace $0xD0000000  }
0x3: {  	_ = 	snop  }
0x4: {  	_ = 	snop  }
0x5: {  	_ = 	snop  }
0x6: {  	_ = 	snop  }
0x7: {  	_ = 	snop  }
__scs_overlays_trampoline_lowered:
0x8: {  	[smem:$0x3FAA] =	sst s0  }
0x9: {  	[smem:$0x3FAB] =	sst s1  }
0xa: {  	[smem:$0x3FAC] =	sst s2  }
0xb: {  	[smem:$0x3FAD] =	sst s3  }
0xc: {  	[smem:$0x3FAE] =	sst s4  }
0xd: {  	[smem:$0x3FAF] =	sst s5  }
0xe: {  	[smem:$0x3FB0] =	sst s6  }
0xf: {  	[smem:$0x3FB1] =	sst s7  }
0x10: {  	[smem:$0x3FB2] =	sst s8  }
0x11: {  	[smem:$0x3FB3] =	sst s9;
	s0 =	simm.s32 @!p0 $0x0  }
0x12: {  	s1 =	sld [smem:$0x3F99];
	s0 =	simm.s32 @p0 $0x1  }
0x13: {  	[smem:$0x3FB4] =	sst s0;
	s0 =	simm.s32 @!p1 $0x0  }
0x14: {  	s2 =	sld [smem:$0x3F98];
	s0 =	simm.s32 @p1 $0x1  }
0x15: {  	[smem:$0x3FB5] =	sst s0;
	s0 =	simm.s32 @!p2 $0x0  }
0x16: {  	s3 =	sld [smem:$0x3FDB];
	s0 =	simm.s32 @p2 $0x1  }
0x17: {  	s4 =	simm.s32 $0x1BF5;
	[smem:$0x3FB7] =	sst s0  }
0x18: {  	s0 =	sld [smem:$0x3F9A];
	_ =	swait.ge [sflag:s4], $0x0  }
0x19: {  	s7 =	sld [smem:$0x3F9B]  }
0x1a: {  	s8 =	sadd.s32 $0xFFFFE003, lr  }
0x1b: {  	s9 =	sadd.s32 $0xFFFFFEF7, lr;
	s5 =	simm.s32 $0xFFFFFFFF;
	p2 =	slt.u32 s8, $0xFFFFF086  }
0x1c: {  	p1 =	slt.u32 s9, $0xF7A;
	s5 =	simm.s32 @!p2 $0x0  }
0x1d: {  	s5 =	simm.s32 @p1 $0x1;
	p0 =	seq.s32 s7, s2  }
0x1e: {  	s7 =	smul.u32 @!p0 $0xF7A, s2;
	p2 =	seq.s32 @!p0 s5, $0x0  }
0x1f: {  	s9 =	smul.u32 $0xF7A, s1;
	s8 =	simm.s32 @!p0 $0x1BF5;
	p2 =	por !p2, p0  }
0x20: {  	[sflag:s8] =	ssyncset.s32 @!p0 $0xFFFFF086;
	s6 =	sadd.s32 @!p0 s3, s7;
	s7 =	simm.s32 @!p0 $0x108  }
0x21: {  	s3 =	sadd.s32 s3, s9;
	s6 =	sadd.s32 @!p0 $0x88, s6;
	s7 =	simm.s32 @p2 $0x1082  }
0x22: {  	[simem:s7], [sflag:s8] =	dma.local @!p0 [hbm:s6], $0xF7A  }
0x23: {  	s9 =	sor.u32 $0xD0000000, s2;
	s6 =	simm.s32 $0x108;
	_ =	swait.ge @!p0 [sflag:s8], $0x0  }
0x24: {  	s3 =	sadd.s32 $0x88, s3;
	s6 =	simm.s32 @!p1 $0x1082;
	[sflag:s4] =	ssyncset.s32 $0xFFFFF086  }
0x25: {  	[simem:s6], [sflag:s4] =	dma.local [hbm:s3], $0xF7A  }
0x26: {  	[smem:$0x3F9B] =	sst s1;
	(tag) =	ssettag s2;
	_ =	strace s9  }
0x27: {  	s1 =	sld [smem:$0x3FAB]  }
0x28: {  	s2 =	sld [smem:$0x3FAC]  }
0x29: {  	s4 =	sld [smem:$0x3FAE]  }
0x2a: {  	p0 =	seq.s32 s5, $0x0;
	s5 =	sld [smem:$0x3FAF]  }
0x2b: {  	s6 =	sld [smem:$0x3FB0]  }
0x2c: {  	s7 =	sld [smem:$0x3FB1]  }
0x2d: {  	s3 =	simm.s32 $0x108;
	s8 =	sld [smem:$0x3FB2]  }
0x2e: {  	s3 =	simm.s32 @!p0 $0x1082;
	s9 =	sld [smem:$0x3FB3]  }
0x2f: {  	lr =	sadd.s32 s0, s3;
	s0 =	sld [smem:$0x3FAA]  }
0x30: {  	s3 =	sld [smem:$0x3FAD]  }
0x31: {  	[smem:$0x3FB6] =	sst s10  }
0x32: {  	s10 =	sld [smem:$0x3FB4];
	_ =	sdelay $0x3  }
0x33: {  	p0 =	seq.s32 s10, $0x1;
	s10 =	sld [smem:$0x3FB6];
	_ =	sdelay $0x3  }
0x34: {  	[smem:$0x3FB6] =	sst s10  }
0x35: {  	s10 =	sld [smem:$0x3FB5];
	_ =	sdelay $0x3  }
0x36: {  	p1 =	seq.s32 s10, $0x1;
	s10 =	sld [smem:$0x3FB6];
	_ =	sdelay $0x3  }
0x37: {  	[smem:$0x3FB6] =	sst s10  }
0x38: {  	s10 =	sld [smem:$0x3FB7]  }
0x39: {  	_ = 	snop;
	(pc) =	sbr.ind lr, $3  }
0x3a: {  	_ = 	snop  }
0x3b: {  	_ = 	snop  }
0x3c: {  	p2 =	seq.s32 s10, $0x1;
	s10 =	sld [smem:$0x3FB6]  }
0x3d: {  	_ =	shalt  }
0x3e: {  	_ =	shalt  }
0x3f: {  	_ =	shalt  }
0x40: {  	_ =	shalt  }
0x41: {  	_ =	shalt  }
0x42: {  	_ =	shalt  }
0x43: {  	_ =	shalt  }
0x44: {  	_ =	shalt  }
0x45: {  	_ =	shalt  }
0x46: {  	_ =	shalt  }
0x47: {  	_ =	shalt  }
0x48: {  	_ =	shalt  }
0x49: {  	_ =	shalt  }
0x4a: {  	_ =	shalt  }
0x4b: {  	_ =	shalt  }
0x4c: {  	_ =	shalt  }
0x4d: {  	_ =	shalt  }
0x4e: {  	_ =	shalt  }
0x4f: {  	_ =	shalt  }
0x50: {  	_ =	shalt  }
0x51: {  	_ =	shalt  }
0x52: {  	_ =	shalt  }
0x53: {  	_ =	shalt  }
0x54: {  	_ =	shalt  }
0x55: {  	_ =	shalt  }
0x56: {  	_ =	shalt  }
0x57: {  	_ =	shalt  }
0x58: {  	_ =	shalt  }
0x59: {  	_ =	shalt  }
0x5a: {  	_ =	shalt  }
0x5b: {  	_ =	shalt  }
0x5c: {  	_ =	shalt  }
0x5d: {  	_ =	shalt  }
0x5e: {  	_ =	shalt  }
0x5f: {  	_ =	shalt  }
0x60: {  	_ =	shalt  }
0x61: {  	_ =	shalt  }
0x62: {  	_ =	shalt  }
0x63: {  	_ =	shalt  }
0x64: {  	_ =	shalt  }
0x65: {  	_ =	shalt  }
0x66: {  	_ =	shalt  }
0x67: {  	_ =	shalt  }
0x68: {  	_ =	shalt  }
0x69: {  	_ =	shalt  }
0x6a: {  	_ =	shalt  }
0x6b: {  	_ =	shalt  }
0x6c: {  	_ =	shalt  }
0x6d: {  	_ =	shalt  }
0x6e: {  	_ =	shalt  }
0x6f: {  	_ =	shalt  }
0x70: {  	_ =	shalt  }
0x71: {  	_ =	shalt  }
0x72: {  	_ =	shalt  }
0x73: {  	_ =	shalt  }
0x74: {  	_ =	shalt  }
0x75: {  	_ =	shalt  }
0x76: {  	_ =	shalt  }
0x77: {  	_ =	shalt  }
0x78: {  	_ =	shalt  }
0x79: {  	_ =	shalt  }
0x7a: {  	_ =	shalt  }
0x7b: {  	_ =	shalt  }
0x7c: {  	_ =	shalt  }
0x7d: {  	_ =	shalt  }
0x7e: {  	_ =	shalt  }
0x7f: {  	_ =	shalt  }
0x80: {  	_ =	shalt  }
0x81: {  	_ =	shalt  }
0x82: {  	_ =	shalt  }
0x83: {  	_ =	shalt  }
0x84: {  	_ =	shalt  }
0x85: {  	_ =	shalt  }
0x86: {  	_ =	shalt  }
0x87: {  	_ =	shalt  }
.Lfunc_end0:
.L_simem_size_0:
called_computation.4_lowered:
.L_overlay_start_0:
0x88: {  	s2 =	sld [smem:$0x3FD9]  }
0x89: {  	s3 =	sld [smem:$0x3FFE];
	_ =	sdelay $0x1  }
0x8a: {  	s1 =	srdreg.scid  }
0x8b: {  	s0 =	sand.u32 $0x1, s1  }
0x8c: {  	s16 =	sshll.u32 s0, $0xA;
	s2 =	sadd.s32 s3, s2  }
0x8d: {  	s2 =	sadd.s32 s2, s16  }
0x8e: {  	[smem:$0x3FC2] =	sst s2  }
0x8f: {  	_ = 	snop  }
0x90: {  	(tm) =	ssettm $0x1  }
0x91: {  	s17 =	sld [smem:$0x3FFB];
	_ =	sdelay $0x3  }
0x92: {  	_ =	strace s17  }
0x93: {  	s2 =	sld [smem:$0x3FFC];
	_ =	sdelay $0x3  }
0x94: {  	_ =	strace s2  }
0x95: {  	s2 =	sld [smem:$0x3FFD];
	_ =	sdelay $0x3  }
0x96: {  	_ =	strace s2  }
0x97: {  	_ =	strace $0x8FFFFFFF  }
0x98: {  	s18 =	sld [smem:$0x3FDB];
	_ =	sdelay $0x1  }
0x99: {  	s19 =	simm.s32 $_scs_section_size  }
0x9a: {  	s4 =	simm.s32 $_size__tile_overlayer_lowered;
	s5 =	simm.s32 $_tile_overlayer_lowered  }
0x9b: {  	s22 =	simm.s32 $0x1BFF;
	s21 =	sshll.u32 s5, $0x1;
	s2 =	sadd.s32 s19, s18  }
0x9c: {  	s6 =	simm.s32 $0x0;
	s20 =	sshll.u32 s4, $0x1;
	s4 =	sadd.s32 s21, s2  }
0x9d: {  	[timem:s6], [sflag:s22] =	dma.local [hbm:s4], s20  }
0x9e: {  	_ =	swait.ge [sflag:s22], s20  }
0x9f: {  	s3 =	ssub.s32 $0x0, s20;
	[sflag:s22] =	ssyncset.done $0x0  }
0xa0: {  	[sflag:s22] =	ssyncadd.s32 s3;
	_ =	sdelay $0x1  }
0xa1: {  	s23 =	simm.s32 $0x1B8B  }
0xa2: {  	_ =	swait.ge [sflag:s23], $0x1  }
0xa3: {  	[sflag:s23] =	ssyncset.done $0x0  }
0xa4: {  	s25 =	simm.s32 $0x1B8E;
	s24 =	sld [smem:$0x3FFE];
	[sflag:s23] =	ssyncadd.s32 $0xFFFFFFFF  }
0xa5: {  	s26 =	simm.s32 $execute0_lowered;
	[smem:$0x3FD2] =	sst s25  }
0xa6: {  	s4 =	sshll.u32 s26, $0x1;
	_ =	strace $0x80000046;
	[dreg:$0x1] =	wrdreg $0xFFFFFFFF  }
0xa7: {  	s28 =	simm.s32 $_size_execute0_lowered;
	s2 =	sadd.s32 s2, s4;
	[dreg:$0x0] =	wrdreg $0x0  }
0xa8: {  	s4 =	sshll.u32 s28, $0x1;
	[dreg:$0x2] =	wrdreg s2  }
0xa9: {  	[dreg:$0x3] =	wrdreg s4  }
0xaa: {  	[dreg:$0x4] =	wrdreg $0xC0  }
0xab: {  	_ =	task [dreg:s6], $0x5FFFF  }
0xac: {  	[dreg:$0x1] =	wrdreg $0xFFFFFFFF  }
0xad: {  	[dreg:$0x0] =	wrdreg $0x60  }
0xae: {  	[dreg:$0x2] =	wrdreg s24  }
0xaf: {  	[dreg:$0x3] =	wrdreg $0x41800  }
0xb0: {  	[dreg:$0x4] =	wrdreg $0x9  }
0xb1: {  	_ =	task.clear_ibuf [dreg:s6], $0x5FFFF;
	_ =	strace $0x90000046  }
0xb2: {  	s29 =	simm.s32 $0x9;
	_ =	strace $0x80000048  }
0xb3: {  	_ =	swait.ge [sflag:s29], $0x1  }
0xb4: {  	[sflag:s29] =	ssyncadd.s32 $0xFFFFFFFF  }
0xb5: {  	_ =	strace $0x90000048  }
0xb6: {  	_ =	sfence  }
0xb7: {  	s30 =	sld [smem:$0x0];
	_ =	sdelay $0x2  }
0xb8: {  	s31 =	sshll.u32 s1, $0xD;
	s1 =	sshrl.u32 s1, $0x2  }
0xb9: {  	s3 =	sand.u32 $0x4000, s31;
	s1 =	sadd.s32 s1, s30  }
0xba: {  	s0 =	sor.u32 s3, s0;
	s1 =	sshll.u32 s1, $0x11  }
0xbb: {  	s0 =	sor.u32 s1, s0  }
0xbc: {  	s0 =	sadd.s32 $0x8F2B, s0  }
0xbd: {  	[sflag:s0] =	ssyncadd.remote.s32 $0x1  }
0xbe: {  	_ =	sfence.sel $0xFFFF  }
0xbf: {  	[dreg:$0x0] =	wrdreg $0xFFFFFFFF;
	(pc) =	sbr.abs _section_cstart, $3  }
0xc0: {  	[dreg:$0x1] =	wrdreg $0xFFFFFFFF  }
0xc1: {  	_ =	task.clear_ibuf [dreg:s6], $0x2FFFF;
	_ =	strace $0x9FFFFFFF  }
0xc2: {  	(tm) =	ssettm $0x7FFFFFFF  }
0xc3: {  	_ =	shalt  }
tec
execute0_lowered:
.L_overlay_start_1:
0x0: {  	(tag) =	ssettag $0x1  }
0x1: {  	s5 =	rddreg [dreg:$0x0]  }
0x2: {  	s2 =	rddreg [dreg:$0x1]  }
0x3: {  	s0 =	rddreg [dreg:$0x2];
	s3 =	simm.s32 $0x0  }
0x4: {  	s1 =	stileid.u32;
	s4 =	srdreg.scid;
	s14 =	simm.s32 $0x80  }
0x5: {  	s15 =	simm.s32 $0x180;
	s16 =	simm.s32 $0x1;
	s17 =	simm.s32 $0x100  }
0x6: {  	s18 =	simm.s32 $0x0;
	[smem:$0x7FF] =	sst s3;
	s6 =	smul.u32 $0x3100, s1  }
0x7: {  	s7 =	sand.u32 $0x1, s4;
	s4 =	sadd.s32 $0x66800, s5;
	s11 =	smul.u32 $0x62000, s1  }
0x8: {  	s30 =	sshll.u32 s1, $0x6;
	_ =	strace $0x80000047;
	s8 =	smul.u32 $0x188000, s7  }
0x9: {  	s9 =	ssub.s32 $0x2, s7;
	s12 =	smul.u32 $0x1880, s7;
	s7 =	sor.u32 $0x1C02, s30  }
0xa: {  	s10 =	sadd.s32 s6, s5;
	s28 =	sshrl.u32 s9, $0x1;
	s29 =	sshrl.u32 s11, $0x2  }
0xb: {  	s8 =	sadd.s32 s8, s5;
	s9 =	ssub.s32 s9, s28;
	s5 =	smul.u32 $0x310, s1  }
0xc: {  	s13 =	sadd.s32 s29, s2;
	s6 =	sadd.s32 $0x1ED200, s10;
	s31 =	sadd.s32 s12, s10  }
0xd: {  	s8 =	sadd.s32 $0x21E200, s8;
	s9 =	smax.u32 s9, $0x1;
	s10 =	sadd.s32 $0x4800, s31  }
0xe: {  	s11 =	sadd.s32 $0x35800, s31;
	s12 =	sshrl.u32 s13, $0x3;
	s13 =	simm.s32 $0x2  }
.LBB2_1:
0xf: {  	s19 =	simm.s32 $0x0  }
.LBB2_2:
0x10: {  	[spmem:s12], [sflag:s7] =	dma.local [hbm:s6], $0x3100  }
0x11: {  	_ =	swait.ge [sflag:s13], $0x3100  }
0x12: {  	[sflag:s13] =	ssyncset.done $0x0  }
0x13: {  	[sflag:s13] =	ssyncadd.s32 $0xFFFFCF00  }
0x14: {  	s20 =	sadd.s32 $0x0, s11;
	[bflag:$0x0] =	sbarrier.arrive $0xFFFF  }
0x15: {  	[tilespmem:s3], [sflag:$0x2] =	stream.linear.gather [hbm4b:s20+s3], $0x80, $0x38;
	[tilespmem:$0x1C980] =	vst v63  }
0x16: {  	_ =	swait.ge [sflag:s13], $0x80  }
0x17: {  	[sflag:s13] =	ssyncset.done $0x0  }
0x18: {  	s30 =	sadd.s32 $0x0, s10;
	[sflag:s13] =	ssyncadd.s32 $0xFFFFFF80  }
0x19: {  	[tilespmem:s14], [sflag:$0x2] =	stream.linear.gather [hbm4b:s30+s3], $0x80, $0x38;
	[tilespmem:$0x1C980] =	vst v63  }
0x1a: {  	_ =	swait.ge [sflag:s13], $0x80  }
0x1b: {  	[sflag:s13] =	ssyncset.done $0x0  }
0x1c: {  	[sflag:s13] =	ssyncadd.s32 $0xFFFFFF80  }
0x1d: {  	v2 =	vld [tilespmem:$0xF0]  }
0x1e: {  	v3 =	vld [tilespmem:$0xE0]  }
0x1f: {  	s31 =	smul.u32 $0x30D4, s19;
	v4 =	vld [tilespmem:$0x90]  }
0x20: {  	v7 =	vld [tilespmem:$0xB0]  }
0x21: {  	s21 =	sadd.s32 $0x30D4, s31;
	v9 =	vld [tilespmem:$0xC0]  }
0x22: {  	v0 =	vmov s31;
	v1 =	vmov s21;
	v5 =	vld [tilespmem:$0x80]  }
0x23: {  	vm0 =	vge.s32 v2, v0;
	vm1 =	vlt.s32 v2, v1;
	v8 =	vsub.s32 v2, v0  }
0x24: {  	v6 =	vld [tilespmem:$0xA0];
	vm2 =	vge.s32 v3, v0;
	vm3 =	vlt.s32 v3, v1;
	v3 =	vsub.s32 v3, v0  }
0x25: {  	v10 =	vsub.s32 v4, v0;
	vm4 =	vlt.s32 v4, v1;
	vm5 =	vlt.s32 v7, v1  }
0x26: {  	vm6 =	vge.s32 v9, v0;
	vm7 =	vlt.s32 v9, v1;
	vm2 =	vmand vm2, vm3  }
0x27: {  	vm0 =	vmand vm0, vm1;
	vm1 =	vlt.s32 v5, v1;
	vm3 =	vge.s32 v4, v0  }
0x28: {  	v2 =	vld [tilespmem:$0xD0];
	v4 =	vsub.s32 v9, v0;
	v11 =	vnsel vm2, $0x30D4, v3;
	vm2 =	vge.s32 v5, v0  }
0x29: {  	v5 =	vsub.s32 v5, v0;
	v3 =	vsub.s32 v6, v0;
	v8 =	vnsel vm0, $0x30D4, v8  }
0x2a: {  	vm0 =	vge.s32 v6, v0;
	vm1 =	vmand vm2, vm1;
	vm2 =	vmand vm3, vm4;
	[tilespmem:$0x160] =	vst v11  }
0x2b: {  	vm3 =	vge.s32 v7, v0;
	[tilespmem:$0x170] =	vst v8;
	v5 =	vnsel vm1, $0x30D4, v5;
	v63 =	vnsel vm2, $0x30D4, v10  }
0x2c: {  	vm2 =	vlt.s32 v6, v1;
	vm5 =	vmand vm3, vm5;
	vm3 =	vmand vm6, vm7;
	[tilespmem:$0x100] =	vst v5  }
0x2d: {  	s20 =	simm.s32 $0x10;
	vm1 =	vge.s32 v2, v0;
	v5 =	vsub.s32 v7, v0;
	vm4 =	vlt.s32 v2, v1;
	[tilespmem:$0x110] =	vst v63  }
.LBB2_3:
0x2e: {  	p0 =	sne.s32 s20, $0x1870;
	v5 =	vnsel vm5, $0x30D4, v5;
	vm1 =	vmand vm1, vm4;
	v2 =	vsub.s32 v2, v0;
	s21 =	smov.u32 s20;
	s20 =	sadd.s32 $0x10, s20  }
0x2f: {  	[tilespmem:$0x130] =	vst v5;
	v2 =	vnsel vm1, $0x30D4, v2  }
0x30: {  	vm0 =	vmand vm0, vm2;
	v4 =	vnsel vm3, $0x30D4, v4;
	[tilespmem:$0x150] =	vst v2  }
0x31: {  	v2 =	vnsel vm0, $0x30D4, v3;
	[tilespmem:$0x140] =	vst v4  }
0x32: {  	[tilespmem:$0x120] =	vst v2  }
0x33: {  	[tilespmem:s15], [sflag:$0x1] =	stream.indirect.gather [hbm4b:s4+s14], $0x80, s3, s14, $0xb8;
	[tilespmem:$0x1C980] =	vst v63  }
0x34: {  	_ =	swait.ge [sflag:s16], $0x4000  }
0x35: {  	[sflag:s16] =	ssyncset.done $0x0  }
0x36: {  	[sflag:s16] =	ssyncadd.s32 $0xFFFFC000  }
0x37: {  	[spmem:s2] =	stream.indirect.scatter.add.f32 [tilespmem:s15], [sflag:$0x2], $0x80, s17, s14, $0xb8;
	[tilespmem:$0x1C980] =	vst v63  }
0x38: {  	_ =	swait.ge [sflag:s13], $0x4000  }
0x39: {  	[sflag:s13] =	ssyncset.done $0x0  }
0x3a: {  	s22 =	sadd.s32 s21, s11;
	[sflag:s13] =	ssyncadd.s32 $0xFFFFC000  }
0x3b: {  	[tilespmem:s3], [sflag:$0x2] =	stream.linear.gather [hbm4b:s22+s3], $0x80, $0x38;
	[tilespmem:$0x1C980] =	vst v63  }
0x3c: {  	_ =	swait.ge [sflag:s13], $0x80  }
0x3d: {  	[sflag:s13] =	ssyncset.done $0x0  }
0x3e: {  	s21 =	sadd.s32 s21, s10;
	[sflag:s13] =	ssyncadd.s32 $0xFFFFFF80  }
0x3f: {  	[tilespmem:s14], [sflag:$0x2] =	stream.linear.gather [hbm4b:s21+s3], $0x80, $0x38;
	[tilespmem:$0x1C980] =	vst v63  }
0x40: {  	_ =	swait.ge [sflag:s13], $0x80  }
0x41: {  	[sflag:s13] =	ssyncset.done $0x0  }
0x42: {  	[sflag:s13] =	ssyncadd.s32 $0xFFFFFF80  }
0x43: {  	v2 =	vld [tilespmem:$0xF0]  }
0x44: {  	v3 =	vld [tilespmem:$0xE0]  }
0x45: {  	v4 =	vld [tilespmem:$0x90]  }
0x46: {  	v5 =	vld [tilespmem:$0x80]  }
0x47: {  	v6 =	vld [tilespmem:$0xA0]  }
0x48: {  	v7 =	vld [tilespmem:$0xB0];
	vm0 =	vge.s32 v2, v0;
	vm1 =	vlt.s32 v2, v1;
	v8 =	vsub.s32 v2, v0  }
0x49: {  	v9 =	vld [tilespmem:$0xC0];
	vm2 =	vge.s32 v3, v0;
	vm3 =	vlt.s32 v3, v1;
	v3 =	vsub.s32 v3, v0  }
0x4a: {  	vm0 =	vmand vm0, vm1;
	v10 =	vsub.s32 v4, v0;
	v2 =	vld [tilespmem:$0xD0];
	vm2 =	vmand vm2, vm3  }
0x4b: {  	vm3 =	vge.s32 v4, v0;
	vm1 =	vlt.s32 v5, v1;
	v3 =	vnsel vm2, $0x30D4, v3  }
0x4c: {  	vm4 =	vlt.s32 v4, v1;
	vm2 =	vge.s32 v5, v0;
	v5 =	vsub.s32 v5, v0;
	[tilespmem:$0x160] =	vst v3  }
0x4d: {  	v8 =	vnsel vm0, $0x30D4, v8;
	vm1 =	vmand vm2, vm1;
	v3 =	vsub.s32 v6, v0  }
.Ltmp0:
0x4e: {  	vm2 =	vmand vm3, vm4;
	v5 =	vnsel vm1, $0x30D4, v5;
	v4 =	vsub.s32 v9, v0;
	[tilespmem:$0x170] =	vst v8;
	(pc) =	sbr.rel @p0 .LBB2_3-.Ltmp0, $4  }
0x4f: {  	vm0 =	vge.s32 v6, v0;
	vm3 =	vge.s32 v7, v0;
	[tilespmem:$0x100] =	vst v5;
	vm1 =	vge.s32 v2, v0  }
0x50: {  	vm5 =	vlt.s32 v7, v1;
	vm6 =	vge.s32 v9, v0;
	v5 =	vnsel vm2, $0x30D4, v10  }
0x51: {  	vm7 =	vlt.s32 v9, v1;
	vm4 =	vlt.s32 v2, v1;
	[tilespmem:$0x110] =	vst v5;
	v5 =	vsub.s32 v7, v0  }
0x52: {  	vm5 =	vmand vm3, vm5;
	vm2 =	vlt.s32 v6, v1;
	vm3 =	vmand vm6, vm7  }
0x53: {  	v1 =	vnsel vm5, $0x30D4, v5  }
0x54: {  	vm1 =	vmand vm1, vm4;
	v0 =	vsub.s32 v2, v0;
	v62 =	vnsel vm3, $0x30D4, v4;
	[tilespmem:$0x130] =	vst v1  }
0x55: {  	vm0 =	vmand vm0, vm2;
	v0 =	vnsel vm1, $0x30D4, v0;
	[tilespmem:$0x140] =	vst v62  }
0x56: {  	v63 =	vnsel vm0, $0x30D4, v3;
	[tilespmem:$0x150] =	vst v0  }
0x57: {  	[tilespmem:$0x120] =	vst v63  }
0x58: {  	[tilespmem:s15], [sflag:$0x1] =	stream.indirect.gather [hbm4b:s4+s14], $0x80, s3, s14, $0xb8;
	[tilespmem:$0x1C980] =	vst v63  }
0x59: {  	_ =	swait.ge [sflag:s16], $0x4000  }
0x5a: {  	[sflag:s16] =	ssyncset.done $0x0  }
0x5b: {  	s20 =	smul.u32 $0x3100, s19;
	[sflag:s16] =	ssyncadd.s32 $0xFFFFC000  }
0x5c: {  	[spmem:s2] =	stream.indirect.scatter.add.f32 [tilespmem:s15], [sflag:$0x2], $0x80, s17, s14, $0xb8;
	[tilespmem:$0x1C980] =	vst v63  }
0x5d: {  	_ =	swait.ge [sflag:s13], $0x4000  }
0x5e: {  	s20 =	sadd.s32 s5, s20;
	[sflag:s13] =	ssyncset.done $0x0  }
0x5f: {  	s19 =	sadd.s32 $0x1, s19;
	s20 =	sshll.u32 s20, $0x4;
	[sflag:s13] =	ssyncadd.s32 $0xFFFFC000  }
0x60: {  	p0 =	sne.s32 s19, $0x8;
	s20 =	sadd.s32 s20, s8;
	[bflag:$0x0] =	sbarrier.arrive $0xFFFF  }
0x61: {  	[hbm:s20], [sflag:s7] =	dma.local [spmem:s12], $0x3100  }
.Ltmp1:
0x62: {  	_ =	swait.ge [sflag:s13], $0x3100;
	(pc) =	sbr.rel @p0 .LBB2_2-.Ltmp1, $3  }
0x63: {  	[sflag:s13] =	ssyncset.done $0x0  }
0x64: {  	[sflag:s13] =	ssyncadd.s32 $0xFFFFCF00  }
0x65: {  	[bflag:$0x0] =	sbarrier.arrive $0xFFFF;
	_ =	sdelay $0x1  }
0x66: {  	s18 =	sadd.s32 $0x1, s18  }
0x67: {  	p0 =	sne.s32 s18, s9  }
.Ltmp2:
0x68: {  	_ = 	snop;
	(pc) =	sbr.rel @p0 .LBB2_1-.Ltmp2, $1  }
0x69: {  	_ =	sdelay $0x3  }
0x6a: {  	_ =	sfence.sel $0x180000  }
0x6b: {  	[bflag:$0x0] =	sbarrier.arrive $0xFFFF  }
0x6c: {  	p0 =	sne.s32 s1, $0x0;
	_ =	strace $0x90000047  }
0x6d: {  	s0 =	sadd.s32 @!p0 $0x100000, s0;
	[bflag:$0x2] =	sbarrier.arrive $0xFFFF  }
0x6e: {  	[sflag:s0] =	ssyncadd.tile.s32 @!p0 $0x1;
	_ =	shalt  }
.Lfunc_end2:
_tile_overlayer_lowered:
.L_overlay_start_2:
0x6f: {  	(tag) =	ssettag $0x2  }
0x70: {  	s0 =	rddreg [dreg:$0x0];
	s2 =	stileid.u32  }
0x71: {  	s1 =	rddreg [dreg:$0x1];
	p0 =	sne.s32 s2, $0x0  }
0x72: {  	s3 =	rddreg [dreg:$0x2];
	[bflag:$0x3] =	sbarrier.arrive $0xFFFF;
	s2 =	simm.s32 @!p0 $0x1C02  }
0x73: {  	[timem:s3], [sflag:s2] =	dma.local @!p0 [hbm:s0], s1  }
0x74: {  	s0 =	simm.s32 @!p0 $0x2  }
0x75: {  	_ =	swait.ge @!p0 [sflag:s0], s1  }
0x76: {  	s1 =	ssub.s32 @!p0 $0x0, s1;
	[sflag:s0] =	ssyncset.done @!p0 $0x0  }
0x77: {  	[sflag:s0] =	ssyncadd.s32 @!p0 s1  }
0x78: {  	[bflag:$0x3] =	sbarrier.arrive $0xFFFF  }
0x79: {  	_ =	shalt  }

// kernel: kernel.15.cloned.1.call-start
scs
__scs_entry_jumppad:
0x0: {  	(pc) =	sbr.rel $0x88, $3  }
0x1: {  	(tag) =	ssettag $0x0;
	lr =	simm.s32 $0x1  }
0x2: {  	[smem:$0x3F9B] =	sst lr;
	_ =	strace $0xD0000000  }
0x3: {  	_ = 	snop  }
0x4: {  	_ = 	snop  }
0x5: {  	_ = 	snop  }
0x6: {  	_ = 	snop  }
0x7: {  	_ = 	snop  }
__scs_overlays_trampoline_lowered:
0x8: {  	[smem:$0x3FAA] =	sst s0  }
0x9: {  	[smem:$0x3FAB] =	sst s1  }
0xa: {  	[smem:$0x3FAC] =	sst s2  }
0xb: {  	[smem:$0x3FAD] =	sst s3  }
0xc: {  	[smem:$0x3FAE] =	sst s4  }
0xd: {  	[smem:$0x3FAF] =	sst s5  }
0xe: {  	[smem:$0x3FB0] =	sst s6  }
0xf: {  	[smem:$0x3FB1] =	sst s7  }
0x10: {  	[smem:$0x3FB2] =	sst s8  }
0x11: {  	[smem:$0x3FB3] =	sst s9;
	s0 =	simm.s32 @!p0 $0x0  }
0x12: {  	s1 =	sld [smem:$0x3F99];
	s0 =	simm.s32 @p0 $0x1  }
0x13: {  	[smem:$0x3FB4] =	sst s0;
	s0 =	simm.s32 @!p1 $0x0  }
0x14: {  	s2 =	sld [smem:$0x3F98];
	s0 =	simm.s32 @p1 $0x1  }
0x15: {  	[smem:$0x3FB5] =	sst s0;
	s0 =	simm.s32 @!p2 $0x0  }
0x16: {  	s3 =	sld [smem:$0x3FDB];
	s0 =	simm.s32 @p2 $0x1  }
0x17: {  	s4 =	simm.s32 $0x1BF5;
	[smem:$0x3FB7] =	sst s0  }
0x18: {  	s0 =	sld [smem:$0x3F9A];
	_ =	swait.ge [sflag:s4], $0x0  }
0x19: {  	s7 =	sld [smem:$0x3F9B]  }
0x1a: {  	s8 =	sadd.s32 $0xFFFFE003, lr  }
0x1b: {  	s9 =	sadd.s32 $0xFFFFFEF7, lr;
	s5 =	simm.s32 $0xFFFFFFFF;
	p2 =	slt.u32 s8, $0xFFFFF086  }
0x1c: {  	p1 =	slt.u32 s9, $0xF7A;
	s5 =	simm.s32 @!p2 $0x0  }
0x1d: {  	s5 =	simm.s32 @p1 $0x1;
	p0 =	seq.s32 s7, s2  }
0x1e: {  	s7 =	smul.u32 @!p0 $0xF7A, s2;
	p2 =	seq.s32 @!p0 s5, $0x0  }
0x1f: {  	s9 =	smul.u32 $0xF7A, s1;
	s8 =	simm.s32 @!p0 $0x1BF5;
	p2 =	por !p2, p0  }
0x20: {  	[sflag:s8] =	ssyncset.s32 @!p0 $0xFFFFF086;
	s6 =	sadd.s32 @!p0 s3, s7;
	s7 =	simm.s32 @!p0 $0x108  }
0x21: {  	s3 =	sadd.s32 s3, s9;
	s6 =	sadd.s32 @!p0 $0x88, s6;
	s7 =	simm.s32 @p2 $0x1082  }
0x22: {  	[simem:s7], [sflag:s8] =	dma.local @!p0 [hbm:s6], $0xF7A  }
0x23: {  	s9 =	sor.u32 $0xD0000000, s2;
	s6 =	simm.s32 $0x108;
	_ =	swait.ge @!p0 [sflag:s8], $0x0  }
0x24: {  	s3 =	sadd.s32 $0x88, s3;
	s6 =	simm.s32 @!p1 $0x1082;
	[sflag:s4] =	ssyncset.s32 $0xFFFFF086  }
0x25: {  	[simem:s6], [sflag:s4] =	dma.local [hbm:s3], $0xF7A  }
0x26: {  	[smem:$0x3F9B] =	sst s1;
	(tag) =	ssettag s2;
	_ =	strace s9  }
0x27: {  	s1 =	sld [smem:$0x3FAB]  }
0x28: {  	s2 =	sld [smem:$0x3FAC]  }
0x29: {  	s4 =	sld [smem:$0x3FAE]  }
0x2a: {  	p0 =	seq.s32 s5, $0x0;
	s5 =	sld [smem:$0x3FAF]  }
0x2b: {  	s6 =	sld [smem:$0x3FB0]  }
0x2c: {  	s7 =	sld [smem:$0x3FB1]  }
0x2d: {  	s3 =	simm.s32 $0x108;
	s8 =	sld [smem:$0x3FB2]  }
0x2e: {  	s3 =	simm.s32 @!p0 $0x1082;
	s9 =	sld [smem:$0x3FB3]  }
0x2f: {  	lr =	sadd.s32 s0, s3;
	s0 =	sld [smem:$0x3FAA]  }
0x30: {  	s3 =	sld [smem:$0x3FAD]  }
0x31: {  	[smem:$0x3FB6] =	sst s10  }
0x32: {  	s10 =	sld [smem:$0x3FB4];
	_ =	sdelay $0x3  }
0x33: {  	p0 =	seq.s32 s10, $0x1;
	s10 =	sld [smem:$0x3FB6];
	_ =	sdelay $0x3  }
0x34: {  	[smem:$0x3FB6] =	sst s10  }
0x35: {  	s10 =	sld [smem:$0x3FB5];
	_ =	sdelay $0x3  }
0x36: {  	p1 =	seq.s32 s10, $0x1;
	s10 =	sld [smem:$0x3FB6];
	_ =	sdelay $0x3  }
0x37: {  	[smem:$0x3FB6] =	sst s10  }
0x38: {  	s10 =	sld [smem:$0x3FB7]  }
0x39: {  	_ = 	snop;
	(pc) =	sbr.ind lr, $3  }
0x3a: {  	_ = 	snop  }
0x3b: {  	_ = 	snop  }
0x3c: {  	p2 =	seq.s32 s10, $0x1;
	s10 =	sld [smem:$0x3FB6]  }
0x3d: {  	_ =	shalt  }
0x3e: {  	_ =	shalt  }
0x3f: {  	_ =	shalt  }
0x40: {  	_ =	shalt  }
0x41: {  	_ =	shalt  }
0x42: {  	_ =	shalt  }
0x43: {  	_ =	shalt  }
0x44: {  	_ =	shalt  }
0x45: {  	_ =	shalt  }
0x46: {  	_ =	shalt  }
0x47: {  	_ =	shalt  }
0x48: {  	_ =	shalt  }
0x49: {  	_ =	shalt  }
0x4a: {  	_ =	shalt  }
0x4b: {  	_ =	shalt  }
0x4c: {  	_ =	shalt  }
0x4d: {  	_ =	shalt  }
0x4e: {  	_ =	shalt  }
0x4f: {  	_ =	shalt  }
0x50: {  	_ =	shalt  }
0x51: {  	_ =	shalt  }
0x52: {  	_ =	shalt  }
0x53: {  	_ =	shalt  }
0x54: {  	_ =	shalt  }
0x55: {  	_ =	shalt  }
0x56: {  	_ =	shalt  }
0x57: {  	_ =	shalt  }
0x58: {  	_ =	shalt  }
0x59: {  	_ =	shalt  }
0x5a: {  	_ =	shalt  }
0x5b: {  	_ =	shalt  }
0x5c: {  	_ =	shalt  }
0x5d: {  	_ =	shalt  }
0x5e: {  	_ =	shalt  }
0x5f: {  	_ =	shalt  }
0x60: {  	_ =	shalt  }
0x61: {  	_ =	shalt  }
0x62: {  	_ =	shalt  }
0x63: {  	_ =	shalt  }
0x64: {  	_ =	shalt  }
0x65: {  	_ =	shalt  }
0x66: {  	_ =	shalt  }
0x67: {  	_ =	shalt  }
0x68: {  	_ =	shalt  }
0x69: {  	_ =	shalt  }
0x6a: {  	_ =	shalt  }
0x6b: {  	_ =	shalt  }
0x6c: {  	_ =	shalt  }
0x6d: {  	_ =	shalt  }
0x6e: {  	_ =	shalt  }
0x6f: {  	_ =	shalt  }
0x70: {  	_ =	shalt  }
0x71: {  	_ =	shalt  }
0x72: {  	_ =	shalt  }
0x73: {  	_ =	shalt  }
0x74: {  	_ =	shalt  }
0x75: {  	_ =	shalt  }
0x76: {  	_ =	shalt  }
0x77: {  	_ =	shalt  }
0x78: {  	_ =	shalt  }
0x79: {  	_ =	shalt  }
0x7a: {  	_ =	shalt  }
0x7b: {  	_ =	shalt  }
0x7c: {  	_ =	shalt  }
0x7d: {  	_ =	shalt  }
0x7e: {  	_ =	shalt  }
0x7f: {  	_ =	shalt  }
0x80: {  	_ =	shalt  }
0x81: {  	_ =	shalt  }
0x82: {  	_ =	shalt  }
0x83: {  	_ =	shalt  }
0x84: {  	_ =	shalt  }
0x85: {  	_ =	shalt  }
0x86: {  	_ =	shalt  }
0x87: {  	_ =	shalt  }
.Lfunc_end0:
.L_simem_size_0:
called_computation.5_lowered:
.L_overlay_start_0:
0x88: {  	s2 =	sld [smem:$0x3FD9]  }
0x89: {  	s3 =	sld [smem:$0x3FFE];
	_ =	sdelay $0x1  }
0x8a: {  	s1 =	srdreg.scid  }
0x8b: {  	s0 =	sand.u32 $0x1, s1  }
0x8c: {  	s16 =	sshll.u32 s0, $0xA;
	s2 =	sadd.s32 s3, s2  }
0x8d: {  	s2 =	sadd.s32 s2, s16  }
0x8e: {  	[smem:$0x3FC2] =	sst s2  }
0x8f: {  	_ = 	snop  }
0x90: {  	(tm) =	ssettm $0x1  }
0x91: {  	s17 =	sld [smem:$0x3FFB];
	_ =	sdelay $0x3  }
0x92: {  	_ =	strace s17  }
0x93: {  	s2 =	sld [smem:$0x3FFC];
	_ =	sdelay $0x3  }
0x94: {  	_ =	strace s2  }
0x95: {  	s2 =	sld [smem:$0x3FFD];
	_ =	sdelay $0x3  }
0x96: {  	_ =	strace s2  }
0x97: {  	_ =	strace $0x8FFFFFFF  }
0x98: {  	s18 =	sld [smem:$0x3FDB];
	_ =	sdelay $0x1  }
0x99: {  	s19 =	simm.s32 $_scs_section_size  }
0x9a: {  	s4 =	simm.s32 $_size__tile_overlayer_lowered;
	s5 =	simm.s32 $_tile_overlayer_lowered  }
0x9b: {  	s22 =	simm.s32 $0x1BFF;
	s21 =	sshll.u32 s5, $0x1;
	s2 =	sadd.s32 s19, s18  }
0x9c: {  	s6 =	simm.s32 $0x0;
	s20 =	sshll.u32 s4, $0x1;
	s4 =	sadd.s32 s21, s2  }
0x9d: {  	[timem:s6], [sflag:s22] =	dma.local [hbm:s4], s20  }
0x9e: {  	_ =	swait.ge [sflag:s22], s20  }
0x9f: {  	s3 =	ssub.s32 $0x0, s20;
	[sflag:s22] =	ssyncset.done $0x0  }
0xa0: {  	[sflag:s22] =	ssyncadd.s32 s3;
	_ =	sdelay $0x1  }
0xa1: {  	s23 =	simm.s32 $0x1B8B  }
0xa2: {  	_ =	swait.ge [sflag:s23], $0x1  }
0xa3: {  	[sflag:s23] =	ssyncset.done $0x0  }
0xa4: {  	s25 =	simm.s32 $0x1B8E;
	s24 =	sld [smem:$0x3FFE];
	[sflag:s23] =	ssyncadd.s32 $0xFFFFFFFF  }
0xa5: {  	s26 =	simm.s32 $execute0_lowered;
	[smem:$0x3FD2] =	sst s25  }
0xa6: {  	s4 =	sshll.u32 s26, $0x1;
	_ =	strace $0x8000004C;
	[dreg:$0x1] =	wrdreg $0xFFFFFFFF  }
0xa7: {  	s28 =	simm.s32 $_size_execute0_lowered;
	s2 =	sadd.s32 s2, s4;
	[dreg:$0x0] =	wrdreg $0x0  }
0xa8: {  	s4 =	sshll.u32 s28, $0x1;
	[dreg:$0x2] =	wrdreg s2  }
0xa9: {  	[dreg:$0x3] =	wrdreg s4  }
0xaa: {  	[dreg:$0x4] =	wrdreg $0xC0  }
0xab: {  	_ =	task [dreg:s6], $0x5FFFF  }
0xac: {  	[dreg:$0x1] =	wrdreg $0xFFFFFFFF  }
0xad: {  	[dreg:$0x0] =	wrdreg $0x60  }
0xae: {  	[dreg:$0x2] =	wrdreg s24  }
0xaf: {  	[dreg:$0x3] =	wrdreg $0x41800  }
0xb0: {  	[dreg:$0x4] =	wrdreg $0x9  }
0xb1: {  	_ =	task.clear_ibuf [dreg:s6], $0x5FFFF;
	_ =	strace $0x9000004C  }
0xb2: {  	s29 =	simm.s32 $0x9;
	_ =	strace $0x8000004E  }
0xb3: {  	_ =	swait.ge [sflag:s29], $0x1  }
0xb4: {  	[sflag:s29] =	ssyncadd.s32 $0xFFFFFFFF  }
0xb5: {  	_ =	strace $0x9000004E  }
0xb6: {  	_ =	sfence  }
0xb7: {  	s30 =	sld [smem:$0x0];
	_ =	sdelay $0x2  }
0xb8: {  	s31 =	sshll.u32 s1, $0xD;
	s1 =	sshrl.u32 s1, $0x2  }
0xb9: {  	s3 =	sand.u32 $0x4000, s31;
	s1 =	sadd.s32 s1, s30  }
0xba: {  	s0 =	sor.u32 s3, s0;
	s1 =	sshll.u32 s1, $0x11  }
0xbb: {  	s0 =	sor.u32 s1, s0  }
0xbc: {  	s0 =	sadd.s32 $0x8F2B, s0  }
0xbd: {  	[sflag:s0] =	ssyncadd.remote.s32 $0x1  }
0xbe: {  	_ =	sfence.sel $0xFFFF  }
0xbf: {  	[dreg:$0x0] =	wrdreg $0xFFFFFFFF;
	(pc) =	sbr.abs _section_cstart, $3  }
0xc0: {  	[dreg:$0x1] =	wrdreg $0xFFFFFFFF  }
0xc1: {  	_ =	task.clear_ibuf [dreg:s6], $0x2FFFF;
	_ =	strace $0x9FFFFFFF  }
0xc2: {  	(tm) =	ssettm $0x7FFFFFFF  }
0xc3: {  	_ =	shalt  }
tec
execute0_lowered:
.L_overlay_start_1:
0x0: {  	(tag) =	ssettag $0x1  }
0x1: {  	s5 =	rddreg [dreg:$0x0]  }
0x2: {  	s2 =	rddreg [dreg:$0x1]  }
0x3: {  	s0 =	rddreg [dreg:$0x2];
	s3 =	simm.s32 $0x0  }
0x4: {  	s1 =	stileid.u32;
	s4 =	srdreg.scid;
	s14 =	simm.s32 $0x80  }
0x5: {  	s15 =	simm.s32 $0x180;
	s16 =	simm.s32 $0x1;
	s17 =	simm.s32 $0x100  }
0x6: {  	s18 =	simm.s32 $0x0;
	[smem:$0x7FF] =	sst s3;
	s6 =	smul.u32 $0x3100, s1  }
0x7: {  	s7 =	sand.u32 $0x1, s4;
	s4 =	sadd.s32 $0x66800, s5;
	s11 =	smul.u32 $0x62000, s1  }
0x8: {  	s30 =	sshll.u32 s1, $0x6;
	_ =	strace $0x8000004D;
	s8 =	smul.u32 $0x188000, s7  }
0x9: {  	s9 =	ssub.s32 $0x2, s7;
	s12 =	smul.u32 $0x1880, s7;
	s7 =	sor.u32 $0x1C02, s30  }
0xa: {  	s10 =	sadd.s32 s6, s5;
	s28 =	sshrl.u32 s9, $0x1;
	s29 =	sshrl.u32 s11, $0x2  }
0xb: {  	s8 =	sadd.s32 s8, s5;
	s9 =	ssub.s32 s9, s28;
	s5 =	smul.u32 $0x310, s1  }
0xc: {  	s13 =	sadd.s32 s29, s2;
	s6 =	sadd.s32 $0x1ED200, s10;
	s31 =	sadd.s32 s12, s10  }
0xd: {  	s8 =	sadd.s32 $0x6B2000, s8;
	s9 =	smax.u32 s9, $0x1;
	s10 =	sadd.s32 $0x4800, s31  }
0xe: {  	s11 =	sadd.s32 $0x35800, s31;
	s12 =	sshrl.u32 s13, $0x3;
	s13 =	simm.s32 $0x2  }
.LBB2_1:
0xf: {  	s19 =	simm.s32 $0x0  }
.LBB2_2:
0x10: {  	[spmem:s12], [sflag:s7] =	dma.local [hbm:s6], $0x3100  }
0x11: {  	_ =	swait.ge [sflag:s13], $0x3100  }
0x12: {  	[sflag:s13] =	ssyncset.done $0x0  }
0x13: {  	[sflag:s13] =	ssyncadd.s32 $0xFFFFCF00  }
0x14: {  	s20 =	sadd.s32 $0x0, s11;
	[bflag:$0x0] =	sbarrier.arrive $0xFFFF  }
0x15: {  	[tilespmem:s3], [sflag:$0x2] =	stream.linear.gather [hbm4b:s20+s3], $0x80, $0x38;
	[tilespmem:$0x1C980] =	vst v63  }
0x16: {  	_ =	swait.ge [sflag:s13], $0x80  }
0x17: {  	[sflag:s13] =	ssyncset.done $0x0  }
0x18: {  	s30 =	sadd.s32 $0x0, s10;
	[sflag:s13] =	ssyncadd.s32 $0xFFFFFF80  }
0x19: {  	[tilespmem:s14], [sflag:$0x2] =	stream.linear.gather [hbm4b:s30+s3], $0x80, $0x38;
	[tilespmem:$0x1C980] =	vst v63  }
0x1a: {  	_ =	swait.ge [sflag:s13], $0x80  }
0x1b: {  	[sflag:s13] =	ssyncset.done $0x0  }
0x1c: {  	[sflag:s13] =	ssyncadd.s32 $0xFFFFFF80  }
0x1d: {  	v2 =	vld [tilespmem:$0xF0]  }
0x1e: {  	v3 =	vld [tilespmem:$0xE0]  }
0x1f: {  	s31 =	smul.u32 $0x30D4, s19;
	v4 =	vld [tilespmem:$0x90]  }
0x20: {  	v7 =	vld [tilespmem:$0xB0]  }
0x21: {  	s21 =	sadd.s32 $0x30D4, s31;
	v9 =	vld [tilespmem:$0xC0]  }
0x22: {  	v0 =	vmov s31;
	v1 =	vmov s21;
	v5 =	vld [tilespmem:$0x80]  }
0x23: {  	vm0 =	vge.s32 v2, v0;
	vm1 =	vlt.s32 v2, v1;
	v8 =	vsub.s32 v2, v0  }
0x24: {  	v6 =	vld [tilespmem:$0xA0];
	vm2 =	vge.s32 v3, v0;
	vm3 =	vlt.s32 v3, v1;
	v3 =	vsub.s32 v3, v0  }
0x25: {  	v10 =	vsub.s32 v4, v0;
	vm4 =	vlt.s32 v4, v1;
	vm5 =	vlt.s32 v7, v1  }
0x26: {  	vm6 =	vge.s32 v9, v0;
	vm7 =	vlt.s32 v9, v1;
	vm2 =	vmand vm2, vm3  }
0x27: {  	vm0 =	vmand vm0, vm1;
	vm1 =	vlt.s32 v5, v1;
	vm3 =	vge.s32 v4, v0  }
0x28: {  	v2 =	vld [tilespmem:$0xD0];
	v4 =	vsub.s32 v9, v0;
	v11 =	vnsel vm2, $0x30D4, v3;
	vm2 =	vge.s32 v5, v0  }
0x29: {  	v5 =	vsub.s32 v5, v0;
	v3 =	vsub.s32 v6, v0;
	v8 =	vnsel vm0, $0x30D4, v8  }
0x2a: {  	vm0 =	vge.s32 v6, v0;
	vm1 =	vmand vm2, vm1;
	vm2 =	vmand vm3, vm4;
	[tilespmem:$0x160] =	vst v11  }
0x2b: {  	vm3 =	vge.s32 v7, v0;
	[tilespmem:$0x170] =	vst v8;
	v5 =	vnsel vm1, $0x30D4, v5;
	v63 =	vnsel vm2, $0x30D4, v10  }
0x2c: {  	vm2 =	vlt.s32 v6, v1;
	vm5 =	vmand vm3, vm5;
	vm3 =	vmand vm6, vm7;
	[tilespmem:$0x100] =	vst v5  }
0x2d: {  	s20 =	simm.s32 $0x10;
	vm1 =	vge.s32 v2, v0;
	v5 =	vsub.s32 v7, v0;
	vm4 =	vlt.s32 v2, v1;
	[tilespmem:$0x110] =	vst v63  }
.LBB2_3:
0x2e: {  	p0 =	sne.s32 s20, $0x1870;
	v5 =	vnsel vm5, $0x30D4, v5;
	vm1 =	vmand vm1, vm4;
	v2 =	vsub.s32 v2, v0;
	s21 =	smov.u32 s20;
	s20 =	sadd.s32 $0x10, s20  }
0x2f: {  	[tilespmem:$0x130] =	vst v5;
	v2 =	vnsel vm1, $0x30D4, v2  }
0x30: {  	vm0 =	vmand vm0, vm2;
	v4 =	vnsel vm3, $0x30D4, v4;
	[tilespmem:$0x150] =	vst v2  }
0x31: {  	v2 =	vnsel vm0, $0x30D4, v3;
	[tilespmem:$0x140] =	vst v4  }
0x32: {  	[tilespmem:$0x120] =	vst v2  }
0x33: {  	[tilespmem:s15], [sflag:$0x1] =	stream.indirect.gather [hbm4b:s4+s14], $0x80, s3, s14, $0xb8;
	[tilespmem:$0x1C980] =	vst v63  }
0x34: {  	_ =	swait.ge [sflag:s16], $0x4000  }
0x35: {  	[sflag:s16] =	ssyncset.done $0x0  }
0x36: {  	[sflag:s16] =	ssyncadd.s32 $0xFFFFC000  }
0x37: {  	[spmem:s2] =	stream.indirect.scatter.add.f32 [tilespmem:s15], [sflag:$0x2], $0x80, s17, s14, $0xb8;
	[tilespmem:$0x1C980] =	vst v63  }
0x38: {  	_ =	swait.ge [sflag:s13], $0x4000  }
0x39: {  	[sflag:s13] =	ssyncset.done $0x0  }
0x3a: {  	s22 =	sadd.s32 s21, s11;
	[sflag:s13] =	ssyncadd.s32 $0xFFFFC000  }
0x3b: {  	[tilespmem:s3], [sflag:$0x2] =	stream.linear.gather [hbm4b:s22+s3], $0x80, $0x38;
	[tilespmem:$0x1C980] =	vst v63  }
0x3c: {  	_ =	swait.ge [sflag:s13], $0x80  }
0x3d: {  	[sflag:s13] =	ssyncset.done $0x0  }
0x3e: {  	s21 =	sadd.s32 s21, s10;
	[sflag:s13] =	ssyncadd.s32 $0xFFFFFF80  }
0x3f: {  	[tilespmem:s14], [sflag:$0x2] =	stream.linear.gather [hbm4b:s21+s3], $0x80, $0x38;
	[tilespmem:$0x1C980] =	vst v63  }
0x40: {  	_ =	swait.ge [sflag:s13], $0x80  }
0x41: {  	[sflag:s13] =	ssyncset.done $0x0  }
0x42: {  	[sflag:s13] =	ssyncadd.s32 $0xFFFFFF80  }
0x43: {  	v2 =	vld [tilespmem:$0xF0]  }
0x44: {  	v3 =	vld [tilespmem:$0xE0]  }
0x45: {  	v4 =	vld [tilespmem:$0x90]  }
0x46: {  	v5 =	vld [tilespmem:$0x80]  }
0x47: {  	v6 =	vld [tilespmem:$0xA0]  }
0x48: {  	v7 =	vld [tilespmem:$0xB0];
	vm0 =	vge.s32 v2, v0;
	vm1 =	vlt.s32 v2, v1;
	v8 =	vsub.s32 v2, v0  }
0x49: {  	v9 =	vld [tilespmem:$0xC0];
	vm2 =	vge.s32 v3, v0;
	vm3 =	vlt.s32 v3, v1;
	v3 =	vsub.s32 v3, v0  }
0x4a: {  	vm0 =	vmand vm0, vm1;
	v10 =	vsub.s32 v4, v0;
	v2 =	vld [tilespmem:$0xD0];
	vm2 =	vmand vm2, vm3  }
0x4b: {  	vm3 =	vge.s32 v4, v0;
	vm1 =	vlt.s32 v5, v1;
	v3 =	vnsel vm2, $0x30D4, v3  }
0x4c: {  	vm4 =	vlt.s32 v4, v1;
	vm2 =	vge.s32 v5, v0;
	v5 =	vsub.s32 v5, v0;
	[tilespmem:$0x160] =	vst v3  }
0x4d: {  	v8 =	vnsel vm0, $0x30D4, v8;
	vm1 =	vmand vm2, vm1;
	v3 =	vsub.s32 v6, v0  }
.Ltmp0:
0x4e: {  	vm2 =	vmand vm3, vm4;
	v5 =	vnsel vm1, $0x30D4, v5;
	v4 =	vsub.s32 v9, v0;
	[tilespmem:$0x170] =	vst v8;
	(pc) =	sbr.rel @p0 .LBB2_3-.Ltmp0, $4  }
0x4f: {  	vm0 =	vge.s32 v6, v0;
	vm3 =	vge.s32 v7, v0;
	[tilespmem:$0x100] =	vst v5;
	vm1 =	vge.s32 v2, v0  }
0x50: {  	vm5 =	vlt.s32 v7, v1;
	vm6 =	vge.s32 v9, v0;
	v5 =	vnsel vm2, $0x30D4, v10  }
0x51: {  	vm7 =	vlt.s32 v9, v1;
	vm4 =	vlt.s32 v2, v1;
	[tilespmem:$0x110] =	vst v5;
	v5 =	vsub.s32 v7, v0  }
0x52: {  	vm5 =	vmand vm3, vm5;
	vm2 =	vlt.s32 v6, v1;
	vm3 =	vmand vm6, vm7  }
0x53: {  	v1 =	vnsel vm5, $0x30D4, v5  }
0x54: {  	vm1 =	vmand vm1, vm4;
	v0 =	vsub.s32 v2, v0;
	v62 =	vnsel vm3, $0x30D4, v4;
	[tilespmem:$0x130] =	vst v1  }
0x55: {  	vm0 =	vmand vm0, vm2;
	v0 =	vnsel vm1, $0x30D4, v0;
	[tilespmem:$0x140] =	vst v62  }
0x56: {  	v63 =	vnsel vm0, $0x30D4, v3;
	[tilespmem:$0x150] =	vst v0  }
0x57: {  	[tilespmem:$0x120] =	vst v63  }
0x58: {  	[tilespmem:s15], [sflag:$0x1] =	stream.indirect.gather [hbm4b:s4+s14], $0x80, s3, s14, $0xb8;
	[tilespmem:$0x1C980] =	vst v63  }
0x59: {  	_ =	swait.ge [sflag:s16], $0x4000  }
0x5a: {  	[sflag:s16] =	ssyncset.done $0x0  }
0x5b: {  	s20 =	smul.u32 $0x3100, s19;
	[sflag:s16] =	ssyncadd.s32 $0xFFFFC000  }
0x5c: {  	[spmem:s2] =	stream.indirect.scatter.add.f32 [tilespmem:s15], [sflag:$0x2], $0x80, s17, s14, $0xb8;
	[tilespmem:$0x1C980] =	vst v63  }
0x5d: {  	_ =	swait.ge [sflag:s13], $0x4000  }
0x5e: {  	s20 =	sadd.s32 s5, s20;
	[sflag:s13] =	ssyncset.done $0x0  }
0x5f: {  	s19 =	sadd.s32 $0x1, s19;
	s20 =	sshll.u32 s20, $0x4;
	[sflag:s13] =	ssyncadd.s32 $0xFFFFC000  }
0x60: {  	p0 =	sne.s32 s19, $0x8;
	s20 =	sadd.s32 s20, s8;
	[bflag:$0x0] =	sbarrier.arrive $0xFFFF  }
0x61: {  	[hbm:s20], [sflag:s7] =	dma.local [spmem:s12], $0x3100  }
.Ltmp1:
0x62: {  	_ =	swait.ge [sflag:s13], $0x3100;
	(pc) =	sbr.rel @p0 .LBB2_2-.Ltmp1, $3  }
0x63: {  	[sflag:s13] =	ssyncset.done $0x0  }
0x64: {  	[sflag:s13] =	ssyncadd.s32 $0xFFFFCF00  }
0x65: {  	[bflag:$0x0] =	sbarrier.arrive $0xFFFF;
	_ =	sdelay $0x1  }
0x66: {  	s18 =	sadd.s32 $0x1, s18  }
0x67: {  	p0 =	sne.s32 s18, s9  }
.Ltmp2:
0x68: {  	_ = 	snop;
	(pc) =	sbr.rel @p0 .LBB2_1-.Ltmp2, $1  }
0x69: {  	_ =	sdelay $0x3  }
0x6a: {  	_ =	sfence.sel $0x180000  }
0x6b: {  	[bflag:$0x0] =	sbarrier.arrive $0xFFFF  }
0x6c: {  	p0 =	sne.s32 s1, $0x0;
	_ =	strace $0x9000004D  }
0x6d: {  	s0 =	sadd.s32 @!p0 $0x100000, s0;
	[bflag:$0x2] =	sbarrier.arrive $0xFFFF  }
0x6e: {  	[sflag:s0] =	ssyncadd.tile.s32 @!p0 $0x1;
	_ =	shalt  }
.Lfunc_end2:
_tile_overlayer_lowered:
.L_overlay_start_2:
0x6f: {  	(tag) =	ssettag $0x2  }
0x70: {  	s0 =	rddreg [dreg:$0x0];
	s2 =	stileid.u32  }
0x71: {  	s1 =	rddreg [dreg:$0x1];
	p0 =	sne.s32 s2, $0x0  }
0x72: {  	s3 =	rddreg [dreg:$0x2];
	[bflag:$0x3] =	sbarrier.arrive $0xFFFF;
	s2 =	simm.s32 @!p0 $0x1C02  }
0x73: {  	[timem:s3], [sflag:s2] =	dma.local @!p0 [hbm:s0], s1  }
0x74: {  	s0 =	simm.s32 @!p0 $0x2  }
0x75: {  	_ =	swait.ge @!p0 [sflag:s0], s1  }
0x76: {  	s1 =	ssub.s32 @!p0 $0x0, s1;
	[sflag:s0] =	ssyncset.done @!p0 $0x0  }
0x77: {  	[sflag:s0] =	ssyncadd.s32 @!p0 s1  }
0x78: {  	[bflag:$0x3] =	sbarrier.arrive $0xFFFF  }
0x79: {  	_ =	shalt  }

// kernel: kernel.18.cloned.1.call-start
scs
__scs_entry_jumppad:
0x0: {  	(pc) =	sbr.rel $0x88, $3  }
0x1: {  	(tag) =	ssettag $0x0;
	lr =	simm.s32 $0x1  }
0x2: {  	[smem:$0x3F9B] =	sst lr;
	_ =	strace $0xD0000000  }
0x3: {  	_ = 	snop  }
0x4: {  	_ = 	snop  }
0x5: {  	_ = 	snop  }
0x6: {  	_ = 	snop  }
0x7: {  	_ = 	snop  }
__scs_overlays_trampoline_lowered:
0x8: {  	[smem:$0x3FAA] =	sst s0  }
0x9: {  	[smem:$0x3FAB] =	sst s1  }
0xa: {  	[smem:$0x3FAC] =	sst s2  }
0xb: {  	[smem:$0x3FAD] =	sst s3  }
0xc: {  	[smem:$0x3FAE] =	sst s4  }
0xd: {  	[smem:$0x3FAF] =	sst s5  }
0xe: {  	[smem:$0x3FB0] =	sst s6  }
0xf: {  	[smem:$0x3FB1] =	sst s7  }
0x10: {  	[smem:$0x3FB2] =	sst s8  }
0x11: {  	[smem:$0x3FB3] =	sst s9;
	s0 =	simm.s32 @!p0 $0x0  }
0x12: {  	s1 =	sld [smem:$0x3F99];
	s0 =	simm.s32 @p0 $0x1  }
0x13: {  	[smem:$0x3FB4] =	sst s0;
	s0 =	simm.s32 @!p1 $0x0  }
0x14: {  	s2 =	sld [smem:$0x3F98];
	s0 =	simm.s32 @p1 $0x1  }
0x15: {  	[smem:$0x3FB5] =	sst s0;
	s0 =	simm.s32 @!p2 $0x0  }
0x16: {  	s3 =	sld [smem:$0x3FDB];
	s0 =	simm.s32 @p2 $0x1  }
0x17: {  	s4 =	simm.s32 $0x1BF5;
	[smem:$0x3FB7] =	sst s0  }
0x18: {  	s0 =	sld [smem:$0x3F9A];
	_ =	swait.ge [sflag:s4], $0x0  }
0x19: {  	s7 =	sld [smem:$0x3F9B]  }
0x1a: {  	s8 =	sadd.s32 $0xFFFFE003, lr  }
0x1b: {  	s9 =	sadd.s32 $0xFFFFFEF7, lr;
	s5 =	simm.s32 $0xFFFFFFFF;
	p2 =	slt.u32 s8, $0xFFFFF086  }
0x1c: {  	p1 =	slt.u32 s9, $0xF7A;
	s5 =	simm.s32 @!p2 $0x0  }
0x1d: {  	s5 =	simm.s32 @p1 $0x1;
	p0 =	seq.s32 s7, s2  }
0x1e: {  	s7 =	smul.u32 @!p0 $0xF7A, s2;
	p2 =	seq.s32 @!p0 s5, $0x0  }
0x1f: {  	s9 =	smul.u32 $0xF7A, s1;
	s8 =	simm.s32 @!p0 $0x1BF5;
	p2 =	por !p2, p0  }
0x20: {  	[sflag:s8] =	ssyncset.s32 @!p0 $0xFFFFF086;
	s6 =	sadd.s32 @!p0 s3, s7;
	s7 =	simm.s32 @!p0 $0x108  }
0x21: {  	s3 =	sadd.s32 s3, s9;
	s6 =	sadd.s32 @!p0 $0x88, s6;
	s7 =	simm.s32 @p2 $0x1082  }
0x22: {  	[simem:s7], [sflag:s8] =	dma.local @!p0 [hbm:s6], $0xF7A  }
0x23: {  	s9 =	sor.u32 $0xD0000000, s2;
	s6 =	simm.s32 $0x108;
	_ =	swait.ge @!p0 [sflag:s8], $0x0  }
0x24: {  	s3 =	sadd.s32 $0x88, s3;
	s6 =	simm.s32 @!p1 $0x1082;
	[sflag:s4] =	ssyncset.s32 $0xFFFFF086  }
0x25: {  	[simem:s6], [sflag:s4] =	dma.local [hbm:s3], $0xF7A  }
0x26: {  	[smem:$0x3F9B] =	sst s1;
	(tag) =	ssettag s2;
	_ =	strace s9  }
0x27: {  	s1 =	sld [smem:$0x3FAB]  }
0x28: {  	s2 =	sld [smem:$0x3FAC]  }
0x29: {  	s4 =	sld [smem:$0x3FAE]  }
0x2a: {  	p0 =	seq.s32 s5, $0x0;
	s5 =	sld [smem:$0x3FAF]  }
0x2b: {  	s6 =	sld [smem:$0x3FB0]  }
0x2c: {  	s7 =	sld [smem:$0x3FB1]  }
0x2d: {  	s3 =	simm.s32 $0x108;
	s8 =	sld [smem:$0x3FB2]  }
0x2e: {  	s3 =	simm.s32 @!p0 $0x1082;
	s9 =	sld [smem:$0x3FB3]  }
0x2f: {  	lr =	sadd.s32 s0, s3;
	s0 =	sld [smem:$0x3FAA]  }
0x30: {  	s3 =	sld [smem:$0x3FAD]  }
0x31: {  	[smem:$0x3FB6] =	sst s10  }
0x32: {  	s10 =	sld [smem:$0x3FB4];
	_ =	sdelay $0x3  }
0x33: {  	p0 =	seq.s32 s10, $0x1;
	s10 =	sld [smem:$0x3FB6];
	_ =	sdelay $0x3  }
0x34: {  	[smem:$0x3FB6] =	sst s10  }
0x35: {  	s10 =	sld [smem:$0x3FB5];
	_ =	sdelay $0x3  }
0x36: {  	p1 =	seq.s32 s10, $0x1;
	s10 =	sld [smem:$0x3FB6];
	_ =	sdelay $0x3  }
0x37: {  	[smem:$0x3FB6] =	sst s10  }
0x38: {  	s10 =	sld [smem:$0x3FB7]  }
0x39: {  	_ = 	snop;
	(pc) =	sbr.ind lr, $3  }
0x3a: {  	_ = 	snop  }
0x3b: {  	_ = 	snop  }
0x3c: {  	p2 =	seq.s32 s10, $0x1;
	s10 =	sld [smem:$0x3FB6]  }
0x3d: {  	_ =	shalt  }
0x3e: {  	_ =	shalt  }
0x3f: {  	_ =	shalt  }
0x40: {  	_ =	shalt  }
0x41: {  	_ =	shalt  }
0x42: {  	_ =	shalt  }
0x43: {  	_ =	shalt  }
0x44: {  	_ =	shalt  }
0x45: {  	_ =	shalt  }
0x46: {  	_ =	shalt  }
0x47: {  	_ =	shalt  }
0x48: {  	_ =	shalt  }
0x49: {  	_ =	shalt  }
0x4a: {  	_ =	shalt  }
0x4b: {  	_ =	shalt  }
0x4c: {  	_ =	shalt  }
0x4d: {  	_ =	shalt  }
0x4e: {  	_ =	shalt  }
0x4f: {  	_ =	shalt  }
0x50: {  	_ =	shalt  }
0x51: {  	_ =	shalt  }
0x52: {  	_ =	shalt  }
0x53: {  	_ =	shalt  }
0x54: {  	_ =	shalt  }
0x55: {  	_ =	shalt  }
0x56: {  	_ =	shalt  }
0x57: {  	_ =	shalt  }
0x58: {  	_ =	shalt  }
0x59: {  	_ =	shalt  }
0x5a: {  	_ =	shalt  }
0x5b: {  	_ =	shalt  }
0x5c: {  	_ =	shalt  }
0x5d: {  	_ =	shalt  }
0x5e: {  	_ =	shalt  }
0x5f: {  	_ =	shalt  }
0x60: {  	_ =	shalt  }
0x61: {  	_ =	shalt  }
0x62: {  	_ =	shalt  }
0x63: {  	_ =	shalt  }
0x64: {  	_ =	shalt  }
0x65: {  	_ =	shalt  }
0x66: {  	_ =	shalt  }
0x67: {  	_ =	shalt  }
0x68: {  	_ =	shalt  }
0x69: {  	_ =	shalt  }
0x6a: {  	_ =	shalt  }
0x6b: {  	_ =	shalt  }
0x6c: {  	_ =	shalt  }
0x6d: {  	_ =	shalt  }
0x6e: {  	_ =	shalt  }
0x6f: {  	_ =	shalt  }
0x70: {  	_ =	shalt  }
0x71: {  	_ =	shalt  }
0x72: {  	_ =	shalt  }
0x73: {  	_ =	shalt  }
0x74: {  	_ =	shalt  }
0x75: {  	_ =	shalt  }
0x76: {  	_ =	shalt  }
0x77: {  	_ =	shalt  }
0x78: {  	_ =	shalt  }
0x79: {  	_ =	shalt  }
0x7a: {  	_ =	shalt  }
0x7b: {  	_ =	shalt  }
0x7c: {  	_ =	shalt  }
0x7d: {  	_ =	shalt  }
0x7e: {  	_ =	shalt  }
0x7f: {  	_ =	shalt  }
0x80: {  	_ =	shalt  }
0x81: {  	_ =	shalt  }
0x82: {  	_ =	shalt  }
0x83: {  	_ =	shalt  }
0x84: {  	_ =	shalt  }
0x85: {  	_ =	shalt  }
0x86: {  	_ =	shalt  }
0x87: {  	_ =	shalt  }
.Lfunc_end0:
.L_simem_size_0:
called_computation.6_lowered:
.L_overlay_start_0:
0x88: {  	s2 =	sld [smem:$0x3FD9]  }
0x89: {  	s3 =	sld [smem:$0x3FFE];
	_ =	sdelay $0x1  }
0x8a: {  	s1 =	srdreg.scid  }
0x8b: {  	s0 =	sand.u32 $0x1, s1  }
0x8c: {  	s16 =	sshll.u32 s0, $0xA;
	s2 =	sadd.s32 s3, s2  }
0x8d: {  	s2 =	sadd.s32 s2, s16  }
0x8e: {  	[smem:$0x3FC2] =	sst s2  }
0x8f: {  	_ = 	snop  }
0x90: {  	(tm) =	ssettm $0x1  }
0x91: {  	s17 =	sld [smem:$0x3FFB];
	_ =	sdelay $0x3  }
0x92: {  	_ =	strace s17  }
0x93: {  	s2 =	sld [smem:$0x3FFC];
	_ =	sdelay $0x3  }
0x94: {  	_ =	strace s2  }
0x95: {  	s2 =	sld [smem:$0x3FFD];
	_ =	sdelay $0x3  }
0x96: {  	_ =	strace s2  }
0x97: {  	_ =	strace $0x8FFFFFFF  }
0x98: {  	s18 =	sld [smem:$0x3FDB];
	_ =	sdelay $0x1  }
0x99: {  	s19 =	simm.s32 $_scs_section_size  }
0x9a: {  	s4 =	simm.s32 $_size__tile_overlayer_lowered;
	s5 =	simm.s32 $_tile_overlayer_lowered  }
0x9b: {  	s22 =	simm.s32 $0x1BFF;
	s21 =	sshll.u32 s5, $0x1;
	s2 =	sadd.s32 s19, s18  }
0x9c: {  	s6 =	simm.s32 $0x0;
	s20 =	sshll.u32 s4, $0x1;
	s4 =	sadd.s32 s21, s2  }
0x9d: {  	[timem:s6], [sflag:s22] =	dma.local [hbm:s4], s20  }
0x9e: {  	_ =	swait.ge [sflag:s22], s20  }
0x9f: {  	s3 =	ssub.s32 $0x0, s20;
	[sflag:s22] =	ssyncset.done $0x0  }
0xa0: {  	[sflag:s22] =	ssyncadd.s32 s3;
	_ =	sdelay $0x1  }
0xa1: {  	s23 =	simm.s32 $0x1B8B  }
0xa2: {  	_ =	swait.ge [sflag:s23], $0x1  }
0xa3: {  	[sflag:s23] =	ssyncset.done $0x0  }
0xa4: {  	s25 =	simm.s32 $0x1B8E;
	s24 =	sld [smem:$0x3FFE];
	[sflag:s23] =	ssyncadd.s32 $0xFFFFFFFF  }
0xa5: {  	s26 =	simm.s32 $execute0_lowered;
	[smem:$0x3FD2] =	sst s25  }
0xa6: {  	s4 =	sshll.u32 s26, $0x1;
	_ =	strace $0x80000052;
	[dreg:$0x1] =	wrdreg $0xFFFFFFFF  }
0xa7: {  	s28 =	simm.s32 $_size_execute0_lowered;
	s2 =	sadd.s32 s2, s4;
	[dreg:$0x0] =	wrdreg $0x0  }
0xa8: {  	s4 =	sshll.u32 s28, $0x1;
	[dreg:$0x2] =	wrdreg s2  }
0xa9: {  	[dreg:$0x3] =	wrdreg s4  }
0xaa: {  	[dreg:$0x4] =	wrdreg $0xC0  }
0xab: {  	_ =	task [dreg:s6], $0x5FFFF  }
0xac: {  	[dreg:$0x1] =	wrdreg $0xFFFFFFFF  }
0xad: {  	[dreg:$0x0] =	wrdreg $0x60  }
0xae: {  	[dreg:$0x2] =	wrdreg s24  }
0xaf: {  	[dreg:$0x3] =	wrdreg $0x41800  }
0xb0: {  	[dreg:$0x4] =	wrdreg $0x9  }
0xb1: {  	_ =	task.clear_ibuf [dreg:s6], $0x5FFFF;
	_ =	strace $0x90000052  }
0xb2: {  	s29 =	simm.s32 $0x9;
	_ =	strace $0x80000054  }
0xb3: {  	_ =	swait.ge [sflag:s29], $0x1  }
0xb4: {  	[sflag:s29] =	ssyncadd.s32 $0xFFFFFFFF  }
0xb5: {  	_ =	strace $0x90000054  }
0xb6: {  	_ =	sfence  }
0xb7: {  	s30 =	sld [smem:$0x0];
	_ =	sdelay $0x2  }
0xb8: {  	s31 =	sshll.u32 s1, $0xD;
	s1 =	sshrl.u32 s1, $0x2  }
0xb9: {  	s3 =	sand.u32 $0x4000, s31;
	s1 =	sadd.s32 s1, s30  }
0xba: {  	s0 =	sor.u32 s3, s0;
	s1 =	sshll.u32 s1, $0x11  }
0xbb: {  	s0 =	sor.u32 s1, s0  }
0xbc: {  	s0 =	sadd.s32 $0x8F2B, s0  }
0xbd: {  	[sflag:s0] =	ssyncadd.remote.s32 $0x1  }
0xbe: {  	_ =	sfence.sel $0xFFFF  }
0xbf: {  	[dreg:$0x0] =	wrdreg $0xFFFFFFFF;
	(pc) =	sbr.abs _section_cstart, $3  }
0xc0: {  	[dreg:$0x1] =	wrdreg $0xFFFFFFFF  }
0xc1: {  	_ =	task.clear_ibuf [dreg:s6], $0x2FFFF;
	_ =	strace $0x9FFFFFFF  }
0xc2: {  	(tm) =	ssettm $0x7FFFFFFF  }
0xc3: {  	_ =	shalt  }
tec
execute0_lowered:
.L_overlay_start_1:
0x0: {  	(tag) =	ssettag $0x1  }
0x1: {  	s5 =	rddreg [dreg:$0x0]  }
0x2: {  	s2 =	rddreg [dreg:$0x1]  }
0x3: {  	s0 =	rddreg [dreg:$0x2];
	s3 =	simm.s32 $0x0  }
0x4: {  	s1 =	stileid.u32;
	s4 =	srdreg.scid;
	s14 =	simm.s32 $0x80  }
0x5: {  	s15 =	simm.s32 $0x180;
	s16 =	simm.s32 $0x1;
	s17 =	simm.s32 $0x100  }
0x6: {  	s18 =	simm.s32 $0x0;
	[smem:$0x7FF] =	sst s3;
	s6 =	smul.u32 $0x3100, s1  }
0x7: {  	s7 =	sand.u32 $0x1, s4;
	s4 =	sadd.s32 $0x66800, s5;
	s11 =	smul.u32 $0x62000, s1  }
0x8: {  	s30 =	sshll.u32 s1, $0x6;
	_ =	strace $0x80000053;
	s8 =	smul.u32 $0x188000, s7  }
0x9: {  	s9 =	ssub.s32 $0x2, s7;
	s12 =	smul.u32 $0x1880, s7;
	s7 =	sor.u32 $0x1C02, s30  }
0xa: {  	s10 =	sadd.s32 s6, s5;
	s28 =	sshrl.u32 s9, $0x1;
	s29 =	sshrl.u32 s11, $0x2  }
0xb: {  	s8 =	sadd.s32 s8, s5;
	s9 =	ssub.s32 s9, s28;
	s5 =	smul.u32 $0x310, s1  }
0xc: {  	s13 =	sadd.s32 s29, s2;
	s6 =	sadd.s32 $0x1ED200, s10;
	s31 =	sadd.s32 s12, s10  }
0xd: {  	s8 =	sadd.s32 $0xB45E00, s8;
	s9 =	smax.u32 s9, $0x1;
	s10 =	sadd.s32 $0x4800, s31  }
0xe: {  	s11 =	sadd.s32 $0x35800, s31;
	s12 =	sshrl.u32 s13, $0x3;
	s13 =	simm.s32 $0x2  }
.LBB2_1:
0xf: {  	s19 =	simm.s32 $0x0  }
.LBB2_2:
0x10: {  	[spmem:s12], [sflag:s7] =	dma.local [hbm:s6], $0x3100  }
0x11: {  	_ =	swait.ge [sflag:s13], $0x3100  }
0x12: {  	[sflag:s13] =	ssyncset.done $0x0  }
0x13: {  	[sflag:s13] =	ssyncadd.s32 $0xFFFFCF00  }
0x14: {  	s20 =	sadd.s32 $0x0, s11;
	[bflag:$0x0] =	sbarrier.arrive $0xFFFF  }
0x15: {  	[tilespmem:s3], [sflag:$0x2] =	stream.linear.gather [hbm4b:s20+s3], $0x80, $0x38;
	[tilespmem:$0x1C980] =	vst v63  }
0x16: {  	_ =	swait.ge [sflag:s13], $0x80  }
0x17: {  	[sflag:s13] =	ssyncset.done $0x0  }
0x18: {  	s30 =	sadd.s32 $0x0, s10;
	[sflag:s13] =	ssyncadd.s32 $0xFFFFFF80  }
0x19: {  	[tilespmem:s14], [sflag:$0x2] =	stream.linear.gather [hbm4b:s30+s3], $0x80, $0x38;
	[tilespmem:$0x1C980] =	vst v63  }
0x1a: {  	_ =	swait.ge [sflag:s13], $0x80  }
0x1b: {  	[sflag:s13] =	ssyncset.done $0x0  }
0x1c: {  	[sflag:s13] =	ssyncadd.s32 $0xFFFFFF80  }
0x1d: {  	v2 =	vld [tilespmem:$0xF0]  }
0x1e: {  	v3 =	vld [tilespmem:$0xE0]  }
0x1f: {  	s31 =	smul.u32 $0x30D4, s19;
	v4 =	vld [tilespmem:$0x90]  }
0x20: {  	v7 =	vld [tilespmem:$0xB0]  }
0x21: {  	s21 =	sadd.s32 $0x30D4, s31;
	v9 =	vld [tilespmem:$0xC0]  }
0x22: {  	v0 =	vmov s31;
	v1 =	vmov s21;
	v5 =	vld [tilespmem:$0x80]  }
0x23: {  	vm0 =	vge.s32 v2, v0;
	vm1 =	vlt.s32 v2, v1;
	v8 =	vsub.s32 v2, v0  }
0x24: {  	v6 =	vld [tilespmem:$0xA0];
	vm2 =	vge.s32 v3, v0;
	vm3 =	vlt.s32 v3, v1;
	v3 =	vsub.s32 v3, v0  }
0x25: {  	v10 =	vsub.s32 v4, v0;
	vm4 =	vlt.s32 v4, v1;
	vm5 =	vlt.s32 v7, v1  }
0x26: {  	vm6 =	vge.s32 v9, v0;
	vm7 =	vlt.s32 v9, v1;
	vm2 =	vmand vm2, vm3  }
0x27: {  	vm0 =	vmand vm0, vm1;
	vm1 =	vlt.s32 v5, v1;
	vm3 =	vge.s32 v4, v0  }
0x28: {  	v2 =	vld [tilespmem:$0xD0];
	v4 =	vsub.s32 v9, v0;
	v11 =	vnsel vm2, $0x30D4, v3;
	vm2 =	vge.s32 v5, v0  }
0x29: {  	v5 =	vsub.s32 v5, v0;
	v3 =	vsub.s32 v6, v0;
	v8 =	vnsel vm0, $0x30D4, v8  }
0x2a: {  	vm0 =	vge.s32 v6, v0;
	vm1 =	vmand vm2, vm1;
	vm2 =	vmand vm3, vm4;
	[tilespmem:$0x160] =	vst v11  }
0x2b: {  	vm3 =	vge.s32 v7, v0;
	[tilespmem:$0x170] =	vst v8;
	v5 =	vnsel vm1, $0x30D4, v5;
	v63 =	vnsel vm2, $0x30D4, v10  }
0x2c: {  	vm2 =	vlt.s32 v6, v1;
	vm5 =	vmand vm3, vm5;
	vm3 =	vmand vm6, vm7;
	[tilespmem:$0x100] =	vst v5  }
0x2d: {  	s20 =	simm.s32 $0x10;
	vm1 =	vge.s32 v2, v0;
	v5 =	vsub.s32 v7, v0;
	vm4 =	vlt.s32 v2, v1;
	[tilespmem:$0x110] =	vst v63  }
.LBB2_3:
0x2e: {  	p0 =	sne.s32 s20, $0x1870;
	v5 =	vnsel vm5, $0x30D4, v5;
	vm1 =	vmand vm1, vm4;
	v2 =	vsub.s32 v2, v0;
	s21 =	smov.u32 s20;
	s20 =	sadd.s32 $0x10, s20  }
0x2f: {  	[tilespmem:$0x130] =	vst v5;
	v2 =	vnsel vm1, $0x30D4, v2  }
0x30: {  	vm0 =	vmand vm0, vm2;
	v4 =	vnsel vm3, $0x30D4, v4;
	[tilespmem:$0x150] =	vst v2  }
0x31: {  	v2 =	vnsel vm0, $0x30D4, v3;
	[tilespmem:$0x140] =	vst v4  }
0x32: {  	[tilespmem:$0x120] =	vst v2  }
0x33: {  	[tilespmem:s15], [sflag:$0x1] =	stream.indirect.gather [hbm4b:s4+s14], $0x80, s3, s14, $0xb8;
	[tilespmem:$0x1C980] =	vst v63  }
0x34: {  	_ =	swait.ge [sflag:s16], $0x4000  }
0x35: {  	[sflag:s16] =	ssyncset.done $0x0  }
0x36: {  	[sflag:s16] =	ssyncadd.s32 $0xFFFFC000  }
0x37: {  	[spmem:s2] =	stream.indirect.scatter.add.f32 [tilespmem:s15], [sflag:$0x2], $0x80, s17, s14, $0xb8;
	[tilespmem:$0x1C980] =	vst v63  }
0x38: {  	_ =	swait.ge [sflag:s13], $0x4000  }
0x39: {  	[sflag:s13] =	ssyncset.done $0x0  }
0x3a: {  	s22 =	sadd.s32 s21, s11;
	[sflag:s13] =	ssyncadd.s32 $0xFFFFC000  }
0x3b: {  	[tilespmem:s3], [sflag:$0x2] =	stream.linear.gather [hbm4b:s22+s3], $0x80, $0x38;
	[tilespmem:$0x1C980] =	vst v63  }
0x3c: {  	_ =	swait.ge [sflag:s13], $0x80  }
0x3d: {  	[sflag:s13] =	ssyncset.done $0x0  }
0x3e: {  	s21 =	sadd.s32 s21, s10;
	[sflag:s13] =	ssyncadd.s32 $0xFFFFFF80  }
0x3f: {  	[tilespmem:s14], [sflag:$0x2] =	stream.linear.gather [hbm4b:s21+s3], $0x80, $0x38;
	[tilespmem:$0x1C980] =	vst v63  }
0x40: {  	_ =	swait.ge [sflag:s13], $0x80  }
0x41: {  	[sflag:s13] =	ssyncset.done $0x0  }
0x42: {  	[sflag:s13] =	ssyncadd.s32 $0xFFFFFF80  }
0x43: {  	v2 =	vld [tilespmem:$0xF0]  }
0x44: {  	v3 =	vld [tilespmem:$0xE0]  }
0x45: {  	v4 =	vld [tilespmem:$0x90]  }
0x46: {  	v5 =	vld [tilespmem:$0x80]  }
0x47: {  	v6 =	vld [tilespmem:$0xA0]  }
0x48: {  	v7 =	vld [tilespmem:$0xB0];
	vm0 =	vge.s32 v2, v0;
	vm1 =	vlt.s32 v2, v1;
	v8 =	vsub.s32 v2, v0  }
0x49: {  	v9 =	vld [tilespmem:$0xC0];
	vm2 =	vge.s32 v3, v0;
	vm3 =	vlt.s32 v3, v1;
	v3 =	vsub.s32 v3, v0  }
0x4a: {  	vm0 =	vmand vm0, vm1;
	v10 =	vsub.s32 v4, v0;
	v2 =	vld [tilespmem:$0xD0];
	vm2 =	vmand vm2, vm3  }
0x4b: {  	vm3 =	vge.s32 v4, v0;
	vm1 =	vlt.s32 v5, v1;
	v3 =	vnsel vm2, $0x30D4, v3  }
0x4c: {  	vm4 =	vlt.s32 v4, v1;
	vm2 =	vge.s32 v5, v0;
	v5 =	vsub.s32 v5, v0;
	[tilespmem:$0x160] =	vst v3  }
0x4d: {  	v8 =	vnsel vm0, $0x30D4, v8;
	vm1 =	vmand vm2, vm1;
	v3 =	vsub.s32 v6, v0  }
.Ltmp0:
0x4e: {  	vm2 =	vmand vm3, vm4;
	v5 =	vnsel vm1, $0x30D4, v5;
	v4 =	vsub.s32 v9, v0;
	[tilespmem:$0x170] =	vst v8;
	(pc) =	sbr.rel @p0 .LBB2_3-.Ltmp0, $4  }
0x4f: {  	vm0 =	vge.s32 v6, v0;
	vm3 =	vge.s32 v7, v0;
	[tilespmem:$0x100] =	vst v5;
	vm1 =	vge.s32 v2, v0  }
0x50: {  	vm5 =	vlt.s32 v7, v1;
	vm6 =	vge.s32 v9, v0;
	v5 =	vnsel vm2, $0x30D4, v10  }
0x51: {  	vm7 =	vlt.s32 v9, v1;
	vm4 =	vlt.s32 v2, v1;
	[tilespmem:$0x110] =	vst v5;
	v5 =	vsub.s32 v7, v0  }
0x52: {  	vm5 =	vmand vm3, vm5;
	vm2 =	vlt.s32 v6, v1;
	vm3 =	vmand vm6, vm7  }
0x53: {  	v1 =	vnsel vm5, $0x30D4, v5  }
0x54: {  	vm1 =	vmand vm1, vm4;
	v0 =	vsub.s32 v2, v0;
	v62 =	vnsel vm3, $0x30D4, v4;
	[tilespmem:$0x130] =	vst v1  }
0x55: {  	vm0 =	vmand vm0, vm2;
	v0 =	vnsel vm1, $0x30D4, v0;
	[tilespmem:$0x140] =	vst v62  }
0x56: {  	v63 =	vnsel vm0, $0x30D4, v3;
	[tilespmem:$0x150] =	vst v0  }
0x57: {  	[tilespmem:$0x120] =	vst v63  }
0x58: {  	[tilespmem:s15], [sflag:$0x1] =	stream.indirect.gather [hbm4b:s4+s14], $0x80, s3, s14, $0xb8;
	[tilespmem:$0x1C980] =	vst v63  }
0x59: {  	_ =	swait.ge [sflag:s16], $0x4000  }
0x5a: {  	[sflag:s16] =	ssyncset.done $0x0  }
0x5b: {  	s20 =	smul.u32 $0x3100, s19;
	[sflag:s16] =	ssyncadd.s32 $0xFFFFC000  }
0x5c: {  	[spmem:s2] =	stream.indirect.scatter.add.f32 [tilespmem:s15], [sflag:$0x2], $0x80, s17, s14, $0xb8;
	[tilespmem:$0x1C980] =	vst v63  }
0x5d: {  	_ =	swait.ge [sflag:s13], $0x4000  }
0x5e: {  	s20 =	sadd.s32 s5, s20;
	[sflag:s13] =	ssyncset.done $0x0  }
0x5f: {  	s19 =	sadd.s32 $0x1, s19;
	s20 =	sshll.u32 s20, $0x4;
	[sflag:s13] =	ssyncadd.s32 $0xFFFFC000  }
0x60: {  	p0 =	sne.s32 s19, $0x8;
	s20 =	sadd.s32 s20, s8;
	[bflag:$0x0] =	sbarrier.arrive $0xFFFF  }
0x61: {  	[hbm:s20], [sflag:s7] =	dma.local [spmem:s12], $0x3100  }
.Ltmp1:
0x62: {  	_ =	swait.ge [sflag:s13], $0x3100;
	(pc) =	sbr.rel @p0 .LBB2_2-.Ltmp1, $3  }
0x63: {  	[sflag:s13] =	ssyncset.done $0x0  }
0x64: {  	[sflag:s13] =	ssyncadd.s32 $0xFFFFCF00  }
0x65: {  	[bflag:$0x0] =	sbarrier.arrive $0xFFFF;
	_ =	sdelay $0x1  }
0x66: {  	s18 =	sadd.s32 $0x1, s18  }
0x67: {  	p0 =	sne.s32 s18, s9  }
.Ltmp2:
0x68: {  	_ = 	snop;
	(pc) =	sbr.rel @p0 .LBB2_1-.Ltmp2, $1  }
0x69: {  	_ =	sdelay $0x3  }
0x6a: {  	_ =	sfence.sel $0x180000  }
0x6b: {  	[bflag:$0x0] =	sbarrier.arrive $0xFFFF  }
0x6c: {  	p0 =	sne.s32 s1, $0x0;
	_ =	strace $0x90000053  }
0x6d: {  	s0 =	sadd.s32 @!p0 $0x100000, s0;
	[bflag:$0x2] =	sbarrier.arrive $0xFFFF  }
0x6e: {  	[sflag:s0] =	ssyncadd.tile.s32 @!p0 $0x1;
	_ =	shalt  }
.Lfunc_end2:
_tile_overlayer_lowered:
.L_overlay_start_2:
0x6f: {  	(tag) =	ssettag $0x2  }
0x70: {  	s0 =	rddreg [dreg:$0x0];
	s2 =	stileid.u32  }
0x71: {  	s1 =	rddreg [dreg:$0x1];
	p0 =	sne.s32 s2, $0x0  }
0x72: {  	s3 =	rddreg [dreg:$0x2];
	[bflag:$0x3] =	sbarrier.arrive $0xFFFF;
	s2 =	simm.s32 @!p0 $0x1C02  }
0x73: {  	[timem:s3], [sflag:s2] =	dma.local @!p0 [hbm:s0], s1  }
0x74: {  	s0 =	simm.s32 @!p0 $0x2  }
0x75: {  	_ =	swait.ge @!p0 [sflag:s0], s1  }
0x76: {  	s1 =	ssub.s32 @!p0 $0x0, s1;
	[sflag:s0] =	ssyncset.done @!p0 $0x0  }
0x77: {  	[sflag:s0] =	ssyncadd.s32 @!p0 s1  }
0x78: {  	[bflag:$0x3] =	sbarrier.arrive $0xFFFF  }
0x79: {  	_ =	shalt  }

// kernel: kernel.21.cloned.1.call-start
scs
__scs_entry_jumppad:
0x0: {  	(pc) =	sbr.rel $0x88, $3  }
0x1: {  	(tag) =	ssettag $0x0;
	lr =	simm.s32 $0x1  }
0x2: {  	[smem:$0x3F9B] =	sst lr;
	_ =	strace $0xD0000000  }
0x3: {  	_ = 	snop  }
0x4: {  	_ = 	snop  }
0x5: {  	_ = 	snop  }
0x6: {  	_ = 	snop  }
0x7: {  	_ = 	snop  }
__scs_overlays_trampoline_lowered:
0x8: {  	[smem:$0x3FAA] =	sst s0  }
0x9: {  	[smem:$0x3FAB] =	sst s1  }
0xa: {  	[smem:$0x3FAC] =	sst s2  }
0xb: {  	[smem:$0x3FAD] =	sst s3  }
0xc: {  	[smem:$0x3FAE] =	sst s4  }
0xd: {  	[smem:$0x3FAF] =	sst s5  }
0xe: {  	[smem:$0x3FB0] =	sst s6  }
0xf: {  	[smem:$0x3FB1] =	sst s7  }
0x10: {  	[smem:$0x3FB2] =	sst s8  }
0x11: {  	[smem:$0x3FB3] =	sst s9;
	s0 =	simm.s32 @!p0 $0x0  }
0x12: {  	s1 =	sld [smem:$0x3F99];
	s0 =	simm.s32 @p0 $0x1  }
0x13: {  	[smem:$0x3FB4] =	sst s0;
	s0 =	simm.s32 @!p1 $0x0  }
0x14: {  	s2 =	sld [smem:$0x3F98];
	s0 =	simm.s32 @p1 $0x1  }
0x15: {  	[smem:$0x3FB5] =	sst s0;
	s0 =	simm.s32 @!p2 $0x0  }
0x16: {  	s3 =	sld [smem:$0x3FDB];
	s0 =	simm.s32 @p2 $0x1  }
0x17: {  	s4 =	simm.s32 $0x1BF5;
	[smem:$0x3FB7] =	sst s0  }
0x18: {  	s0 =	sld [smem:$0x3F9A];
	_ =	swait.ge [sflag:s4], $0x0  }
0x19: {  	s7 =	sld [smem:$0x3F9B]  }
0x1a: {  	s8 =	sadd.s32 $0xFFFFE003, lr  }
0x1b: {  	s9 =	sadd.s32 $0xFFFFFEF7, lr;
	s5 =	simm.s32 $0xFFFFFFFF;
	p2 =	slt.u32 s8, $0xFFFFF086  }
0x1c: {  	p1 =	slt.u32 s9, $0xF7A;
	s5 =	simm.s32 @!p2 $0x0  }
0x1d: {  	s5 =	simm.s32 @p1 $0x1;
	p0 =	seq.s32 s7, s2  }
0x1e: {  	s7 =	smul.u32 @!p0 $0xF7A, s2;
	p2 =	seq.s32 @!p0 s5, $0x0  }
0x1f: {  	s9 =	smul.u32 $0xF7A, s1;
	s8 =	simm.s32 @!p0 $0x1BF5;
	p2 =	por !p2, p0  }
0x20: {  	[sflag:s8] =	ssyncset.s32 @!p0 $0xFFFFF086;
	s6 =	sadd.s32 @!p0 s3, s7;
	s7 =	simm.s32 @!p0 $0x108  }
0x21: {  	s3 =	sadd.s32 s3, s9;
	s6 =	sadd.s32 @!p0 $0x88, s6;
	s7 =	simm.s32 @p2 $0x1082  }
0x22: {  	[simem:s7], [sflag:s8] =	dma.local @!p0 [hbm:s6], $0xF7A  }
0x23: {  	s9 =	sor.u32 $0xD0000000, s2;
	s6 =	simm.s32 $0x108;
	_ =	swait.ge @!p0 [sflag:s8], $0x0  }
0x24: {  	s3 =	sadd.s32 $0x88, s3;
	s6 =	simm.s32 @!p1 $0x1082;
	[sflag:s4] =	ssyncset.s32 $0xFFFFF086  }
0x25: {  	[simem:s6], [sflag:s4] =	dma.local [hbm:s3], $0xF7A  }
0x26: {  	[smem:$0x3F9B] =	sst s1;
	(tag) =	ssettag s2;
	_ =	strace s9  }
0x27: {  	s1 =	sld [smem:$0x3FAB]  }
0x28: {  	s2 =	sld [smem:$0x3FAC]  }
0x29: {  	s4 =	sld [smem:$0x3FAE]  }
0x2a: {  	p0 =	seq.s32 s5, $0x0;
	s5 =	sld [smem:$0x3FAF]  }
0x2b: {  	s6 =	sld [smem:$0x3FB0]  }
0x2c: {  	s7 =	sld [smem:$0x3FB1]  }
0x2d: {  	s3 =	simm.s32 $0x108;
	s8 =	sld [smem:$0x3FB2]  }
0x2e: {  	s3 =	simm.s32 @!p0 $0x1082;
	s9 =	sld [smem:$0x3FB3]  }
0x2f: {  	lr =	sadd.s32 s0, s3;
	s0 =	sld [smem:$0x3FAA]  }
0x30: {  	s3 =	sld [smem:$0x3FAD]  }
0x31: {  	[smem:$0x3FB6] =	sst s10  }
0x32: {  	s10 =	sld [smem:$0x3FB4];
	_ =	sdelay $0x3  }
0x33: {  	p0 =	seq.s32 s10, $0x1;
	s10 =	sld [smem:$0x3FB6];
	_ =	sdelay $0x3  }
0x34: {  	[smem:$0x3FB6] =	sst s10  }
0x35: {  	s10 =	sld [smem:$0x3FB5];
	_ =	sdelay $0x3  }
0x36: {  	p1 =	seq.s32 s10, $0x1;
	s10 =	sld [smem:$0x3FB6];
	_ =	sdelay $0x3  }
0x37: {  	[smem:$0x3FB6] =	sst s10  }
0x38: {  	s10 =	sld [smem:$0x3FB7]  }
0x39: {  	_ = 	snop;
	(pc) =	sbr.ind lr, $3  }
0x3a: {  	_ = 	snop  }
0x3b: {  	_ = 	snop  }
0x3c: {  	p2 =	seq.s32 s10, $0x1;
	s10 =	sld [smem:$0x3FB6]  }
0x3d: {  	_ =	shalt  }
0x3e: {  	_ =	shalt  }
0x3f: {  	_ =	shalt  }
0x40: {  	_ =	shalt  }
0x41: {  	_ =	shalt  }
0x42: {  	_ =	shalt  }
0x43: {  	_ =	shalt  }
0x44: {  	_ =	shalt  }
0x45: {  	_ =	shalt  }
0x46: {  	_ =	shalt  }
0x47: {  	_ =	shalt  }
0x48: {  	_ =	shalt  }
0x49: {  	_ =	shalt  }
0x4a: {  	_ =	shalt  }
0x4b: {  	_ =	shalt  }
0x4c: {  	_ =	shalt  }
0x4d: {  	_ =	shalt  }
0x4e: {  	_ =	shalt  }
0x4f: {  	_ =	shalt  }
0x50: {  	_ =	shalt  }
0x51: {  	_ =	shalt  }
0x52: {  	_ =	shalt  }
0x53: {  	_ =	shalt  }
0x54: {  	_ =	shalt  }
0x55: {  	_ =	shalt  }
0x56: {  	_ =	shalt  }
0x57: {  	_ =	shalt  }
0x58: {  	_ =	shalt  }
0x59: {  	_ =	shalt  }
0x5a: {  	_ =	shalt  }
0x5b: {  	_ =	shalt  }
0x5c: {  	_ =	shalt  }
0x5d: {  	_ =	shalt  }
0x5e: {  	_ =	shalt  }
0x5f: {  	_ =	shalt  }
0x60: {  	_ =	shalt  }
0x61: {  	_ =	shalt  }
0x62: {  	_ =	shalt  }
0x63: {  	_ =	shalt  }
0x64: {  	_ =	shalt  }
0x65: {  	_ =	shalt  }
0x66: {  	_ =	shalt  }
0x67: {  	_ =	shalt  }
0x68: {  	_ =	shalt  }
0x69: {  	_ =	shalt  }
0x6a: {  	_ =	shalt  }
0x6b: {  	_ =	shalt  }
0x6c: {  	_ =	shalt  }
0x6d: {  	_ =	shalt  }
0x6e: {  	_ =	shalt  }
0x6f: {  	_ =	shalt  }
0x70: {  	_ =	shalt  }
0x71: {  	_ =	shalt  }
0x72: {  	_ =	shalt  }
0x73: {  	_ =	shalt  }
0x74: {  	_ =	shalt  }
0x75: {  	_ =	shalt  }
0x76: {  	_ =	shalt  }
0x77: {  	_ =	shalt  }
0x78: {  	_ =	shalt  }
0x79: {  	_ =	shalt  }
0x7a: {  	_ =	shalt  }
0x7b: {  	_ =	shalt  }
0x7c: {  	_ =	shalt  }
0x7d: {  	_ =	shalt  }
0x7e: {  	_ =	shalt  }
0x7f: {  	_ =	shalt  }
0x80: {  	_ =	shalt  }
0x81: {  	_ =	shalt  }
0x82: {  	_ =	shalt  }
0x83: {  	_ =	shalt  }
0x84: {  	_ =	shalt  }
0x85: {  	_ =	shalt  }
0x86: {  	_ =	shalt  }
0x87: {  	_ =	shalt  }
.Lfunc_end0:
.L_simem_size_0:
called_computation.7_lowered:
.L_overlay_start_0:
0x88: {  	s2 =	sld [smem:$0x3FD9]  }
0x89: {  	s3 =	sld [smem:$0x3FFE];
	_ =	sdelay $0x1  }
0x8a: {  	s1 =	srdreg.scid  }
0x8b: {  	s0 =	sand.u32 $0x1, s1  }
0x8c: {  	s16 =	sshll.u32 s0, $0xA;
	s2 =	sadd.s32 s3, s2  }
0x8d: {  	s2 =	sadd.s32 s2, s16  }
0x8e: {  	[smem:$0x3FC2] =	sst s2  }
0x8f: {  	_ = 	snop  }
0x90: {  	(tm) =	ssettm $0x1  }
0x91: {  	s17 =	sld [smem:$0x3FFB];
	_ =	sdelay $0x3  }
0x92: {  	_ =	strace s17  }
0x93: {  	s2 =	sld [smem:$0x3FFC];
	_ =	sdelay $0x3  }
0x94: {  	_ =	strace s2  }
0x95: {  	s2 =	sld [smem:$0x3FFD];
	_ =	sdelay $0x3  }
0x96: {  	_ =	strace s2  }
0x97: {  	_ =	strace $0x8FFFFFFF  }
0x98: {  	s18 =	sld [smem:$0x3FDB];
	_ =	sdelay $0x1  }
0x99: {  	s19 =	simm.s32 $_scs_section_size  }
0x9a: {  	s4 =	simm.s32 $_size__tile_overlayer_lowered;
	s5 =	simm.s32 $_tile_overlayer_lowered  }
0x9b: {  	s22 =	simm.s32 $0x1BFF;
	s21 =	sshll.u32 s5, $0x1;
	s2 =	sadd.s32 s19, s18  }
0x9c: {  	s6 =	simm.s32 $0x0;
	s20 =	sshll.u32 s4, $0x1;
	s4 =	sadd.s32 s21, s2  }
0x9d: {  	[timem:s6], [sflag:s22] =	dma.local [hbm:s4], s20  }
0x9e: {  	_ =	swait.ge [sflag:s22], s20  }
0x9f: {  	s3 =	ssub.s32 $0x0, s20;
	[sflag:s22] =	ssyncset.done $0x0  }
0xa0: {  	[sflag:s22] =	ssyncadd.s32 s3;
	_ =	sdelay $0x1  }
0xa1: {  	s23 =	simm.s32 $0x1B8B  }
0xa2: {  	_ =	swait.ge [sflag:s23], $0x1  }
0xa3: {  	[sflag:s23] =	ssyncset.done $0x0  }
0xa4: {  	s25 =	simm.s32 $0x1B8E;
	s24 =	sld [smem:$0x3FFE];
	[sflag:s23] =	ssyncadd.s32 $0xFFFFFFFF  }
0xa5: {  	s26 =	simm.s32 $execute0_lowered;
	[smem:$0x3FD2] =	sst s25  }
0xa6: {  	s4 =	sshll.u32 s26, $0x1;
	_ =	strace $0x80000058;
	[dreg:$0x1] =	wrdreg $0xFFFFFFFF  }
0xa7: {  	s28 =	simm.s32 $_size_execute0_lowered;
	s2 =	sadd.s32 s2, s4;
	[dreg:$0x0] =	wrdreg $0x0  }
0xa8: {  	s4 =	sshll.u32 s28, $0x1;
	[dreg:$0x2] =	wrdreg s2  }
0xa9: {  	[dreg:$0x3] =	wrdreg s4  }
0xaa: {  	[dreg:$0x4] =	wrdreg $0xC0  }
0xab: {  	_ =	task [dreg:s6], $0x5FFFF  }
0xac: {  	[dreg:$0x1] =	wrdreg $0xFFFFFFFF  }
0xad: {  	[dreg:$0x0] =	wrdreg $0x60  }
0xae: {  	[dreg:$0x2] =	wrdreg s24  }
0xaf: {  	[dreg:$0x3] =	wrdreg $0x41800  }
0xb0: {  	[dreg:$0x4] =	wrdreg $0x9  }
0xb1: {  	_ =	task.clear_ibuf [dreg:s6], $0x5FFFF;
	_ =	strace $0x90000058  }
0xb2: {  	s29 =	simm.s32 $0x9;
	_ =	strace $0x8000005A  }
0xb3: {  	_ =	swait.ge [sflag:s29], $0x1  }
0xb4: {  	[sflag:s29] =	ssyncadd.s32 $0xFFFFFFFF  }
0xb5: {  	_ =	strace $0x9000005A  }
0xb6: {  	_ =	sfence  }
0xb7: {  	s30 =	sld [smem:$0x0];
	_ =	sdelay $0x2  }
0xb8: {  	s31 =	sshll.u32 s1, $0xD;
	s1 =	sshrl.u32 s1, $0x2  }
0xb9: {  	s3 =	sand.u32 $0x4000, s31;
	s1 =	sadd.s32 s1, s30  }
0xba: {  	s0 =	sor.u32 s3, s0;
	s1 =	sshll.u32 s1, $0x11  }
0xbb: {  	s0 =	sor.u32 s1, s0  }
0xbc: {  	s0 =	sadd.s32 $0x8F2B, s0  }
0xbd: {  	[sflag:s0] =	ssyncadd.remote.s32 $0x1  }
0xbe: {  	_ =	sfence.sel $0xFFFF  }
0xbf: {  	[dreg:$0x0] =	wrdreg $0xFFFFFFFF;
	(pc) =	sbr.abs _section_cstart, $3  }
0xc0: {  	[dreg:$0x1] =	wrdreg $0xFFFFFFFF  }
0xc1: {  	_ =	task.clear_ibuf [dreg:s6], $0x2FFFF;
	_ =	strace $0x9FFFFFFF  }
0xc2: {  	(tm) =	ssettm $0x7FFFFFFF  }
0xc3: {  	_ =	shalt  }
tec
execute0_lowered:
.L_overlay_start_1:
0x0: {  	(tag) =	ssettag $0x1  }
0x1: {  	s5 =	rddreg [dreg:$0x0]  }
0x2: {  	s2 =	rddreg [dreg:$0x1]  }
0x3: {  	s0 =	rddreg [dreg:$0x2];
	s3 =	simm.s32 $0x0  }
0x4: {  	s1 =	stileid.u32;
	s4 =	srdreg.scid;
	s14 =	simm.s32 $0x80  }
0x5: {  	s15 =	simm.s32 $0x180;
	s16 =	simm.s32 $0x1;
	s17 =	simm.s32 $0x100  }
0x6: {  	s18 =	simm.s32 $0x0;
	[smem:$0x7FF] =	sst s3;
	s6 =	smul.u32 $0x3100, s1  }
0x7: {  	s7 =	sand.u32 $0x1, s4;
	s4 =	sadd.s32 $0x66800, s5;
	s11 =	smul.u32 $0x62000, s1  }
0x8: {  	s30 =	sshll.u32 s1, $0x6;
	_ =	strace $0x80000059;
	s8 =	smul.u32 $0x188000, s7  }
0x9: {  	s9 =	ssub.s32 $0x2, s7;
	s12 =	smul.u32 $0x1880, s7;
	s7 =	sor.u32 $0x1C02, s30  }
0xa: {  	s10 =	sadd.s32 s6, s5;
	s28 =	sshrl.u32 s9, $0x1;
	s29 =	sshrl.u32 s11, $0x2  }
0xb: {  	s8 =	sadd.s32 s8, s5;
	s9 =	ssub.s32 s9, s28;
	s5 =	smul.u32 $0x310, s1  }
0xc: {  	s13 =	sadd.s32 s29, s2;
	s6 =	sadd.s32 $0x1ED200, s10;
	s31 =	sadd.s32 s12, s10  }
0xd: {  	s8 =	sadd.s32 $0x9BF400, s8;
	s9 =	smax.u32 s9, $0x1;
	s10 =	sadd.s32 $0x4800, s31  }
0xe: {  	s11 =	sadd.s32 $0x35800, s31;
	s12 =	sshrl.u32 s13, $0x3;
	s13 =	simm.s32 $0x2  }
.LBB2_1:
0xf: {  	s19 =	simm.s32 $0x0  }
.LBB2_2:
0x10: {  	[spmem:s12], [sflag:s7] =	dma.local [hbm:s6], $0x3100  }
0x11: {  	_ =	swait.ge [sflag:s13], $0x3100  }
0x12: {  	[sflag:s13] =	ssyncset.done $0x0  }
0x13: {  	[sflag:s13] =	ssyncadd.s32 $0xFFFFCF00  }
0x14: {  	s20 =	sadd.s32 $0x0, s11;
	[bflag:$0x0] =	sbarrier.arrive $0xFFFF  }
0x15: {  	[tilespmem:s3], [sflag:$0x2] =	stream.linear.gather [hbm4b:s20+s3], $0x80, $0x38;
	[tilespmem:$0x1C980] =	vst v63  }
0x16: {  	_ =	swait.ge [sflag:s13], $0x80  }
0x17: {  	[sflag:s13] =	ssyncset.done $0x0  }
0x18: {  	s30 =	sadd.s32 $0x0, s10;
	[sflag:s13] =	ssyncadd.s32 $0xFFFFFF80  }
0x19: {  	[tilespmem:s14], [sflag:$0x2] =	stream.linear.gather [hbm4b:s30+s3], $0x80, $0x38;
	[tilespmem:$0x1C980] =	vst v63  }
0x1a: {  	_ =	swait.ge [sflag:s13], $0x80  }
0x1b: {  	[sflag:s13] =	ssyncset.done $0x0  }
0x1c: {  	[sflag:s13] =	ssyncadd.s32 $0xFFFFFF80  }
0x1d: {  	v2 =	vld [tilespmem:$0xF0]  }
0x1e: {  	v3 =	vld [tilespmem:$0xE0]  }
0x1f: {  	s31 =	smul.u32 $0x30D4, s19;
	v4 =	vld [tilespmem:$0x90]  }
0x20: {  	v7 =	vld [tilespmem:$0xB0]  }
0x21: {  	s21 =	sadd.s32 $0x30D4, s31;
	v9 =	vld [tilespmem:$0xC0]  }
0x22: {  	v0 =	vmov s31;
	v1 =	vmov s21;
	v5 =	vld [tilespmem:$0x80]  }
0x23: {  	vm0 =	vge.s32 v2, v0;
	vm1 =	vlt.s32 v2, v1;
	v8 =	vsub.s32 v2, v0  }
0x24: {  	v6 =	vld [tilespmem:$0xA0];
	vm2 =	vge.s32 v3, v0;
	vm3 =	vlt.s32 v3, v1;
	v3 =	vsub.s32 v3, v0  }
0x25: {  	v10 =	vsub.s32 v4, v0;
	vm4 =	vlt.s32 v4, v1;
	vm5 =	vlt.s32 v7, v1  }
0x26: {  	vm6 =	vge.s32 v9, v0;
	vm7 =	vlt.s32 v9, v1;
	vm2 =	vmand vm2, vm3  }
0x27: {  	vm0 =	vmand vm0, vm1;
	vm1 =	vlt.s32 v5, v1;
	vm3 =	vge.s32 v4, v0  }
0x28: {  	v2 =	vld [tilespmem:$0xD0];
	v4 =	vsub.s32 v9, v0;
	v11 =	vnsel vm2, $0x30D4, v3;
	vm2 =	vge.s32 v5, v0  }
0x29: {  	v5 =	vsub.s32 v5, v0;
	v3 =	vsub.s32 v6, v0;
	v8 =	vnsel vm0, $0x30D4, v8  }
0x2a: {  	vm0 =	vge.s32 v6, v0;
	vm1 =	vmand vm2, vm1;
	vm2 =	vmand vm3, vm4;
	[tilespmem:$0x160] =	vst v11  }
0x2b: {  	vm3 =	vge.s32 v7, v0;
	[tilespmem:$0x170] =	vst v8;
	v5 =	vnsel vm1, $0x30D4, v5;
	v63 =	vnsel vm2, $0x30D4, v10  }
0x2c: {  	vm2 =	vlt.s32 v6, v1;
	vm5 =	vmand vm3, vm5;
	vm3 =	vmand vm6, vm7;
	[tilespmem:$0x100] =	vst v5  }
0x2d: {  	s20 =	simm.s32 $0x10;
	vm1 =	vge.s32 v2, v0;
	v5 =	vsub.s32 v7, v0;
	vm4 =	vlt.s32 v2, v1;
	[tilespmem:$0x110] =	vst v63  }
.LBB2_3:
0x2e: {  	p0 =	sne.s32 s20, $0x1870;
	v5 =	vnsel vm5, $0x30D4, v5;
	vm1 =	vmand vm1, vm4;
	v2 =	vsub.s32 v2, v0;
	s21 =	smov.u32 s20;
	s20 =	sadd.s32 $0x10, s20  }
0x2f: {  	[tilespmem:$0x130] =	vst v5;
	v2 =	vnsel vm1, $0x30D4, v2  }
0x30: {  	vm0 =	vmand vm0, vm2;
	v4 =	vnsel vm3, $0x30D4, v4;
	[tilespmem:$0x150] =	vst v2  }
0x31: {  	v2 =	vnsel vm0, $0x30D4, v3;
	[tilespmem:$0x140] =	vst v4  }
0x32: {  	[tilespmem:$0x120] =	vst v2  }
0x33: {  	[tilespmem:s15], [sflag:$0x1] =	stream.indirect.gather [hbm4b:s4+s14], $0x80, s3, s14, $0xb8;
	[tilespmem:$0x1C980] =	vst v63  }
0x34: {  	_ =	swait.ge [sflag:s16], $0x4000  }
0x35: {  	[sflag:s16] =	ssyncset.done $0x0  }
0x36: {  	[sflag:s16] =	ssyncadd.s32 $0xFFFFC000  }
0x37: {  	[spmem:s2] =	stream.indirect.scatter.add.f32 [tilespmem:s15], [sflag:$0x2], $0x80, s17, s14, $0xb8;
	[tilespmem:$0x1C980] =	vst v63  }
0x38: {  	_ =	swait.ge [sflag:s13], $0x4000  }
0x39: {  	[sflag:s13] =	ssyncset.done $0x0  }
0x3a: {  	s22 =	sadd.s32 s21, s11;
	[sflag:s13] =	ssyncadd.s32 $0xFFFFC000  }
0x3b: {  	[tilespmem:s3], [sflag:$0x2] =	stream.linear.gather [hbm4b:s22+s3], $0x80, $0x38;
	[tilespmem:$0x1C980] =	vst v63  }
0x3c: {  	_ =	swait.ge [sflag:s13], $0x80  }
0x3d: {  	[sflag:s13] =	ssyncset.done $0x0  }
0x3e: {  	s21 =	sadd.s32 s21, s10;
	[sflag:s13] =	ssyncadd.s32 $0xFFFFFF80  }
0x3f: {  	[tilespmem:s14], [sflag:$0x2] =	stream.linear.gather [hbm4b:s21+s3], $0x80, $0x38;
	[tilespmem:$0x1C980] =	vst v63  }
0x40: {  	_ =	swait.ge [sflag:s13], $0x80  }
0x41: {  	[sflag:s13] =	ssyncset.done $0x0  }
0x42: {  	[sflag:s13] =	ssyncadd.s32 $0xFFFFFF80  }
0x43: {  	v2 =	vld [tilespmem:$0xF0]  }
0x44: {  	v3 =	vld [tilespmem:$0xE0]  }
0x45: {  	v4 =	vld [tilespmem:$0x90]  }
0x46: {  	v5 =	vld [tilespmem:$0x80]  }
0x47: {  	v6 =	vld [tilespmem:$0xA0]  }
0x48: {  	v7 =	vld [tilespmem:$0xB0];
	vm0 =	vge.s32 v2, v0;
	vm1 =	vlt.s32 v2, v1;
	v8 =	vsub.s32 v2, v0  }
0x49: {  	v9 =	vld [tilespmem:$0xC0];
	vm2 =	vge.s32 v3, v0;
	vm3 =	vlt.s32 v3, v1;
	v3 =	vsub.s32 v3, v0  }
0x4a: {  	vm0 =	vmand vm0, vm1;
	v10 =	vsub.s32 v4, v0;
	v2 =	vld [tilespmem:$0xD0];
	vm2 =	vmand vm2, vm3  }
0x4b: {  	vm3 =	vge.s32 v4, v0;
	vm1 =	vlt.s32 v5, v1;
	v3 =	vnsel vm2, $0x30D4, v3  }
0x4c: {  	vm4 =	vlt.s32 v4, v1;
	vm2 =	vge.s32 v5, v0;
	v5 =	vsub.s32 v5, v0;
	[tilespmem:$0x160] =	vst v3  }
0x4d: {  	v8 =	vnsel vm0, $0x30D4, v8;
	vm1 =	vmand vm2, vm1;
	v3 =	vsub.s32 v6, v0  }
.Ltmp0:
0x4e: {  	vm2 =	vmand vm3, vm4;
	v5 =	vnsel vm1, $0x30D4, v5;
	v4 =	vsub.s32 v9, v0;
	[tilespmem:$0x170] =	vst v8;
	(pc) =	sbr.rel @p0 .LBB2_3-.Ltmp0, $4  }
0x4f: {  	vm0 =	vge.s32 v6, v0;
	vm3 =	vge.s32 v7, v0;
	[tilespmem:$0x100] =	vst v5;
	vm1 =	vge.s32 v2, v0  }
0x50: {  	vm5 =	vlt.s32 v7, v1;
	vm6 =	vge.s32 v9, v0;
	v5 =	vnsel vm2, $0x30D4, v10  }
0x51: {  	vm7 =	vlt.s32 v9, v1;
	vm4 =	vlt.s32 v2, v1;
	[tilespmem:$0x110] =	vst v5;
	v5 =	vsub.s32 v7, v0  }
0x52: {  	vm5 =	vmand vm3, vm5;
	vm2 =	vlt.s32 v6, v1;
	vm3 =	vmand vm6, vm7  }
0x53: {  	v1 =	vnsel vm5, $0x30D4, v5  }
0x54: {  	vm1 =	vmand vm1, vm4;
	v0 =	vsub.s32 v2, v0;
	v62 =	vnsel vm3, $0x30D4, v4;
	[tilespmem:$0x130] =	vst v1  }
0x55: {  	vm0 =	vmand vm0, vm2;
	v0 =	vnsel vm1, $0x30D4, v0;
	[tilespmem:$0x140] =	vst v62  }
0x56: {  	v63 =	vnsel vm0, $0x30D4, v3;
	[tilespmem:$0x150] =	vst v0  }
0x57: {  	[tilespmem:$0x120] =	vst v63  }
0x58: {  	[tilespmem:s15], [sflag:$0x1] =	stream.indirect.gather [hbm4b:s4+s14], $0x80, s3, s14, $0xb8;
	[tilespmem:$0x1C980] =	vst v63  }
0x59: {  	_ =	swait.ge [sflag:s16], $0x4000  }
0x5a: {  	[sflag:s16] =	ssyncset.done $0x0  }
0x5b: {  	s20 =	smul.u32 $0x3100, s19;
	[sflag:s16] =	ssyncadd.s32 $0xFFFFC000  }
0x5c: {  	[spmem:s2] =	stream.indirect.scatter.add.f32 [tilespmem:s15], [sflag:$0x2], $0x80, s17, s14, $0xb8;
	[tilespmem:$0x1C980] =	vst v63  }
0x5d: {  	_ =	swait.ge [sflag:s13], $0x4000  }
0x5e: {  	s20 =	sadd.s32 s5, s20;
	[sflag:s13] =	ssyncset.done $0x0  }
0x5f: {  	s19 =	sadd.s32 $0x1, s19;
	s20 =	sshll.u32 s20, $0x4;
	[sflag:s13] =	ssyncadd.s32 $0xFFFFC000  }
0x60: {  	p0 =	sne.s32 s19, $0x8;
	s20 =	sadd.s32 s20, s8;
	[bflag:$0x0] =	sbarrier.arrive $0xFFFF  }
0x61: {  	[hbm:s20], [sflag:s7] =	dma.local [spmem:s12], $0x3100  }
.Ltmp1:
0x62: {  	_ =	swait.ge [sflag:s13], $0x3100;
	(pc) =	sbr.rel @p0 .LBB2_2-.Ltmp1, $3  }
0x63: {  	[sflag:s13] =	ssyncset.done $0x0  }
0x64: {  	[sflag:s13] =	ssyncadd.s32 $0xFFFFCF00  }
0x65: {  	[bflag:$0x0] =	sbarrier.arrive $0xFFFF;
	_ =	sdelay $0x1  }
0x66: {  	s18 =	sadd.s32 $0x1, s18  }
0x67: {  	p0 =	sne.s32 s18, s9  }
.Ltmp2:
0x68: {  	_ = 	snop;
	(pc) =	sbr.rel @p0 .LBB2_1-.Ltmp2, $1  }
0x69: {  	_ =	sdelay $0x3  }
0x6a: {  	_ =	sfence.sel $0x180000  }
0x6b: {  	[bflag:$0x0] =	sbarrier.arrive $0xFFFF  }
0x6c: {  	p0 =	sne.s32 s1, $0x0;
	_ =	strace $0x90000059  }
0x6d: {  	s0 =	sadd.s32 @!p0 $0x100000, s0;
	[bflag:$0x2] =	sbarrier.arrive $0xFFFF  }
0x6e: {  	[sflag:s0] =	ssyncadd.tile.s32 @!p0 $0x1;
	_ =	shalt  }
.Lfunc_end2:
_tile_overlayer_lowered:
.L_overlay_start_2:
0x6f: {  	(tag) =	ssettag $0x2  }
0x70: {  	s0 =	rddreg [dreg:$0x0];
	s2 =	stileid.u32  }
0x71: {  	s1 =	rddreg [dreg:$0x1];
	p0 =	sne.s32 s2, $0x0  }
0x72: {  	s3 =	rddreg [dreg:$0x2];
	[bflag:$0x3] =	sbarrier.arrive $0xFFFF;
	s2 =	simm.s32 @!p0 $0x1C02  }
0x73: {  	[timem:s3], [sflag:s2] =	dma.local @!p0 [hbm:s0], s1  }
0x74: {  	s0 =	simm.s32 @!p0 $0x2  }
0x75: {  	_ =	swait.ge @!p0 [sflag:s0], s1  }
0x76: {  	s1 =	ssub.s32 @!p0 $0x0, s1;
	[sflag:s0] =	ssyncset.done @!p0 $0x0  }
0x77: {  	[sflag:s0] =	ssyncadd.s32 @!p0 s1  }
0x78: {  	[bflag:$0x3] =	sbarrier.arrive $0xFFFF  }
0x79: {  	_ =	shalt  }

// kernel: kernel.24.cloned.1.call-start
scs
__scs_entry_jumppad:
0x0: {  	(pc) =	sbr.rel $0x88, $3  }
0x1: {  	(tag) =	ssettag $0x0;
	lr =	simm.s32 $0x1  }
0x2: {  	[smem:$0x3F9B] =	sst lr;
	_ =	strace $0xD0000000  }
0x3: {  	_ = 	snop  }
0x4: {  	_ = 	snop  }
0x5: {  	_ = 	snop  }
0x6: {  	_ = 	snop  }
0x7: {  	_ = 	snop  }
__scs_overlays_trampoline_lowered:
0x8: {  	[smem:$0x3FAA] =	sst s0  }
0x9: {  	[smem:$0x3FAB] =	sst s1  }
0xa: {  	[smem:$0x3FAC] =	sst s2  }
0xb: {  	[smem:$0x3FAD] =	sst s3  }
0xc: {  	[smem:$0x3FAE] =	sst s4  }
0xd: {  	[smem:$0x3FAF] =	sst s5  }
0xe: {  	[smem:$0x3FB0] =	sst s6  }
0xf: {  	[smem:$0x3FB1] =	sst s7  }
0x10: {  	[smem:$0x3FB2] =	sst s8  }
0x11: {  	[smem:$0x3FB3] =	sst s9;
	s0 =	simm.s32 @!p0 $0x0  }
0x12: {  	s1 =	sld [smem:$0x3F99];
	s0 =	simm.s32 @p0 $0x1  }
0x13: {  	[smem:$0x3FB4] =	sst s0;
	s0 =	simm.s32 @!p1 $0x0  }
0x14: {  	s2 =	sld [smem:$0x3F98];
	s0 =	simm.s32 @p1 $0x1  }
0x15: {  	[smem:$0x3FB5] =	sst s0;
	s0 =	simm.s32 @!p2 $0x0  }
0x16: {  	s3 =	sld [smem:$0x3FDB];
	s0 =	simm.s32 @p2 $0x1  }
0x17: {  	s4 =	simm.s32 $0x1BF5;
	[smem:$0x3FB7] =	sst s0  }
0x18: {  	s0 =	sld [smem:$0x3F9A];
	_ =	swait.ge [sflag:s4], $0x0  }
0x19: {  	s7 =	sld [smem:$0x3F9B]  }
0x1a: {  	s8 =	sadd.s32 $0xFFFFE003, lr  }
0x1b: {  	s9 =	sadd.s32 $0xFFFFFEF7, lr;
	s5 =	simm.s32 $0xFFFFFFFF;
	p2 =	slt.u32 s8, $0xFFFFF086  }
0x1c: {  	p1 =	slt.u32 s9, $0xF7A;
	s5 =	simm.s32 @!p2 $0x0  }
0x1d: {  	s5 =	simm.s32 @p1 $0x1;
	p0 =	seq.s32 s7, s2  }
0x1e: {  	s7 =	smul.u32 @!p0 $0xF7A, s2;
	p2 =	seq.s32 @!p0 s5, $0x0  }
0x1f: {  	s9 =	smul.u32 $0xF7A, s1;
	s8 =	simm.s32 @!p0 $0x1BF5;
	p2 =	por !p2, p0  }
0x20: {  	[sflag:s8] =	ssyncset.s32 @!p0 $0xFFFFF086;
	s6 =	sadd.s32 @!p0 s3, s7;
	s7 =	simm.s32 @!p0 $0x108  }
0x21: {  	s3 =	sadd.s32 s3, s9;
	s6 =	sadd.s32 @!p0 $0x88, s6;
	s7 =	simm.s32 @p2 $0x1082  }
0x22: {  	[simem:s7], [sflag:s8] =	dma.local @!p0 [hbm:s6], $0xF7A  }
0x23: {  	s9 =	sor.u32 $0xD0000000, s2;
	s6 =	simm.s32 $0x108;
	_ =	swait.ge @!p0 [sflag:s8], $0x0  }
0x24: {  	s3 =	sadd.s32 $0x88, s3;
	s6 =	simm.s32 @!p1 $0x1082;
	[sflag:s4] =	ssyncset.s32 $0xFFFFF086  }
0x25: {  	[simem:s6], [sflag:s4] =	dma.local [hbm:s3], $0xF7A  }
0x26: {  	[smem:$0x3F9B] =	sst s1;
	(tag) =	ssettag s2;
	_ =	strace s9  }
0x27: {  	s1 =	sld [smem:$0x3FAB]  }
0x28: {  	s2 =	sld [smem:$0x3FAC]  }
0x29: {  	s4 =	sld [smem:$0x3FAE]  }
0x2a: {  	p0 =	seq.s32 s5, $0x0;
	s5 =	sld [smem:$0x3FAF]  }
0x2b: {  	s6 =	sld [smem:$0x3FB0]  }
0x2c: {  	s7 =	sld [smem:$0x3FB1]  }
0x2d: {  	s3 =	simm.s32 $0x108;
	s8 =	sld [smem:$0x3FB2]  }
0x2e: {  	s3 =	simm.s32 @!p0 $0x1082;
	s9 =	sld [smem:$0x3FB3]  }
0x2f: {  	lr =	sadd.s32 s0, s3;
	s0 =	sld [smem:$0x3FAA]  }
0x30: {  	s3 =	sld [smem:$0x3FAD]  }
0x31: {  	[smem:$0x3FB6] =	sst s10  }
0x32: {  	s10 =	sld [smem:$0x3FB4];
	_ =	sdelay $0x3  }
0x33: {  	p0 =	seq.s32 s10, $0x1;
	s10 =	sld [smem:$0x3FB6];
	_ =	sdelay $0x3  }
0x34: {  	[smem:$0x3FB6] =	sst s10  }
0x35: {  	s10 =	sld [smem:$0x3FB5];
	_ =	sdelay $0x3  }
0x36: {  	p1 =	seq.s32 s10, $0x1;
	s10 =	sld [smem:$0x3FB6];
	_ =	sdelay $0x3  }
0x37: {  	[smem:$0x3FB6] =	sst s10  }
0x38: {  	s10 =	sld [smem:$0x3FB7]  }
0x39: {  	_ = 	snop;
	(pc) =	sbr.ind lr, $3  }
0x3a: {  	_ = 	snop  }
0x3b: {  	_ = 	snop  }
0x3c: {  	p2 =	seq.s32 s10, $0x1;
	s10 =	sld [smem:$0x3FB6]  }
0x3d: {  	_ =	shalt  }
0x3e: {  	_ =	shalt  }
0x3f: {  	_ =	shalt  }
0x40: {  	_ =	shalt  }
0x41: {  	_ =	shalt  }
0x42: {  	_ =	shalt  }
0x43: {  	_ =	shalt  }
0x44: {  	_ =	shalt  }
0x45: {  	_ =	shalt  }
0x46: {  	_ =	shalt  }
0x47: {  	_ =	shalt  }
0x48: {  	_ =	shalt  }
0x49: {  	_ =	shalt  }
0x4a: {  	_ =	shalt  }
0x4b: {  	_ =	shalt  }
0x4c: {  	_ =	shalt  }
0x4d: {  	_ =	shalt  }
0x4e: {  	_ =	shalt  }
0x4f: {  	_ =	shalt  }
0x50: {  	_ =	shalt  }
0x51: {  	_ =	shalt  }
0x52: {  	_ =	shalt  }
0x53: {  	_ =	shalt  }
0x54: {  	_ =	shalt  }
0x55: {  	_ =	shalt  }
0x56: {  	_ =	shalt  }
0x57: {  	_ =	shalt  }
0x58: {  	_ =	shalt  }
0x59: {  	_ =	shalt  }
0x5a: {  	_ =	shalt  }
0x5b: {  	_ =	shalt  }
0x5c: {  	_ =	shalt  }
0x5d: {  	_ =	shalt  }
0x5e: {  	_ =	shalt  }
0x5f: {  	_ =	shalt  }
0x60: {  	_ =	shalt  }
0x61: {  	_ =	shalt  }
0x62: {  	_ =	shalt  }
0x63: {  	_ =	shalt  }
0x64: {  	_ =	shalt  }
0x65: {  	_ =	shalt  }
0x66: {  	_ =	shalt  }
0x67: {  	_ =	shalt  }
0x68: {  	_ =	shalt  }
0x69: {  	_ =	shalt  }
0x6a: {  	_ =	shalt  }
0x6b: {  	_ =	shalt  }
0x6c: {  	_ =	shalt  }
0x6d: {  	_ =	shalt  }
0x6e: {  	_ =	shalt  }
0x6f: {  	_ =	shalt  }
0x70: {  	_ =	shalt  }
0x71: {  	_ =	shalt  }
0x72: {  	_ =	shalt  }
0x73: {  	_ =	shalt  }
0x74: {  	_ =	shalt  }
0x75: {  	_ =	shalt  }
0x76: {  	_ =	shalt  }
0x77: {  	_ =	shalt  }
0x78: {  	_ =	shalt  }
0x79: {  	_ =	shalt  }
0x7a: {  	_ =	shalt  }
0x7b: {  	_ =	shalt  }
0x7c: {  	_ =	shalt  }
0x7d: {  	_ =	shalt  }
0x7e: {  	_ =	shalt  }
0x7f: {  	_ =	shalt  }
0x80: {  	_ =	shalt  }
0x81: {  	_ =	shalt  }
0x82: {  	_ =	shalt  }
0x83: {  	_ =	shalt  }
0x84: {  	_ =	shalt  }
0x85: {  	_ =	shalt  }
0x86: {  	_ =	shalt  }
0x87: {  	_ =	shalt  }
.Lfunc_end0:
.L_simem_size_0:
called_computation.8_lowered:
.L_overlay_start_0:
0x88: {  	s2 =	sld [smem:$0x3FD9]  }
0x89: {  	s3 =	sld [smem:$0x3FFE];
	_ =	sdelay $0x1  }
0x8a: {  	s1 =	srdreg.scid  }
0x8b: {  	s0 =	sand.u32 $0x1, s1  }
0x8c: {  	s16 =	sshll.u32 s0, $0xA;
	s2 =	sadd.s32 s3, s2  }
0x8d: {  	s2 =	sadd.s32 s2, s16  }
0x8e: {  	[smem:$0x3FC2] =	sst s2  }
0x8f: {  	_ = 	snop  }
0x90: {  	(tm) =	ssettm $0x1  }
0x91: {  	s17 =	sld [smem:$0x3FFB];
	_ =	sdelay $0x3  }
0x92: {  	_ =	strace s17  }
0x93: {  	s2 =	sld [smem:$0x3FFC];
	_ =	sdelay $0x3  }
0x94: {  	_ =	strace s2  }
0x95: {  	s2 =	sld [smem:$0x3FFD];
	_ =	sdelay $0x3  }
0x96: {  	_ =	strace s2  }
0x97: {  	_ =	strace $0x8FFFFFFF  }
0x98: {  	s18 =	sld [smem:$0x3FDB];
	_ =	sdelay $0x1  }
0x99: {  	s19 =	simm.s32 $_scs_section_size  }
0x9a: {  	s4 =	simm.s32 $_size__tile_overlayer_lowered;
	s5 =	simm.s32 $_tile_overlayer_lowered  }
0x9b: {  	s22 =	simm.s32 $0x1BFF;
	s21 =	sshll.u32 s5, $0x1;
	s2 =	sadd.s32 s19, s18  }
0x9c: {  	s6 =	simm.s32 $0x0;
	s20 =	sshll.u32 s4, $0x1;
	s4 =	sadd.s32 s21, s2  }
0x9d: {  	[timem:s6], [sflag:s22] =	dma.local [hbm:s4], s20  }
0x9e: {  	_ =	swait.ge [sflag:s22], s20  }
0x9f: {  	s3 =	ssub.s32 $0x0, s20;
	[sflag:s22] =	ssyncset.done $0x0  }
0xa0: {  	[sflag:s22] =	ssyncadd.s32 s3;
	_ =	sdelay $0x1  }
0xa1: {  	s23 =	simm.s32 $0x1B8B  }
0xa2: {  	_ =	swait.ge [sflag:s23], $0x1  }
0xa3: {  	[sflag:s23] =	ssyncset.done $0x0  }
0xa4: {  	s25 =	simm.s32 $0x1B8E;
	s24 =	sld [smem:$0x3FFE];
	[sflag:s23] =	ssyncadd.s32 $0xFFFFFFFF  }
0xa5: {  	s26 =	simm.s32 $execute0_lowered;
	[smem:$0x3FD2] =	sst s25  }
0xa6: {  	s4 =	sshll.u32 s26, $0x1;
	_ =	strace $0x8000005E;
	[dreg:$0x1] =	wrdreg $0xFFFFFFFF  }
0xa7: {  	s28 =	simm.s32 $_size_execute0_lowered;
	s2 =	sadd.s32 s2, s4;
	[dreg:$0x0] =	wrdreg $0x0  }
0xa8: {  	s4 =	sshll.u32 s28, $0x1;
	[dreg:$0x2] =	wrdreg s2  }
0xa9: {  	[dreg:$0x3] =	wrdreg s4  }
0xaa: {  	[dreg:$0x4] =	wrdreg $0xC0  }
0xab: {  	_ =	task [dreg:s6], $0x5FFFF  }
0xac: {  	[dreg:$0x1] =	wrdreg $0xFFFFFFFF  }
0xad: {  	[dreg:$0x0] =	wrdreg $0x60  }
0xae: {  	[dreg:$0x2] =	wrdreg s24  }
0xaf: {  	[dreg:$0x3] =	wrdreg $0x9  }
0xb0: {  	_ =	task.clear_ibuf [dreg:s6], $0x4FFFF;
	_ =	strace $0x9000005E  }
0xb1: {  	s29 =	simm.s32 $0x9;
	_ =	strace $0x80000060  }
0xb2: {  	_ =	swait.ge [sflag:s29], $0x1  }
0xb3: {  	[sflag:s29] =	ssyncadd.s32 $0xFFFFFFFF  }
0xb4: {  	_ =	strace $0x90000060  }
0xb5: {  	_ =	sfence  }
0xb6: {  	s30 =	sld [smem:$0x0];
	_ =	sdelay $0x2  }
0xb7: {  	s31 =	sshll.u32 s1, $0xD;
	s1 =	sshrl.u32 s1, $0x2  }
0xb8: {  	s3 =	sand.u32 $0x4000, s31;
	s1 =	sadd.s32 s1, s30  }
0xb9: {  	s0 =	sor.u32 s3, s0;
	s1 =	sshll.u32 s1, $0x11  }
0xba: {  	s0 =	sor.u32 s1, s0  }
0xbb: {  	s0 =	sadd.s32 $0x8F2B, s0  }
0xbc: {  	[sflag:s0] =	ssyncadd.remote.s32 $0x1  }
0xbd: {  	_ =	sfence.sel $0xFFFF  }
0xbe: {  	[dreg:$0x0] =	wrdreg $0xFFFFFFFF;
	(pc) =	sbr.abs _section_cstart, $3  }
0xbf: {  	[dreg:$0x1] =	wrdreg $0xFFFFFFFF  }
0xc0: {  	_ =	task.clear_ibuf [dreg:s6], $0x2FFFF;
	_ =	strace $0x9FFFFFFF  }
0xc1: {  	(tm) =	ssettm $0x7FFFFFFF  }
tec
execute0_lowered:
.L_overlay_start_1:
0x0: {  	(tag) =	ssettag $0x1  }
0x1: {  	s1 =	srdreg.scid  }
0x2: {  	s0 =	stileid.u32;
	s6 =	sand.u32 $0x1, s1  }
0x3: {  	s8 =	rddreg [dreg:$0x0];
	s30 =	sshll.u32 s0, $0x9;
	s2 =	sshll.u32 s6, $0x8  }
0x4: {  	s7 =	simm.s32 $0x1;
	s1 =	rddreg [dreg:$0x1];
	s9 =	sor.u32 s2, s30  }
0x5: {  	s5 =	sadd.s32 $0x4800, s8;
	s2 =	simm.s32 $0x0;
	s3 =	sshrl.u32 s9, $0x3  }
0x6: {  	s10 =	ssub.s32 $0x2, s6;
	[smem:$0x7FF] =	sst s2;
	s3 =	sadd.s32 s3, s8  }
0x7: {  	_ =	strace $0x8000005F;
	s4 =	sadd.s32 $0x49A000, s3;
	s3 =	simm.s32 $0x2  }
0x8: {  	[tilespmem:s2], [sflag:$0x2] =	stream.linear.gather [hbm4b:s4+s2], $0x100, $0x38;
	[tilespmem:$0x8100] =	vst v63  }
0x9: {  	s6 =	simm.s32 $0x100;
	s11 =	sshrl.u32 s10, $0x1;
	_ =	swait.ge [sflag:s3], $0x100  }
0xa: {  	s9 =	sshll.u32 s9, $0x4;
	s31 =	ssub.s32 s10, s11;
	[sflag:s3] =	ssyncset.done $0x0  }
0xb: {  	s8 =	sadd.s32 s9, s8;
	s9 =	smax.u32 s31, $0x1;
	[sflag:s3] =	ssyncadd.s32 $0xFFFFFF00  }
0xc: {  	[tilespmem:s6], [sflag:$0x1] =	stream.indirect.gather [hbm4b:s5+s6], $0x80, s2, s6, $0xb8;
	[tilespmem:$0x8100] =	vst v63  }
0xd: {  	p0 =	sne.s32 s9, $0x1;
	_ =	swait.ge [sflag:s7], $0x8000  }
.Ltmp0:
0xe: {  	[sflag:s7] =	ssyncset.done $0x0;
	(pc) =	sbr.rel @!p0 .LBB2_2-.Ltmp0, $4  }
0xf: {  	s8 =	sadd.s32 $0x18B200, s8;
	[sflag:s7] =	ssyncadd.s32 $0xFFFF8000  }
0x10: {  	[hbm4b:s8+s2] =	stream.linear.scatter [tilespmem:s6], [sflag:$0x2], $0x8000, $0x38;
	[tilespmem:$0x8100] =	vst v63  }
0x11: {  	_ =	swait.ge [sflag:s3], $0x8000  }
0x12: {  	s9 =	sadd.s32 $0xFFFFFFFF, s9;
	[sflag:s3] =	ssyncset.done $0x0  }
.LBB2_1:
0x13: {  	p0 =	sne.s32 s9, $0x1;
	s9 =	sadd.s32 $0xFFFFFFFF, s9;
	[sflag:s3] =	ssyncadd.s32 $0xFFFF8000  }
0x14: {  	[tilespmem:s2], [sflag:$0x2] =	stream.linear.gather [hbm4b:s4+s2], $0x100, $0x38;
	[tilespmem:$0x8100] =	vst v63  }
0x15: {  	_ =	swait.ge [sflag:s3], $0x100  }
0x16: {  	[sflag:s3] =	ssyncset.done $0x0  }
0x17: {  	[sflag:s3] =	ssyncadd.s32 $0xFFFFFF00  }
0x18: {  	[tilespmem:s6], [sflag:$0x1] =	stream.indirect.gather [hbm4b:s5+s6], $0x80, s2, s6, $0xb8;
	[tilespmem:$0x8100] =	vst v63  }
0x19: {  	_ =	swait.ge [sflag:s7], $0x8000  }
.Ltmp1:
0x1a: {  	[sflag:s7] =	ssyncset.done $0x0;
	(pc) =	sbr.rel @p0 .LBB2_1-.Ltmp1, $4  }
0x1b: {  	[sflag:s7] =	ssyncadd.s32 $0xFFFF8000  }
0x1c: {  	[hbm4b:s8+s2] =	stream.linear.scatter [tilespmem:s6], [sflag:$0x2], $0x8000, $0x38;
	[tilespmem:$0x8100] =	vst v63  }
0x1d: {  	_ =	swait.ge [sflag:s3], $0x8000  }
0x1e: {  	[sflag:s3] =	ssyncset.done $0x0  }
.LBB2_2:
0x1f: {  	[sflag:s3] =	ssyncadd.s32 $0xFFFF8000  }
0x20: {  	_ =	sfence.sel $0x180000  }
0x21: {  	[bflag:$0x0] =	sbarrier.arrive $0xFFFF  }
0x22: {  	p0 =	sne.s32 s0, $0x0;
	_ =	strace $0x9000005F  }
0x23: {  	s0 =	sadd.s32 @!p0 $0x100000, s1;
	[bflag:$0x2] =	sbarrier.arrive $0xFFFF  }
0x24: {  	[sflag:s0] =	ssyncadd.tile.s32 @!p0 $0x1;
	_ =	shalt  }
.Lfunc_end2:
_tile_overlayer_lowered:
.L_overlay_start_2:
0x25: {  	(tag) =	ssettag $0x2  }
0x26: {  	s0 =	rddreg [dreg:$0x0];
	s2 =	stileid.u32  }
0x27: {  	s1 =	rddreg [dreg:$0x1];
	p0 =	sne.s32 s2, $0x0  }
0x28: {  	s3 =	rddreg [dreg:$0x2];
	[bflag:$0x3] =	sbarrier.arrive $0xFFFF;
	s2 =	simm.s32 @!p0 $0x1C02  }
0x29: {  	[timem:s3], [sflag:s2] =	dma.local @!p0 [hbm:s0], s1  }
0x2a: {  	s0 =	simm.s32 @!p0 $0x2  }
0x2b: {  	_ =	swait.ge @!p0 [sflag:s0], s1  }
0x2c: {  	s1 =	ssub.s32 @!p0 $0x0, s1;
	[sflag:s0] =	ssyncset.done @!p0 $0x0  }
0x2d: {  	[sflag:s0] =	ssyncadd.s32 @!p0 s1  }
0x2e: {  	[bflag:$0x3] =	sbarrier.arrive $0xFFFF  }
0x2f: {  	_ =	shalt  }

// kernel: sparse-core-data-format-call.1.cloned.1.call-start
scs
called_computation.1_lowered:
.L_overlay_start_0:
0x0: {  	s1 =	sld [smem:$0x3FD9]  }
0x1: {  	s2 =	sld [smem:$0x3FFE];
	_ =	sdelay $0x1  }
0x2: {  	s3 =	srdreg.scid  }
0x3: {  	s0 =	sand.u32 $0x1, s3  }
0x4: {  	s17 =	sshll.u32 s0, $0xA;
	s1 =	sadd.s32 s2, s1  }
0x5: {  	s1 =	sadd.s32 s1, s17  }
0x6: {  	[smem:$0x3FC2] =	sst s1  }
0x7: {  	_ = 	snop  }
0x8: {  	(tm) =	ssettm $0x1  }
0x9: {  	s18 =	sld [smem:$0x3FFB];
	_ =	sdelay $0x3  }
0xa: {  	_ =	strace s18  }
0xb: {  	s1 =	sld [smem:$0x3FFC];
	_ =	sdelay $0x3  }
0xc: {  	_ =	strace s1  }
0xd: {  	s1 =	sld [smem:$0x3FFD];
	_ =	sdelay $0x3  }
0xe: {  	_ =	strace s1  }
0xf: {  	_ =	strace $0x8FFFFFFF  }
0x10: {  	s19 =	sld [smem:$0x3FDB];
	_ =	sdelay $0x1  }
0x11: {  	s20 =	simm.s32 $_scs_section_size  }
0x12: {  	s4 =	simm.s32 $_size__tile_overlayer_lowered;
	s5 =	simm.s32 $_tile_overlayer_lowered  }
0x13: {  	s23 =	simm.s32 $0x1BFF;
	s22 =	sshll.u32 s5, $0x1;
	s1 =	sadd.s32 s20, s19  }
0x14: {  	s6 =	simm.s32 $0x0;
	s21 =	sshll.u32 s4, $0x1;
	s4 =	sadd.s32 s22, s1  }
0x15: {  	[timem:s6], [sflag:s23] =	dma.local [hbm:s4], s21  }
0x16: {  	_ =	swait.ge [sflag:s23], s21  }
0x17: {  	s2 =	ssub.s32 $0x0, s21;
	[sflag:s23] =	ssyncset.done $0x0  }
0x18: {  	[sflag:s23] =	ssyncadd.s32 s2;
	_ =	sdelay $0x1  }
0x19: {  	s24 =	simm.s32 $0x1B8B  }
0x1a: {  	_ =	swait.ge [sflag:s24], $0x1  }
0x1b: {  	[sflag:s24] =	ssyncset.done $0x0  }
0x1c: {  	s26 =	simm.s32 $0x1B8E;
	s25 =	sld [smem:$0x3FFE];
	[sflag:s24] =	ssyncadd.s32 $0xFFFFFFFF  }
0x1d: {  	s27 =	simm.s32 $execute0_lowered;
	[smem:$0x3FD2] =	sst s26  }
0x1e: {  	s4 =	sshll.u32 s27, $0x1;
	_ =	strace $0x80000055;
	[dreg:$0x1] =	wrdreg $0xFFFFFFFF  }
0x1f: {  	s28 =	simm.s32 $_size_execute0_lowered;
	s1 =	sadd.s32 s1, s4;
	[dreg:$0x0] =	wrdreg $0x0  }
0x20: {  	s4 =	sshll.u32 s28, $0x1;
	[dreg:$0x2] =	wrdreg s1  }
0x21: {  	[dreg:$0x3] =	wrdreg s4  }
0x22: {  	[dreg:$0x4] =	wrdreg $0xC0  }
0x23: {  	_ =	task [dreg:s6], $0x5FFFF  }
0x24: {  	[dreg:$0x1] =	wrdreg $0xFFFFFFFF  }
0x25: {  	[dreg:$0x0] =	wrdreg $0x60  }
0x26: {  	[dreg:$0x2] =	wrdreg s25  }
0x27: {  	[dreg:$0x3] =	wrdreg $0x9  }
0x28: {  	_ =	task.clear_ibuf [dreg:s6], $0x4FFFF;
	_ =	strace $0x90000055  }
0x29: {  	s29 =	simm.s32 $0x9;
	_ =	strace $0x80000057  }
0x2a: {  	_ =	swait.ge [sflag:s29], $0x1  }
0x2b: {  	[sflag:s29] =	ssyncadd.s32 $0xFFFFFFFF  }
0x2c: {  	_ =	strace $0x90000057  }
0x2d: {  	_ =	sfence  }
0x2e: {  	s30 =	sld [smem:$0x0];
	_ =	sdelay $0x2  }
0x2f: {  	s31 =	sshll.u32 s3, $0xD;
	s3 =	sshrl.u32 s3, $0x2  }
0x30: {  	s2 =	sand.u32 $0x4000, s31;
	s1 =	sadd.s32 s3, s30  }
0x31: {  	s0 =	sor.u32 s2, s0;
	s1 =	sshll.u32 s1, $0x11  }
0x32: {  	s0 =	sor.u32 s1, s0  }
0x33: {  	s0 =	sadd.s32 $0x8F2B, s0  }
0x34: {  	[sflag:s0] =	ssyncadd.remote.s32 $0x1  }
0x35: {  	_ =	sfence.sel $0xFFFF  }
0x36: {  	[dreg:$0x0] =	wrdreg $0xFFFFFFFF;
	(pc) =	sbr.abs _section_cstart, $3  }
0x37: {  	[dreg:$0x1] =	wrdreg $0xFFFFFFFF  }
0x38: {  	_ =	task.clear_ibuf [dreg:s6], $0x2FFFF;
	_ =	strace $0x9FFFFFFF  }
0x39: {  	(tm) =	ssettm $0x7FFFFFFF  }
tec
execute0_lowered:
.L_overlay_start_1:
0x0: {  	(tag) =	ssettag $0x1  }
0x1: {  	s4 =	rddreg [dreg:$0x0]  }
0x2: {  	s1 =	stileid.u32;
	s0 =	rddreg [dreg:$0x1];
	_ =	strace $0x80000056  }
0x3: {  	s8 =	srdreg.scid;
	s9 =	simm.s32 $0x2;
	s16 =	simm.s32 $0x0  }
0x4: {  	p0 =	por $0x0, $0x0;
	s10 =	simm.s32 $0x18800;
	s17 =	simm.s32 $0x0  }
0x5: {  	s15 =	simm.s32 $0x0;
	s14 =	simm.s32 $0x0;
	s2 =	sand.u32 $0x1, s1  }
0x6: {  	s3 =	sadd.s32 $0xE55E00, s4;
	s8 =	sshll.u32 s8, $0x7;
	s5 =	ssub.s32 $0x2, s2  }
.Ltmp0:
0x7: {  	s6 =	sshrl.u32 s5, $0x1;
	s5 =	sand.u32 $0x1, s5;
	(pc) =	sbr.rel .LBB1_1-.Ltmp0, $4  }
0x8: {  	s4 =	sadd.s32 $0x21E200, s4;
	s8 =	sand.u32 $0x80, s8;
	s7 =	sadd.s32 s5, s6  }
0x9: {  	s13 =	smov.u32 s2;
	s6 =	simm.s32 $0x1;
	s7 =	smul.u32 $0x31, s7  }
0xa: {  	s11 =	smov.u32 s8;
	s5 =	sshrl.u32 s1, $0x1;
	[sflag:s6] =	ssyncpa.u1 $0x0  }
0xb: {  	s12 =	smov.u32 s5;
	[sflag:s9] =	ssyncpa.u1 $0x0;
	s9 =	sadd.s32 $0x1, s7  }
.LBB1_4:
0xc: {  	s20 =	sshrl.u32 s17, $0x3  }
0xd: {  	s21 =	sshll.u32 s16, $0x3;
	s20 =	smul.u32 $0x18800, s20  }
0xe: {  	s27 =	sshll.u32 s17, $0x7;
	s21 =	sand.u32 $0xFFFFFC00, s21  }
0xf: {  	s17 =	sand.u32 $0x380, s27;
	s20 =	sadd.s32 s20, s21  }
0x10: {  	s28 =	sand.u32 $0x7F, s16;
	s17 =	sor.u32 s17, s20  }
0x11: {  	s16 =	sor.u32 s28, s17  }
0x12: {  	s29 =	smulhi.u32 $0x5397829D, s16  }
0x13: {  	s17 =	smulhi.u32 $0x5397829D, s17  }
0x14: {  	s20 =	sshrl.u32 s29, $0xC  }
0x15: {  	s17 =	sshrl.u32 s17, $0xC;
	s20 =	smul.u32 $0x3100, s20  }
0x16: {  	s15 =	smul.u32 $0xC4000, s15;
	s17 =	sand.u32 $0x7, s17  }
0x17: {  	s17 =	smul.u32 $0x620, s17;
	s16 =	ssub.s32 s16, s20  }
0x18: {  	[tilespmem:s19+$0x810 ss:$0x81] =	vst.msk $0xffff, v2;
	s15 =	sadd.s32 s4, s15;
	s20 =	sand.u32 $0x7, s16  }
0x19: {  	[tilespmem:s19+$0x1020 ss:$0x81] =	vst.msk $0xffff, v0;
	s15 =	sadd.s32 s17, s15;
	s16 =	sshrl.u32 s16, $0x3;
	s30 =	sshll.u32 s20, $0x12  }
0x1a: {  	[tilespmem:s19+$0x0 ss:$0x81] =	vst.msk $0xffff, v1;
	s15 =	sadd.s32 s16, s15;
	s31 =	sor.u32 $0x80, s30  }
0x1b: {  	[hbm4b:s15+s31] =	stream.strided.scatter [tilespmem:s18], [sflag:$0x2], $0x2000, s10, s31, $0x20;
	[tilespmem:$0x8080] =	vst v63  }
.LBB1_5:
0x1c: {  	s18 =	sadd.s32 $0x100, s11  }
0x1d: {  	s15 =	sadd.s32 $0x8, s12;
	s19 =	smov.u32 s12;
	p2 =	sgt.s32 s18, $0x30D3  }
0x1e: {  	s19 =	smov.u32 @p2 s15  }
0x1f: {  	s21 =	smov.u32 s13;
	s15 =	sadd.s32 $0x2, s13;
	p3 =	sgt.s32 s19, $0x7  }
0x20: {  	s21 =	smov.u32 @p3 s15  }
0x21: {  	s18 =	smov.u32 @p2 s8;
	p2 =	sgt.s32 s21, $0x1  }
0x22: {  	p1 =	slt.u32 s14, $0x2;
	s21 =	smov.u32 @p2 s2;
	p2 =	sne.s32 s14, s9  }
.Ltmp1:
0x23: {  	s20 =	simm.s32 @!p1 $0x2;
	(pc) =	sbr.rel @!p2 .LBB1_6-.Ltmp1, $4  }
0x24: {  	s16 =	smov.u32 s11;
	s17 =	smov.u32 s12;
	_ =	swait.ge @!p1 [sflag:s20], $0x2000  }
0x25: {  	p0 =	por !p0, !p0;
	[sflag:s20] =	ssyncset.done @!p1 $0x0;
	s11 =	smov.u32 s18  }
0x26: {  	s19 =	smov.u32 @p3 s5;
	s15 =	smov.u32 s13;
	[sflag:s20] =	ssyncadd.s32 @!p1 $0xFFFFE000  }
0x27: {  	s12 =	smov.u32 s19;
	s14 =	sadd.s32 $0x1, s14;
	s13 =	smov.u32 s21  }
.LBB1_1:
0x28: {  	p1 =	sge.u32 s14, s7  }
0x29: {  	s20 =	smov.u32 s13;
	s22 =	smov.u32 s12;
	s18 =	sand.u32 @!p1 $0x1FFFFFF, s11  }
0x2a: {  	p2 =	sgt.s32 @!p1 s13, $0x1;
	s21 =	sshra.s32 @!p1 s13, $0x1F;
	s23 =	sshra.s32 @!p1 s12, $0x1F  }
0x2b: {  	s19 =	smulhi.u32 @!p1 $0xA7B7EF, s18;
	p2 =	por !p2, p1;
	s21 =	sand.u32 @!p1 s21, s13  }
0x2c: {  	s23 =	sand.u32 @!p1 s23, s12;
	s20 =	simm.s32 @p2 $0x1;
	p2 =	sgt.s32 @!p1 s12, $0x7  }
0x2d: {  	s21 =	sxor.u32 @!p1 $0xFFFFFFFF, s21;
	s19 =	sshrl.u32 @!p1 s19, $0x5;
	p2 =	por !p2, p1  }
0x2e: {  	s20 =	sadd.s32 @!p1 s21, s20;
	s22 =	simm.s32 @p2 $0x7;
	p2 =	sgt.s32 @!p1 s11, $0x3058  }
0x2f: {  	s22 =	ssub.s32 @!p1 s22, s23;
	p2 =	por !p2, p1;
	s23 =	smov.u32 s11  }
0x30: {  	s19 =	smul.u32 @!p1 $0x30D8, s19;
	s21 =	sadd.s32 @!p1 $0xFFFFFFF9, s22;
	s23 =	simm.s32 @p2 $0x3058  }
0x31: {  	p2 =	sgt.s32 @!p1 s20, $0x0;
	s22 =	ssub.s32 @!p1 $0x8, s22;
	s20 =	sshll.u32 @!p1 s20, $0x6  }
0x32: {  	p3 =	sgt.s32 @!p1 s21, $0x0;
	s21 =	sshra.s32 @!p1 s11, $0x1F;
	s20 =	ssub.s32 @!p1 $0x40, s20  }
0x33: {  	p2 =	por !p2, p1;
	s21 =	sand.u32 @!p1 s21, s11;
	p3 =	por !p3, p1  }
0x34: {  	s20 =	simm.s32 @!p2 $0x0;
	s21 =	ssub.s32 @!p1 s23, s21;
	s22 =	simm.s32 @!p3 $0x0  }
0x35: {  	s31 =	sadd.s32 $0xFFFFFFFF, s14;
	s23 =	sadd.s32 @!p1 $0xFFFFCFA8, s21;
	s20 =	smul.u32 @!p1 s22, s20  }
0x36: {  	s18 =	ssub.s32 @!p1 s18, s19;
	s22 =	smul.u32 @!p1 $0x186C00, s13;
	p3 =	sgt.s32 @!p1 s23, $0x7F  }
0x37: {  	s21 =	ssub.s32 @!p1 $0x30D8, s21;
	s23 =	smul.u32 @!p1 $0x30D80, s12;
	p2 =	por !p3, p1  }
0x38: {  	s18 =	sshll.u32 @!p1 s18, $0x4;
	s19 =	sadd.s32 @!p1 s3, s22;
	s21 =	simm.s32 @!p2 $0x0  }
0x39: {  	s19 =	sadd.s32 @!p1 s23, s19;
	s20 =	smul.u32 @!p1 s21, s20;
	s21 =	sxor.u32 @!p1 $0xFFFFFFFF, s14  }
0x3a: {  	s22 =	simm.s32 @!p1 $0x80;
	s18 =	sadd.s32 @!p1 s18, s19;
	s21 =	sshll.u32 @!p1 s21, $0xD  }
0x3b: {  	s19 =	simm.s32 @!p1 $0x40;
	s21 =	sand.u32 @!p1 $0x2000, s21;
	s20 =	sand.u32 @!p1 $0x3FFFFFC0, s20  }
0x3c: {  	[tilespmem:s21], [sflag:$0x1] =	stream.strided.gather @!p1 [hbm4b:s18+s19], s20, s22, s19, $0x38;
	[tilespmem:$0x8080] =	vst v63  }
0x3d: {  	p1 =	sge.u32 s31, s7  }
.Ltmp2:
0x3e: {  	_ = 	snop;
	(pc) =	sbr.rel @p1 .LBB1_5-.Ltmp2, $1  }
0x3f: {  	_ =	sdelay $0x3  }
0x40: {  	p1 =	sgt.s32 s15, $0x1  }
0x41: {  	s18 =	smov.u32 s15;
	s19 =	sshra.s32 s15, $0x1F;
	s20 =	smov.u32 s17  }
0x42: {  	s21 =	sshra.s32 s17, $0x1F;
	p2 =	sgt.s32 s16, $0x3058;
	s22 =	sshra.s32 s16, $0x1F  }
0x43: {  	s18 =	simm.s32 @!p1 $0x1;
	s19 =	sand.u32 s19, s15;
	p1 =	sgt.s32 s17, $0x7  }
0x44: {  	s24 =	sand.u32 s21, s17;
	s19 =	sxor.u32 $0xFFFFFFFF, s19;
	s20 =	simm.s32 @!p1 $0x7  }
0x45: {  	s26 =	sand.u32 s22, s16;
	s18 =	sadd.s32 s19, s18;
	s19 =	ssub.s32 s20, s24  }
0x46: {  	s20 =	smov.u32 s16;
	p1 =	sgt.s32 s18, $0x0;
	s25 =	sadd.s32 $0xFFFFFFF9, s19  }
0x47: {  	s20 =	simm.s32 @!p2 $0x3058;
	s18 =	sshll.u32 s18, $0x6;
	s19 =	ssub.s32 $0x8, s19  }
0x48: {  	p2 =	sgt.s32 s25, $0x0;
	s20 =	ssub.s32 s20, s26;
	s18 =	ssub.s32 $0x40, s18  }
0x49: {  	s19 =	simm.s32 @p2 $0x0;
	s21 =	sadd.s32 $0xFFFFCFA8, s20;
	s18 =	simm.s32 @p1 $0x0  }
0x4a: {  	s20 =	ssub.s32 $0x30D8, s20;
	p1 =	sgt.s32 s21, $0x7F;
	s18 =	smul.u32 s19, s18  }
0x4b: {  	s20 =	simm.s32 @p1 $0x0  }
0x4c: {  	s18 =	smul.u32 s20, s18;
	_ =	sdelay $0x1  }
0x4d: {  	s19 =	simm.s32 $0x1;
	s18 =	sand.u32 $0x3FFFFFC0, s18  }
0x4e: {  	s19 =	simm.s32 @!p0 $0x0;
	_ =	swait.ge [sflag:s6], s18  }
0x4f: {  	s27 =	sshll.u32 s19, $0xD;
	s18 =	ssub.s32 $0x0, s18;
	[sflag:s6] =	ssyncset.done $0x0  }
0x50: {  	s28 =	sor.u32 $0x20, s27;
	[sflag:s6] =	ssyncadd.s32 s18  }
0x51: {  	s29 =	smul.u32 $0x8100, s19;
	v3 =	vld [tilespmem:s28+$0x10]  }
0x52: {  	s30 =	sand.u32 $0x1, s14;
	v2 =	vld [tilespmem:s28+$0xFFFFFFF0]  }
0x53: {  	s19 =	smul.u32 $0x8100, s30;
	s18 =	sshrl.u32 s29, $0x2;
	v0 =	vld [tilespmem:s28+$0x0]  }
0x54: {  	s20 =	sor.u32 $0x4000, s18;
	v1 =	vld [tilespmem:s28+$0xFFFFFFE0]  }
0x55: {  	s31 =	sshrl.u32 s19, $0x2;
	s19 =	sadd.s32 $0x0, s20  }
0x56: {  	s21 =	simm.s32 $0x4;
	s22 =	sadd.s32 $0x40, s28;
	s18 =	sor.u32 $0x4000, s31;
	[tilespmem:s19+$0x1830 ss:$0x81] =	vst.msk $0xffff, v3  }
.LBB1_3:
0x57: {  	v3 =	vld [tilespmem:s22+$0x10];
	p1 =	sne.s32 s21, $0x1FC;
	[tilespmem:s19+$0x810 ss:$0x81] =	vst.msk $0xffff, v2;
	s23 =	smov.u32 s21;
	s21 =	sadd.s32 $0x4, s21  }
.Ltmp3:
0x58: {  	v2 =	vld [tilespmem:s22+$0xFFFFFFF0];
	[tilespmem:s19+$0x1020 ss:$0x81] =	vst.msk $0xffff, v0;
	(pc) =	sbr.rel @p1 .LBB1_3-.Ltmp3, $4  }
0x59: {  	v0 =	vld [tilespmem:s22+$0x0];
	[tilespmem:s19+$0x0 ss:$0x81] =	vst.msk $0xffff, v1  }
0x5a: {  	s19 =	sshra.s32 s23, $0x2;
	v1 =	vld [tilespmem:s22+$0xFFFFFFE0]  }
0x5b: {  	s19 =	sadd.s32 s19, s20  }
0x5c: {  	s22 =	sadd.s32 $0x40, s22;
	[tilespmem:s19+$0x1830 ss:$0x81] =	vst.msk $0xffff, v3  }
.Ltmp4:
0x5d: {  	_ = 	snop;
	(pc) =	sbr.rel .LBB1_4-.Ltmp4, $1  }
0x5e: {  	_ =	sdelay $0x3  }
.LBB1_6:
0x5f: {  	_ =	sfence.sel $0x180000  }
0x60: {  	s2 =	simm.s32 $0x1;
	[bflag:$0x0] =	sbarrier.arrive $0xFFFF  }
0x61: {  	s31 =	simm.s32 $0x2;
	[sflag:s2] =	ssyncpa.u1 $0x1  }
0x62: {  	[sflag:s31] =	ssyncpa.u1 $0x1  }
0x63: {  	p0 =	sne.s32 s1, $0x0;
	_ =	strace $0x90000056  }
0x64: {  	s0 =	sadd.s32 @!p0 $0x100000, s0;
	[bflag:$0x2] =	sbarrier.arrive $0xFFFF  }
0x65: {  	[sflag:s0] =	ssyncadd.tile.s32 @!p0 $0x1;
	_ =	shalt  }
.Lfunc_end1:
_tile_overlayer_lowered:
.L_overlay_start_2:
0x66: {  	(tag) =	ssettag $0x2  }
0x67: {  	s0 =	rddreg [dreg:$0x0];
	s2 =	stileid.u32  }
0x68: {  	s1 =	rddreg [dreg:$0x1];
	p0 =	sne.s32 s2, $0x0  }
0x69: {  	s3 =	rddreg [dreg:$0x2];
	[bflag:$0x3] =	sbarrier.arrive $0xFFFF;
	s2 =	simm.s32 @!p0 $0x1C01  }
0x6a: {  	[timem:s3], [sflag:s2] =	dma.local @!p0 [hbm:s0], s1  }
0x6b: {  	s0 =	simm.s32 @!p0 $0x1  }
0x6c: {  	_ =	swait.ge @!p0 [sflag:s0], s1  }
0x6d: {  	s1 =	ssub.s32 @!p0 $0x0, s1;
	[sflag:s0] =	ssyncset.done @!p0 $0x0  }
0x6e: {  	[sflag:s0] =	ssyncadd.s32 @!p0 s1  }
0x6f: {  	[bflag:$0x3] =	sbarrier.arrive $0xFFFF  }
0x70: {  	_ =	shalt  }

// kernel: sparse-core-data-format-call.2.cloned.1.call-start
scs
called_computation.2_lowered:
.L_overlay_start_0:
0x0: {  	s1 =	sld [smem:$0x3FD9]  }
0x1: {  	s2 =	sld [smem:$0x3FFE];
	_ =	sdelay $0x1  }
0x2: {  	s3 =	srdreg.scid  }
0x3: {  	s0 =	sand.u32 $0x1, s3  }
0x4: {  	s17 =	sshll.u32 s0, $0xA;
	s1 =	sadd.s32 s2, s1  }
0x5: {  	s1 =	sadd.s32 s1, s17  }
0x6: {  	[smem:$0x3FC2] =	sst s1  }
0x7: {  	_ = 	snop  }
0x8: {  	(tm) =	ssettm $0x1  }
0x9: {  	s18 =	sld [smem:$0x3FFB];
	_ =	sdelay $0x3  }
0xa: {  	_ =	strace s18  }
0xb: {  	s1 =	sld [smem:$0x3FFC];
	_ =	sdelay $0x3  }
0xc: {  	_ =	strace s1  }
0xd: {  	s1 =	sld [smem:$0x3FFD];
	_ =	sdelay $0x3  }
0xe: {  	_ =	strace s1  }
0xf: {  	_ =	strace $0x8FFFFFFF  }
0x10: {  	s19 =	sld [smem:$0x3FDB];
	_ =	sdelay $0x1  }
0x11: {  	s20 =	simm.s32 $_scs_section_size  }
0x12: {  	s4 =	simm.s32 $_size__tile_overlayer_lowered;
	s5 =	simm.s32 $_tile_overlayer_lowered  }
0x13: {  	s23 =	simm.s32 $0x1BFF;
	s22 =	sshll.u32 s5, $0x1;
	s1 =	sadd.s32 s20, s19  }
0x14: {  	s6 =	simm.s32 $0x0;
	s21 =	sshll.u32 s4, $0x1;
	s4 =	sadd.s32 s22, s1  }
0x15: {  	[timem:s6], [sflag:s23] =	dma.local [hbm:s4], s21  }
0x16: {  	_ =	swait.ge [sflag:s23], s21  }
0x17: {  	s2 =	ssub.s32 $0x0, s21;
	[sflag:s23] =	ssyncset.done $0x0  }
0x18: {  	[sflag:s23] =	ssyncadd.s32 s2;
	_ =	sdelay $0x1  }
0x19: {  	s24 =	simm.s32 $0x1B8B  }
0x1a: {  	_ =	swait.ge [sflag:s24], $0x1  }
0x1b: {  	[sflag:s24] =	ssyncset.done $0x0  }
0x1c: {  	s26 =	simm.s32 $0x1B8E;
	s25 =	sld [smem:$0x3FFE];
	[sflag:s24] =	ssyncadd.s32 $0xFFFFFFFF  }
0x1d: {  	s27 =	simm.s32 $execute0_lowered;
	[smem:$0x3FD2] =	sst s26  }
0x1e: {  	s4 =	sshll.u32 s27, $0x1;
	_ =	strace $0x8000004F;
	[dreg:$0x1] =	wrdreg $0xFFFFFFFF  }
0x1f: {  	s28 =	simm.s32 $_size_execute0_lowered;
	s1 =	sadd.s32 s1, s4;
	[dreg:$0x0] =	wrdreg $0x0  }
0x20: {  	s4 =	sshll.u32 s28, $0x1;
	[dreg:$0x2] =	wrdreg s1  }
0x21: {  	[dreg:$0x3] =	wrdreg s4  }
0x22: {  	[dreg:$0x4] =	wrdreg $0xC0  }
0x23: {  	_ =	task [dreg:s6], $0x5FFFF  }
0x24: {  	[dreg:$0x1] =	wrdreg $0xFFFFFFFF  }
0x25: {  	[dreg:$0x0] =	wrdreg $0x60  }
0x26: {  	[dreg:$0x2] =	wrdreg s25  }
0x27: {  	[dreg:$0x3] =	wrdreg $0x9  }
0x28: {  	_ =	task.clear_ibuf [dreg:s6], $0x4FFFF;
	_ =	strace $0x9000004F  }
0x29: {  	s29 =	simm.s32 $0x9;
	_ =	strace $0x80000051  }
0x2a: {  	_ =	swait.ge [sflag:s29], $0x1  }
0x2b: {  	[sflag:s29] =	ssyncadd.s32 $0xFFFFFFFF  }
0x2c: {  	_ =	strace $0x90000051  }
0x2d: {  	_ =	sfence  }
0x2e: {  	s30 =	sld [smem:$0x0];
	_ =	sdelay $0x2  }
0x2f: {  	s31 =	sshll.u32 s3, $0xD;
	s3 =	sshrl.u32 s3, $0x2  }
0x30: {  	s2 =	sand.u32 $0x4000, s31;
	s1 =	sadd.s32 s3, s30  }
0x31: {  	s0 =	sor.u32 s2, s0;
	s1 =	sshll.u32 s1, $0x11  }
0x32: {  	s0 =	sor.u32 s1, s0  }
0x33: {  	s0 =	sadd.s32 $0x8F2B, s0  }
0x34: {  	[sflag:s0] =	ssyncadd.remote.s32 $0x1  }
0x35: {  	_ =	sfence.sel $0xFFFF  }
0x36: {  	[dreg:$0x0] =	wrdreg $0xFFFFFFFF;
	(pc) =	sbr.abs _section_cstart, $3  }
0x37: {  	[dreg:$0x1] =	wrdreg $0xFFFFFFFF  }
0x38: {  	_ =	task.clear_ibuf [dreg:s6], $0x2FFFF;
	_ =	strace $0x9FFFFFFF  }
0x39: {  	(tm) =	ssettm $0x7FFFFFFF  }
tec
execute0_lowered:
.L_overlay_start_1:
0x0: {  	(tag) =	ssettag $0x1  }
0x1: {  	s4 =	rddreg [dreg:$0x0]  }
0x2: {  	s1 =	stileid.u32;
	s0 =	rddreg [dreg:$0x1];
	_ =	strace $0x80000050  }
0x3: {  	s8 =	srdreg.scid;
	s9 =	simm.s32 $0x2;
	s16 =	simm.s32 $0x0  }
0x4: {  	p0 =	por $0x0, $0x0;
	s10 =	simm.s32 $0x18800;
	s17 =	simm.s32 $0x0  }
0x5: {  	s15 =	simm.s32 $0x0;
	s14 =	simm.s32 $0x0;
	s2 =	sand.u32 $0x1, s1  }
0x6: {  	s3 =	sadd.s32 $0x9C2000, s4;
	s8 =	sshll.u32 s8, $0x7;
	s5 =	ssub.s32 $0x2, s2  }
.Ltmp0:
0x7: {  	s6 =	sshrl.u32 s5, $0x1;
	s5 =	sand.u32 $0x1, s5;
	(pc) =	sbr.rel .LBB1_1-.Ltmp0, $4  }
0x8: {  	s4 =	sadd.s32 $0xCCF800, s4;
	s8 =	sand.u32 $0x80, s8;
	s7 =	sadd.s32 s5, s6  }
0x9: {  	s13 =	smov.u32 s2;
	s6 =	simm.s32 $0x1;
	s7 =	smul.u32 $0x31, s7  }
0xa: {  	s11 =	smov.u32 s8;
	s5 =	sshrl.u32 s1, $0x1;
	[sflag:s6] =	ssyncpa.u1 $0x0  }
0xb: {  	s12 =	smov.u32 s5;
	[sflag:s9] =	ssyncpa.u1 $0x0;
	s9 =	sadd.s32 $0x1, s7  }
.LBB1_4:
0xc: {  	s20 =	sshrl.u32 s17, $0x3  }
0xd: {  	s21 =	sshll.u32 s16, $0x3;
	s20 =	smul.u32 $0x18800, s20  }
0xe: {  	s27 =	sshll.u32 s17, $0x7;
	s21 =	sand.u32 $0xFFFFFC00, s21  }
0xf: {  	s17 =	sand.u32 $0x380, s27;
	s20 =	sadd.s32 s20, s21  }
0x10: {  	s28 =	sand.u32 $0x7F, s16;
	s17 =	sor.u32 s17, s20  }
0x11: {  	s16 =	sor.u32 s28, s17  }
0x12: {  	s29 =	smulhi.u32 $0x5397829D, s16  }
0x13: {  	s17 =	smulhi.u32 $0x5397829D, s17  }
0x14: {  	s20 =	sshrl.u32 s29, $0xC  }
0x15: {  	s17 =	sshrl.u32 s17, $0xC;
	s20 =	smul.u32 $0x3100, s20  }
0x16: {  	s15 =	smul.u32 $0xC4000, s15;
	s17 =	sand.u32 $0x7, s17  }
0x17: {  	s17 =	smul.u32 $0x620, s17;
	s16 =	ssub.s32 s16, s20  }
0x18: {  	[tilespmem:s19+$0x810 ss:$0x81] =	vst.msk $0xffff, v2;
	s15 =	sadd.s32 s4, s15;
	s20 =	sand.u32 $0x7, s16  }
0x19: {  	[tilespmem:s19+$0x1020 ss:$0x81] =	vst.msk $0xffff, v0;
	s15 =	sadd.s32 s17, s15;
	s16 =	sshrl.u32 s16, $0x3;
	s30 =	sshll.u32 s20, $0x12  }
0x1a: {  	[tilespmem:s19+$0x0 ss:$0x81] =	vst.msk $0xffff, v1;
	s15 =	sadd.s32 s16, s15;
	s31 =	sor.u32 $0x80, s30  }
0x1b: {  	[hbm4b:s15+s31] =	stream.strided.scatter [tilespmem:s18], [sflag:$0x2], $0x2000, s10, s31, $0x20;
	[tilespmem:$0x8080] =	vst v63  }
.LBB1_5:
0x1c: {  	s18 =	sadd.s32 $0x100, s11  }
0x1d: {  	s15 =	sadd.s32 $0x8, s12;
	s19 =	smov.u32 s12;
	p2 =	sgt.s32 s18, $0x30D3  }
0x1e: {  	s19 =	smov.u32 @p2 s15  }
0x1f: {  	s21 =	smov.u32 s13;
	s15 =	sadd.s32 $0x2, s13;
	p3 =	sgt.s32 s19, $0x7  }
0x20: {  	s21 =	smov.u32 @p3 s15  }
0x21: {  	s18 =	smov.u32 @p2 s8;
	p2 =	sgt.s32 s21, $0x1  }
0x22: {  	p1 =	slt.u32 s14, $0x2;
	s21 =	smov.u32 @p2 s2;
	p2 =	sne.s32 s14, s9  }
.Ltmp1:
0x23: {  	s20 =	simm.s32 @!p1 $0x2;
	(pc) =	sbr.rel @!p2 .LBB1_6-.Ltmp1, $4  }
0x24: {  	s16 =	smov.u32 s11;
	s17 =	smov.u32 s12;
	_ =	swait.ge @!p1 [sflag:s20], $0x2000  }
0x25: {  	p0 =	por !p0, !p0;
	[sflag:s20] =	ssyncset.done @!p1 $0x0;
	s11 =	smov.u32 s18  }
0x26: {  	s19 =	smov.u32 @p3 s5;
	s15 =	smov.u32 s13;
	[sflag:s20] =	ssyncadd.s32 @!p1 $0xFFFFE000  }
0x27: {  	s12 =	smov.u32 s19;
	s14 =	sadd.s32 $0x1, s14;
	s13 =	smov.u32 s21  }
.LBB1_1:
0x28: {  	p1 =	sge.u32 s14, s7  }
0x29: {  	s20 =	smov.u32 s13;
	s22 =	smov.u32 s12;
	s18 =	sand.u32 @!p1 $0x1FFFFFF, s11  }
0x2a: {  	p2 =	sgt.s32 @!p1 s13, $0x1;
	s21 =	sshra.s32 @!p1 s13, $0x1F;
	s23 =	sshra.s32 @!p1 s12, $0x1F  }
0x2b: {  	s19 =	smulhi.u32 @!p1 $0xA7B7EF, s18;
	p2 =	por !p2, p1;
	s21 =	sand.u32 @!p1 s21, s13  }
0x2c: {  	s23 =	sand.u32 @!p1 s23, s12;
	s20 =	simm.s32 @p2 $0x1;
	p2 =	sgt.s32 @!p1 s12, $0x7  }
0x2d: {  	s21 =	sxor.u32 @!p1 $0xFFFFFFFF, s21;
	s19 =	sshrl.u32 @!p1 s19, $0x5;
	p2 =	por !p2, p1  }
0x2e: {  	s20 =	sadd.s32 @!p1 s21, s20;
	s22 =	simm.s32 @p2 $0x7;
	p2 =	sgt.s32 @!p1 s11, $0x3058  }
0x2f: {  	s22 =	ssub.s32 @!p1 s22, s23;
	p2 =	por !p2, p1;
	s23 =	smov.u32 s11  }
0x30: {  	s19 =	smul.u32 @!p1 $0x30D8, s19;
	s21 =	sadd.s32 @!p1 $0xFFFFFFF9, s22;
	s23 =	simm.s32 @p2 $0x3058  }
0x31: {  	p2 =	sgt.s32 @!p1 s20, $0x0;
	s22 =	ssub.s32 @!p1 $0x8, s22;
	s20 =	sshll.u32 @!p1 s20, $0x6  }
0x32: {  	p3 =	sgt.s32 @!p1 s21, $0x0;
	s21 =	sshra.s32 @!p1 s11, $0x1F;
	s20 =	ssub.s32 @!p1 $0x40, s20  }
0x33: {  	p2 =	por !p2, p1;
	s21 =	sand.u32 @!p1 s21, s11;
	p3 =	por !p3, p1  }
0x34: {  	s20 =	simm.s32 @!p2 $0x0;
	s21 =	ssub.s32 @!p1 s23, s21;
	s22 =	simm.s32 @!p3 $0x0  }
0x35: {  	s31 =	sadd.s32 $0xFFFFFFFF, s14;
	s23 =	sadd.s32 @!p1 $0xFFFFCFA8, s21;
	s20 =	smul.u32 @!p1 s22, s20  }
0x36: {  	s18 =	ssub.s32 @!p1 s18, s19;
	s22 =	smul.u32 @!p1 $0x186C00, s13;
	p3 =	sgt.s32 @!p1 s23, $0x7F  }
0x37: {  	s21 =	ssub.s32 @!p1 $0x30D8, s21;
	s23 =	smul.u32 @!p1 $0x30D80, s12;
	p2 =	por !p3, p1  }
0x38: {  	s18 =	sshll.u32 @!p1 s18, $0x4;
	s19 =	sadd.s32 @!p1 s3, s22;
	s21 =	simm.s32 @!p2 $0x0  }
0x39: {  	s19 =	sadd.s32 @!p1 s23, s19;
	s20 =	smul.u32 @!p1 s21, s20;
	s21 =	sxor.u32 @!p1 $0xFFFFFFFF, s14  }
0x3a: {  	s22 =	simm.s32 @!p1 $0x80;
	s18 =	sadd.s32 @!p1 s18, s19;
	s21 =	sshll.u32 @!p1 s21, $0xD  }
0x3b: {  	s19 =	simm.s32 @!p1 $0x40;
	s21 =	sand.u32 @!p1 $0x2000, s21;
	s20 =	sand.u32 @!p1 $0x3FFFFFC0, s20  }
0x3c: {  	[tilespmem:s21], [sflag:$0x1] =	stream.strided.gather @!p1 [hbm4b:s18+s19], s20, s22, s19, $0x38;
	[tilespmem:$0x8080] =	vst v63  }
0x3d: {  	p1 =	sge.u32 s31, s7  }
.Ltmp2:
0x3e: {  	_ = 	snop;
	(pc) =	sbr.rel @p1 .LBB1_5-.Ltmp2, $1  }
0x3f: {  	_ =	sdelay $0x3  }
0x40: {  	p1 =	sgt.s32 s15, $0x1  }
0x41: {  	s18 =	smov.u32 s15;
	s19 =	sshra.s32 s15, $0x1F;
	s20 =	smov.u32 s17  }
0x42: {  	s21 =	sshra.s32 s17, $0x1F;
	p2 =	sgt.s32 s16, $0x3058;
	s22 =	sshra.s32 s16, $0x1F  }
0x43: {  	s18 =	simm.s32 @!p1 $0x1;
	s19 =	sand.u32 s19, s15;
	p1 =	sgt.s32 s17, $0x7  }
0x44: {  	s24 =	sand.u32 s21, s17;
	s19 =	sxor.u32 $0xFFFFFFFF, s19;
	s20 =	simm.s32 @!p1 $0x7  }
0x45: {  	s26 =	sand.u32 s22, s16;
	s18 =	sadd.s32 s19, s18;
	s19 =	ssub.s32 s20, s24  }
0x46: {  	s20 =	smov.u32 s16;
	p1 =	sgt.s32 s18, $0x0;
	s25 =	sadd.s32 $0xFFFFFFF9, s19  }
0x47: {  	s20 =	simm.s32 @!p2 $0x3058;
	s18 =	sshll.u32 s18, $0x6;
	s19 =	ssub.s32 $0x8, s19  }
0x48: {  	p2 =	sgt.s32 s25, $0x0;
	s20 =	ssub.s32 s20, s26;
	s18 =	ssub.s32 $0x40, s18  }
0x49: {  	s19 =	simm.s32 @p2 $0x0;
	s21 =	sadd.s32 $0xFFFFCFA8, s20;
	s18 =	simm.s32 @p1 $0x0  }
0x4a: {  	s20 =	ssub.s32 $0x30D8, s20;
	p1 =	sgt.s32 s21, $0x7F;
	s18 =	smul.u32 s19, s18  }
0x4b: {  	s20 =	simm.s32 @p1 $0x0  }
0x4c: {  	s18 =	smul.u32 s20, s18;
	_ =	sdelay $0x1  }
0x4d: {  	s19 =	simm.s32 $0x1;
	s18 =	sand.u32 $0x3FFFFFC0, s18  }
0x4e: {  	s19 =	simm.s32 @!p0 $0x0;
	_ =	swait.ge [sflag:s6], s18  }
0x4f: {  	s27 =	sshll.u32 s19, $0xD;
	s18 =	ssub.s32 $0x0, s18;
	[sflag:s6] =	ssyncset.done $0x0  }
0x50: {  	s28 =	sor.u32 $0x20, s27;
	[sflag:s6] =	ssyncadd.s32 s18  }
0x51: {  	s29 =	smul.u32 $0x8100, s19;
	v3 =	vld [tilespmem:s28+$0x10]  }
0x52: {  	s30 =	sand.u32 $0x1, s14;
	v2 =	vld [tilespmem:s28+$0xFFFFFFF0]  }
0x53: {  	s19 =	smul.u32 $0x8100, s30;
	s18 =	sshrl.u32 s29, $0x2;
	v0 =	vld [tilespmem:s28+$0x0]  }
0x54: {  	s20 =	sor.u32 $0x4000, s18;
	v1 =	vld [tilespmem:s28+$0xFFFFFFE0]  }
0x55: {  	s31 =	sshrl.u32 s19, $0x2;
	s19 =	sadd.s32 $0x0, s20  }
0x56: {  	s21 =	simm.s32 $0x4;
	s22 =	sadd.s32 $0x40, s28;
	s18 =	sor.u32 $0x4000, s31;
	[tilespmem:s19+$0x1830 ss:$0x81] =	vst.msk $0xffff, v3  }
.LBB1_3:
0x57: {  	v3 =	vld [tilespmem:s22+$0x10];
	p1 =	sne.s32 s21, $0x1FC;
	[tilespmem:s19+$0x810 ss:$0x81] =	vst.msk $0xffff, v2;
	s23 =	smov.u32 s21;
	s21 =	sadd.s32 $0x4, s21  }
.Ltmp3:
0x58: {  	v2 =	vld [tilespmem:s22+$0xFFFFFFF0];
	[tilespmem:s19+$0x1020 ss:$0x81] =	vst.msk $0xffff, v0;
	(pc) =	sbr.rel @p1 .LBB1_3-.Ltmp3, $4  }
0x59: {  	v0 =	vld [tilespmem:s22+$0x0];
	[tilespmem:s19+$0x0 ss:$0x81] =	vst.msk $0xffff, v1  }
0x5a: {  	s19 =	sshra.s32 s23, $0x2;
	v1 =	vld [tilespmem:s22+$0xFFFFFFE0]  }
0x5b: {  	s19 =	sadd.s32 s19, s20  }
0x5c: {  	s22 =	sadd.s32 $0x40, s22;
	[tilespmem:s19+$0x1830 ss:$0x81] =	vst.msk $0xffff, v3  }
.Ltmp4:
0x5d: {  	_ = 	snop;
	(pc) =	sbr.rel .LBB1_4-.Ltmp4, $1  }
0x5e: {  	_ =	sdelay $0x3  }
.LBB1_6:
0x5f: {  	_ =	sfence.sel $0x180000  }
0x60: {  	s2 =	simm.s32 $0x1;
	[bflag:$0x0] =	sbarrier.arrive $0xFFFF  }
0x61: {  	s31 =	simm.s32 $0x2;
	[sflag:s2] =	ssyncpa.u1 $0x1  }
0x62: {  	[sflag:s31] =	ssyncpa.u1 $0x1  }
0x63: {  	p0 =	sne.s32 s1, $0x0;
	_ =	strace $0x90000050  }
0x64: {  	s0 =	sadd.s32 @!p0 $0x100000, s0;
	[bflag:$0x2] =	sbarrier.arrive $0xFFFF  }
0x65: {  	[sflag:s0] =	ssyncadd.tile.s32 @!p0 $0x1;
	_ =	shalt  }
.Lfunc_end1:
_tile_overlayer_lowered:
.L_overlay_start_2:
0x66: {  	(tag) =	ssettag $0x2  }
0x67: {  	s0 =	rddreg [dreg:$0x0];
	s2 =	stileid.u32  }
0x68: {  	s1 =	rddreg [dreg:$0x1];
	p0 =	sne.s32 s2, $0x0  }
0x69: {  	s3 =	rddreg [dreg:$0x2];
	[bflag:$0x3] =	sbarrier.arrive $0xFFFF;
	s2 =	simm.s32 @!p0 $0x1C01  }
0x6a: {  	[timem:s3], [sflag:s2] =	dma.local @!p0 [hbm:s0], s1  }
0x6b: {  	s0 =	simm.s32 @!p0 $0x1  }
0x6c: {  	_ =	swait.ge @!p0 [sflag:s0], s1  }
0x6d: {  	s1 =	ssub.s32 @!p0 $0x0, s1;
	[sflag:s0] =	ssyncset.done @!p0 $0x0  }
0x6e: {  	[sflag:s0] =	ssyncadd.s32 @!p0 s1  }
0x6f: {  	[bflag:$0x3] =	sbarrier.arrive $0xFFFF  }
0x70: {  	_ =	shalt  }

// kernel: sparse-core-data-format-call.3.cloned.1.call-start
scs
called_computation.3_lowered:
.L_overlay_start_0:
0x0: {  	s1 =	sld [smem:$0x3FD9]  }
0x1: {  	s2 =	sld [smem:$0x3FFE];
	_ =	sdelay $0x1  }
0x2: {  	s3 =	srdreg.scid  }
0x3: {  	s0 =	sand.u32 $0x1, s3  }
0x4: {  	s17 =	sshll.u32 s0, $0xA;
	s1 =	sadd.s32 s2, s1  }
0x5: {  	s1 =	sadd.s32 s1, s17  }
0x6: {  	[smem:$0x3FC2] =	sst s1  }
0x7: {  	_ = 	snop  }
0x8: {  	(tm) =	ssettm $0x1  }
0x9: {  	s18 =	sld [smem:$0x3FFB];
	_ =	sdelay $0x3  }
0xa: {  	_ =	strace s18  }
0xb: {  	s1 =	sld [smem:$0x3FFC];
	_ =	sdelay $0x3  }
0xc: {  	_ =	strace s1  }
0xd: {  	s1 =	sld [smem:$0x3FFD];
	_ =	sdelay $0x3  }
0xe: {  	_ =	strace s1  }
0xf: {  	_ =	strace $0x8FFFFFFF  }
0x10: {  	s19 =	sld [smem:$0x3FDB];
	_ =	sdelay $0x1  }
0x11: {  	s20 =	simm.s32 $_scs_section_size  }
0x12: {  	s4 =	simm.s32 $_size__tile_overlayer_lowered;
	s5 =	simm.s32 $_tile_overlayer_lowered  }
0x13: {  	s23 =	simm.s32 $0x1BFF;
	s22 =	sshll.u32 s5, $0x1;
	s1 =	sadd.s32 s20, s19  }
0x14: {  	s6 =	simm.s32 $0x0;
	s21 =	sshll.u32 s4, $0x1;
	s4 =	sadd.s32 s22, s1  }
0x15: {  	[timem:s6], [sflag:s23] =	dma.local [hbm:s4], s21  }
0x16: {  	_ =	swait.ge [sflag:s23], s21  }
0x17: {  	s2 =	ssub.s32 $0x0, s21;
	[sflag:s23] =	ssyncset.done $0x0  }
0x18: {  	[sflag:s23] =	ssyncadd.s32 s2;
	_ =	sdelay $0x1  }
0x19: {  	s24 =	simm.s32 $0x1B8B  }
0x1a: {  	_ =	swait.ge [sflag:s24], $0x1  }
0x1b: {  	[sflag:s24] =	ssyncset.done $0x0  }
0x1c: {  	s26 =	simm.s32 $0x1B8E;
	s25 =	sld [smem:$0x3FFE];
	[sflag:s24] =	ssyncadd.s32 $0xFFFFFFFF  }
0x1d: {  	s27 =	simm.s32 $execute0_lowered;
	[smem:$0x3FD2] =	sst s26  }
0x1e: {  	s4 =	sshll.u32 s27, $0x1;
	_ =	strace $0x80000049;
	[dreg:$0x1] =	wrdreg $0xFFFFFFFF  }
0x1f: {  	s28 =	simm.s32 $_size_execute0_lowered;
	s1 =	sadd.s32 s1, s4;
	[dreg:$0x0] =	wrdreg $0x0  }
0x20: {  	s4 =	sshll.u32 s28, $0x1;
	[dreg:$0x2] =	wrdreg s1  }
0x21: {  	[dreg:$0x3] =	wrdreg s4  }
0x22: {  	[dreg:$0x4] =	wrdreg $0xC0  }
0x23: {  	_ =	task [dreg:s6], $0x5FFFF  }
0x24: {  	[dreg:$0x1] =	wrdreg $0xFFFFFFFF  }
0x25: {  	[dreg:$0x0] =	wrdreg $0x60  }
0x26: {  	[dreg:$0x2] =	wrdreg s25  }
0x27: {  	[dreg:$0x3] =	wrdreg $0x9  }
0x28: {  	_ =	task.clear_ibuf [dreg:s6], $0x4FFFF;
	_ =	strace $0x90000049  }
0x29: {  	s29 =	simm.s32 $0x9;
	_ =	strace $0x8000004B  }
0x2a: {  	_ =	swait.ge [sflag:s29], $0x1  }
0x2b: {  	[sflag:s29] =	ssyncadd.s32 $0xFFFFFFFF  }
0x2c: {  	_ =	strace $0x9000004B  }
0x2d: {  	_ =	sfence  }
0x2e: {  	s30 =	sld [smem:$0x0];
	_ =	sdelay $0x2  }
0x2f: {  	s31 =	sshll.u32 s3, $0xD;
	s3 =	sshrl.u32 s3, $0x2  }
0x30: {  	s2 =	sand.u32 $0x4000, s31;
	s1 =	sadd.s32 s3, s30  }
0x31: {  	s0 =	sor.u32 s2, s0;
	s1 =	sshll.u32 s1, $0x11  }
0x32: {  	s0 =	sor.u32 s1, s0  }
0x33: {  	s0 =	sadd.s32 $0x8F2B, s0  }
0x34: {  	[sflag:s0] =	ssyncadd.remote.s32 $0x1  }
0x35: {  	_ =	sfence.sel $0xFFFF  }
0x36: {  	[dreg:$0x0] =	wrdreg $0xFFFFFFFF;
	(pc) =	sbr.abs _section_cstart, $3  }
0x37: {  	[dreg:$0x1] =	wrdreg $0xFFFFFFFF  }
0x38: {  	_ =	task.clear_ibuf [dreg:s6], $0x2FFFF;
	_ =	strace $0x9FFFFFFF  }
0x39: {  	(tm) =	ssettm $0x7FFFFFFF  }
tec
execute0_lowered:
.L_overlay_start_1:
0x0: {  	(tag) =	ssettag $0x1  }
0x1: {  	s4 =	rddreg [dreg:$0x0]  }
0x2: {  	s1 =	stileid.u32;
	s0 =	rddreg [dreg:$0x1];
	_ =	strace $0x8000004A  }
0x3: {  	s8 =	srdreg.scid;
	s9 =	simm.s32 $0x2;
	s16 =	simm.s32 $0x0  }
0x4: {  	p0 =	por $0x0, $0x0;
	s10 =	simm.s32 $0x18800;
	s17 =	simm.s32 $0x0  }
0x5: {  	s15 =	simm.s32 $0x0;
	s14 =	simm.s32 $0x0;
	s2 =	sand.u32 $0x1, s1  }
0x6: {  	s3 =	sadd.s32 $0x52E200, s4;
	s8 =	sshll.u32 s8, $0x7;
	s5 =	ssub.s32 $0x2, s2  }
.Ltmp0:
0x7: {  	s6 =	sshrl.u32 s5, $0x1;
	s5 =	sand.u32 $0x1, s5;
	(pc) =	sbr.rel .LBB1_1-.Ltmp0, $4  }
0x8: {  	s4 =	sadd.s32 $0x83BA00, s4;
	s8 =	sand.u32 $0x80, s8;
	s7 =	sadd.s32 s5, s6  }
0x9: {  	s13 =	smov.u32 s2;
	s6 =	simm.s32 $0x1;
	s7 =	smul.u32 $0x31, s7  }
0xa: {  	s11 =	smov.u32 s8;
	s5 =	sshrl.u32 s1, $0x1;
	[sflag:s6] =	ssyncpa.u1 $0x0  }
0xb: {  	s12 =	smov.u32 s5;
	[sflag:s9] =	ssyncpa.u1 $0x0;
	s9 =	sadd.s32 $0x1, s7  }
.LBB1_4:
0xc: {  	s20 =	sshrl.u32 s17, $0x3  }
0xd: {  	s21 =	sshll.u32 s16, $0x3;
	s20 =	smul.u32 $0x18800, s20  }
0xe: {  	s27 =	sshll.u32 s17, $0x7;
	s21 =	sand.u32 $0xFFFFFC00, s21  }
0xf: {  	s17 =	sand.u32 $0x380, s27;
	s20 =	sadd.s32 s20, s21  }
0x10: {  	s28 =	sand.u32 $0x7F, s16;
	s17 =	sor.u32 s17, s20  }
0x11: {  	s16 =	sor.u32 s28, s17  }
0x12: {  	s29 =	smulhi.u32 $0x5397829D, s16  }
0x13: {  	s17 =	smulhi.u32 $0x5397829D, s17  }
0x14: {  	s20 =	sshrl.u32 s29, $0xC  }
0x15: {  	s17 =	sshrl.u32 s17, $0xC;
	s20 =	smul.u32 $0x3100, s20  }
0x16: {  	s15 =	smul.u32 $0xC4000, s15;
	s17 =	sand.u32 $0x7, s17  }
0x17: {  	s17 =	smul.u32 $0x620, s17;
	s16 =	ssub.s32 s16, s20  }
0x18: {  	[tilespmem:s19+$0x810 ss:$0x81] =	vst.msk $0xffff, v2;
	s15 =	sadd.s32 s4, s15;
	s20 =	sand.u32 $0x7, s16  }
0x19: {  	[tilespmem:s19+$0x1020 ss:$0x81] =	vst.msk $0xffff, v0;
	s15 =	sadd.s32 s17, s15;
	s16 =	sshrl.u32 s16, $0x3;
	s30 =	sshll.u32 s20, $0x12  }
0x1a: {  	[tilespmem:s19+$0x0 ss:$0x81] =	vst.msk $0xffff, v1;
	s15 =	sadd.s32 s16, s15;
	s31 =	sor.u32 $0x80, s30  }
0x1b: {  	[hbm4b:s15+s31] =	stream.strided.scatter [tilespmem:s18], [sflag:$0x2], $0x2000, s10, s31, $0x20;
	[tilespmem:$0x8080] =	vst v63  }
.LBB1_5:
0x1c: {  	s18 =	sadd.s32 $0x100, s11  }
0x1d: {  	s15 =	sadd.s32 $0x8, s12;
	s19 =	smov.u32 s12;
	p2 =	sgt.s32 s18, $0x30D3  }
0x1e: {  	s19 =	smov.u32 @p2 s15  }
0x1f: {  	s21 =	smov.u32 s13;
	s15 =	sadd.s32 $0x2, s13;
	p3 =	sgt.s32 s19, $0x7  }
0x20: {  	s21 =	smov.u32 @p3 s15  }
0x21: {  	s18 =	smov.u32 @p2 s8;
	p2 =	sgt.s32 s21, $0x1  }
0x22: {  	p1 =	slt.u32 s14, $0x2;
	s21 =	smov.u32 @p2 s2;
	p2 =	sne.s32 s14, s9  }
.Ltmp1:
0x23: {  	s20 =	simm.s32 @!p1 $0x2;
	(pc) =	sbr.rel @!p2 .LBB1_6-.Ltmp1, $4  }
0x24: {  	s16 =	smov.u32 s11;
	s17 =	smov.u32 s12;
	_ =	swait.ge @!p1 [sflag:s20], $0x2000  }
0x25: {  	p0 =	por !p0, !p0;
	[sflag:s20] =	ssyncset.done @!p1 $0x0;
	s11 =	smov.u32 s18  }
0x26: {  	s19 =	smov.u32 @p3 s5;
	s15 =	smov.u32 s13;
	[sflag:s20] =	ssyncadd.s32 @!p1 $0xFFFFE000  }
0x27: {  	s12 =	smov.u32 s19;
	s14 =	sadd.s32 $0x1, s14;
	s13 =	smov.u32 s21  }
.LBB1_1:
0x28: {  	p1 =	sge.u32 s14, s7  }
0x29: {  	s20 =	smov.u32 s13;
	s22 =	smov.u32 s12;
	s18 =	sand.u32 @!p1 $0x1FFFFFF, s11  }
0x2a: {  	p2 =	sgt.s32 @!p1 s13, $0x1;
	s21 =	sshra.s32 @!p1 s13, $0x1F;
	s23 =	sshra.s32 @!p1 s12, $0x1F  }
0x2b: {  	s19 =	smulhi.u32 @!p1 $0xA7B7EF, s18;
	p2 =	por !p2, p1;
	s21 =	sand.u32 @!p1 s21, s13  }
0x2c: {  	s23 =	sand.u32 @!p1 s23, s12;
	s20 =	simm.s32 @p2 $0x1;
	p2 =	sgt.s32 @!p1 s12, $0x7  }
0x2d: {  	s21 =	sxor.u32 @!p1 $0xFFFFFFFF, s21;
	s19 =	sshrl.u32 @!p1 s19, $0x5;
	p2 =	por !p2, p1  }
0x2e: {  	s20 =	sadd.s32 @!p1 s21, s20;
	s22 =	simm.s32 @p2 $0x7;
	p2 =	sgt.s32 @!p1 s11, $0x3058  }
0x2f: {  	s22 =	ssub.s32 @!p1 s22, s23;
	p2 =	por !p2, p1;
	s23 =	smov.u32 s11  }
0x30: {  	s19 =	smul.u32 @!p1 $0x30D8, s19;
	s21 =	sadd.s32 @!p1 $0xFFFFFFF9, s22;
	s23 =	simm.s32 @p2 $0x3058  }
0x31: {  	p2 =	sgt.s32 @!p1 s20, $0x0;
	s22 =	ssub.s32 @!p1 $0x8, s22;
	s20 =	sshll.u32 @!p1 s20, $0x6  }
0x32: {  	p3 =	sgt.s32 @!p1 s21, $0x0;
	s21 =	sshra.s32 @!p1 s11, $0x1F;
	s20 =	ssub.s32 @!p1 $0x40, s20  }
0x33: {  	p2 =	por !p2, p1;
	s21 =	sand.u32 @!p1 s21, s11;
	p3 =	por !p3, p1  }
0x34: {  	s20 =	simm.s32 @!p2 $0x0;
	s21 =	ssub.s32 @!p1 s23, s21;
	s22 =	simm.s32 @!p3 $0x0  }
0x35: {  	s31 =	sadd.s32 $0xFFFFFFFF, s14;
	s23 =	sadd.s32 @!p1 $0xFFFFCFA8, s21;
	s20 =	smul.u32 @!p1 s22, s20  }
0x36: {  	s18 =	ssub.s32 @!p1 s18, s19;
	s22 =	smul.u32 @!p1 $0x186C00, s13;
	p3 =	sgt.s32 @!p1 s23, $0x7F  }
0x37: {  	s21 =	ssub.s32 @!p1 $0x30D8, s21;
	s23 =	smul.u32 @!p1 $0x30D80, s12;
	p2 =	por !p3, p1  }
0x38: {  	s18 =	sshll.u32 @!p1 s18, $0x4;
	s19 =	sadd.s32 @!p1 s3, s22;
	s21 =	simm.s32 @!p2 $0x0  }
0x39: {  	s19 =	sadd.s32 @!p1 s23, s19;
	s20 =	smul.u32 @!p1 s21, s20;
	s21 =	sxor.u32 @!p1 $0xFFFFFFFF, s14  }
0x3a: {  	s22 =	simm.s32 @!p1 $0x80;
	s18 =	sadd.s32 @!p1 s18, s19;
	s21 =	sshll.u32 @!p1 s21, $0xD  }
0x3b: {  	s19 =	simm.s32 @!p1 $0x40;
	s21 =	sand.u32 @!p1 $0x2000, s21;
	s20 =	sand.u32 @!p1 $0x3FFFFFC0, s20  }
0x3c: {  	[tilespmem:s21], [sflag:$0x1] =	stream.strided.gather @!p1 [hbm4b:s18+s19], s20, s22, s19, $0x38;
	[tilespmem:$0x8080] =	vst v63  }
0x3d: {  	p1 =	sge.u32 s31, s7  }
.Ltmp2:
0x3e: {  	_ = 	snop;
	(pc) =	sbr.rel @p1 .LBB1_5-.Ltmp2, $1  }
0x3f: {  	_ =	sdelay $0x3  }
0x40: {  	p1 =	sgt.s32 s15, $0x1  }
0x41: {  	s18 =	smov.u32 s15;
	s19 =	sshra.s32 s15, $0x1F;
	s20 =	smov.u32 s17  }
0x42: {  	s21 =	sshra.s32 s17, $0x1F;
	p2 =	sgt.s32 s16, $0x3058;
	s22 =	sshra.s32 s16, $0x1F  }
0x43: {  	s18 =	simm.s32 @!p1 $0x1;
	s19 =	sand.u32 s19, s15;
	p1 =	sgt.s32 s17, $0x7  }
0x44: {  	s24 =	sand.u32 s21, s17;
	s19 =	sxor.u32 $0xFFFFFFFF, s19;
	s20 =	simm.s32 @!p1 $0x7  }
0x45: {  	s26 =	sand.u32 s22, s16;
	s18 =	sadd.s32 s19, s18;
	s19 =	ssub.s32 s20, s24  }
0x46: {  	s20 =	smov.u32 s16;
	p1 =	sgt.s32 s18, $0x0;
	s25 =	sadd.s32 $0xFFFFFFF9, s19  }
0x47: {  	s20 =	simm.s32 @!p2 $0x3058;
	s18 =	sshll.u32 s18, $0x6;
	s19 =	ssub.s32 $0x8, s19  }
0x48: {  	p2 =	sgt.s32 s25, $0x0;
	s20 =	ssub.s32 s20, s26;
	s18 =	ssub.s32 $0x40, s18  }
0x49: {  	s19 =	simm.s32 @p2 $0x0;
	s21 =	sadd.s32 $0xFFFFCFA8, s20;
	s18 =	simm.s32 @p1 $0x0  }
0x4a: {  	s20 =	ssub.s32 $0x30D8, s20;
	p1 =	sgt.s32 s21, $0x7F;
	s18 =	smul.u32 s19, s18  }
0x4b: {  	s20 =	simm.s32 @p1 $0x0  }
0x4c: {  	s18 =	smul.u32 s20, s18;
	_ =	sdelay $0x1  }
0x4d: {  	s19 =	simm.s32 $0x1;
	s18 =	sand.u32 $0x3FFFFFC0, s18  }
0x4e: {  	s19 =	simm.s32 @!p0 $0x0;
	_ =	swait.ge [sflag:s6], s18  }
0x4f: {  	s27 =	sshll.u32 s19, $0xD;
	s18 =	ssub.s32 $0x0, s18;
	[sflag:s6] =	ssyncset.done $0x0  }
0x50: {  	s28 =	sor.u32 $0x20, s27;
	[sflag:s6] =	ssyncadd.s32 s18  }
0x51: {  	s29 =	smul.u32 $0x8100, s19;
	v3 =	vld [tilespmem:s28+$0x10]  }
0x52: {  	s30 =	sand.u32 $0x1, s14;
	v2 =	vld [tilespmem:s28+$0xFFFFFFF0]  }
0x53: {  	s19 =	smul.u32 $0x8100, s30;
	s18 =	sshrl.u32 s29, $0x2;
	v0 =	vld [tilespmem:s28+$0x0]  }
0x54: {  	s20 =	sor.u32 $0x4000, s18;
	v1 =	vld [tilespmem:s28+$0xFFFFFFE0]  }
0x55: {  	s31 =	sshrl.u32 s19, $0x2;
	s19 =	sadd.s32 $0x0, s20  }
0x56: {  	s21 =	simm.s32 $0x4;
	s22 =	sadd.s32 $0x40, s28;
	s18 =	sor.u32 $0x4000, s31;
	[tilespmem:s19+$0x1830 ss:$0x81] =	vst.msk $0xffff, v3  }
.LBB1_3:
0x57: {  	v3 =	vld [tilespmem:s22+$0x10];
	p1 =	sne.s32 s21, $0x1FC;
	[tilespmem:s19+$0x810 ss:$0x81] =	vst.msk $0xffff, v2;
	s23 =	smov.u32 s21;
	s21 =	sadd.s32 $0x4, s21  }
.Ltmp3:
0x58: {  	v2 =	vld [tilespmem:s22+$0xFFFFFFF0];
	[tilespmem:s19+$0x1020 ss:$0x81] =	vst.msk $0xffff, v0;
	(pc) =	sbr.rel @p1 .LBB1_3-.Ltmp3, $4  }
0x59: {  	v0 =	vld [tilespmem:s22+$0x0];
	[tilespmem:s19+$0x0 ss:$0x81] =	vst.msk $0xffff, v1  }
0x5a: {  	s19 =	sshra.s32 s23, $0x2;
	v1 =	vld [tilespmem:s22+$0xFFFFFFE0]  }
0x5b: {  	s19 =	sadd.s32 s19, s20  }
0x5c: {  	s22 =	sadd.s32 $0x40, s22;
	[tilespmem:s19+$0x1830 ss:$0x81] =	vst.msk $0xffff, v3  }
.Ltmp4:
0x5d: {  	_ = 	snop;
	(pc) =	sbr.rel .LBB1_4-.Ltmp4, $1  }
0x5e: {  	_ =	sdelay $0x3  }
.LBB1_6:
0x5f: {  	_ =	sfence.sel $0x180000  }
0x60: {  	s2 =	simm.s32 $0x1;
	[bflag:$0x0] =	sbarrier.arrive $0xFFFF  }
0x61: {  	s31 =	simm.s32 $0x2;
	[sflag:s2] =	ssyncpa.u1 $0x1  }
0x62: {  	[sflag:s31] =	ssyncpa.u1 $0x1  }
0x63: {  	p0 =	sne.s32 s1, $0x0;
	_ =	strace $0x9000004A  }
0x64: {  	s0 =	sadd.s32 @!p0 $0x100000, s0;
	[bflag:$0x2] =	sbarrier.arrive $0xFFFF  }
0x65: {  	[sflag:s0] =	ssyncadd.tile.s32 @!p0 $0x1;
	_ =	shalt  }
.Lfunc_end1:
_tile_overlayer_lowered:
.L_overlay_start_2:
0x66: {  	(tag) =	ssettag $0x2  }
0x67: {  	s0 =	rddreg [dreg:$0x0];
	s2 =	stileid.u32  }
0x68: {  	s1 =	rddreg [dreg:$0x1];
	p0 =	sne.s32 s2, $0x0  }
0x69: {  	s3 =	rddreg [dreg:$0x2];
	[bflag:$0x3] =	sbarrier.arrive $0xFFFF;
	s2 =	simm.s32 @!p0 $0x1C01  }
0x6a: {  	[timem:s3], [sflag:s2] =	dma.local @!p0 [hbm:s0], s1  }
0x6b: {  	s0 =	simm.s32 @!p0 $0x1  }
0x6c: {  	_ =	swait.ge @!p0 [sflag:s0], s1  }
0x6d: {  	s1 =	ssub.s32 @!p0 $0x0, s1;
	[sflag:s0] =	ssyncset.done @!p0 $0x0  }
0x6e: {  	[sflag:s0] =	ssyncadd.s32 @!p0 s1  }
0x6f: {  	[bflag:$0x3] =	sbarrier.arrive $0xFFFF  }
0x70: {  	_ =	shalt  }

// kernel: sparse-core-data-format-call.cloned.1.call-start
scs
called_computation_lowered:
.L_overlay_start_0:
0x0: {  	s1 =	sld [smem:$0x3FD9]  }
0x1: {  	s2 =	sld [smem:$0x3FFE];
	_ =	sdelay $0x1  }
0x2: {  	s3 =	srdreg.scid  }
0x3: {  	s0 =	sand.u32 $0x1, s3  }
0x4: {  	s17 =	sshll.u32 s0, $0xA;
	s1 =	sadd.s32 s2, s1  }
0x5: {  	s1 =	sadd.s32 s1, s17  }
0x6: {  	[smem:$0x3FC2] =	sst s1  }
0x7: {  	_ = 	snop  }
0x8: {  	(tm) =	ssettm $0x1  }
0x9: {  	s18 =	sld [smem:$0x3FFB];
	_ =	sdelay $0x3  }
0xa: {  	_ =	strace s18  }
0xb: {  	s1 =	sld [smem:$0x3FFC];
	_ =	sdelay $0x3  }
0xc: {  	_ =	strace s1  }
0xd: {  	s1 =	sld [smem:$0x3FFD];
	_ =	sdelay $0x3  }
0xe: {  	_ =	strace s1  }
0xf: {  	_ =	strace $0x8FFFFFFF  }
0x10: {  	s19 =	sld [smem:$0x3FDB];
	_ =	sdelay $0x1  }
0x11: {  	s20 =	simm.s32 $_scs_section_size  }
0x12: {  	s4 =	simm.s32 $_size__tile_overlayer_lowered;
	s5 =	simm.s32 $_tile_overlayer_lowered  }
0x13: {  	s23 =	simm.s32 $0x1BFF;
	s22 =	sshll.u32 s5, $0x1;
	s1 =	sadd.s32 s20, s19  }
0x14: {  	s6 =	simm.s32 $0x0;
	s21 =	sshll.u32 s4, $0x1;
	s4 =	sadd.s32 s22, s1  }
0x15: {  	[timem:s6], [sflag:s23] =	dma.local [hbm:s4], s21  }
0x16: {  	_ =	swait.ge [sflag:s23], s21  }
0x17: {  	s2 =	ssub.s32 $0x0, s21;
	[sflag:s23] =	ssyncset.done $0x0  }
0x18: {  	[sflag:s23] =	ssyncadd.s32 s2;
	_ =	sdelay $0x1  }
0x19: {  	s24 =	simm.s32 $0x1B8B  }
0x1a: {  	_ =	swait.ge [sflag:s24], $0x1  }
0x1b: {  	[sflag:s24] =	ssyncset.done $0x0  }
0x1c: {  	s26 =	simm.s32 $0x1B8E;
	s25 =	sld [smem:$0x3FFE];
	[sflag:s24] =	ssyncadd.s32 $0xFFFFFFFF  }
0x1d: {  	s27 =	simm.s32 $execute0_lowered;
	[smem:$0x3FD2] =	sst s26  }
0x1e: {  	s4 =	sshll.u32 s27, $0x1;
	_ =	strace $0x8000005B;
	[dreg:$0x1] =	wrdreg $0xFFFFFFFF  }
0x1f: {  	s28 =	simm.s32 $_size_execute0_lowered;
	s1 =	sadd.s32 s1, s4;
	[dreg:$0x0] =	wrdreg $0x0  }
0x20: {  	s4 =	sshll.u32 s28, $0x1;
	[dreg:$0x2] =	wrdreg s1  }
0x21: {  	[dreg:$0x3] =	wrdreg s4  }
0x22: {  	[dreg:$0x4] =	wrdreg $0xC0  }
0x23: {  	_ =	task [dreg:s6], $0x5FFFF  }
0x24: {  	[dreg:$0x1] =	wrdreg $0xFFFFFFFF  }
0x25: {  	[dreg:$0x0] =	wrdreg $0x60  }
0x26: {  	[dreg:$0x2] =	wrdreg s25  }
0x27: {  	[dreg:$0x3] =	wrdreg $0x9  }
0x28: {  	_ =	task.clear_ibuf [dreg:s6], $0x4FFFF;
	_ =	strace $0x9000005B  }
0x29: {  	s29 =	simm.s32 $0x9;
	_ =	strace $0x8000005D  }
0x2a: {  	_ =	swait.ge [sflag:s29], $0x1  }
0x2b: {  	[sflag:s29] =	ssyncadd.s32 $0xFFFFFFFF  }
0x2c: {  	_ =	strace $0x9000005D  }
0x2d: {  	_ =	sfence  }
0x2e: {  	s30 =	sld [smem:$0x0];
	_ =	sdelay $0x2  }
0x2f: {  	s31 =	sshll.u32 s3, $0xD;
	s3 =	sshrl.u32 s3, $0x2  }
0x30: {  	s2 =	sand.u32 $0x4000, s31;
	s1 =	sadd.s32 s3, s30  }
0x31: {  	s0 =	sor.u32 s2, s0;
	s1 =	sshll.u32 s1, $0x11  }
0x32: {  	s0 =	sor.u32 s1, s0  }
0x33: {  	s0 =	sadd.s32 $0x8F2B, s0  }
0x34: {  	[sflag:s0] =	ssyncadd.remote.s32 $0x1  }
0x35: {  	_ =	sfence.sel $0xFFFF  }
0x36: {  	[dreg:$0x0] =	wrdreg $0xFFFFFFFF;
	(pc) =	sbr.abs _section_cstart, $3  }
0x37: {  	[dreg:$0x1] =	wrdreg $0xFFFFFFFF  }
0x38: {  	_ =	task.clear_ibuf [dreg:s6], $0x2FFFF;
	_ =	strace $0x9FFFFFFF  }
0x39: {  	(tm) =	ssettm $0x7FFFFFFF  }
tec
execute0_lowered:
.L_overlay_start_1:
0x0: {  	(tag) =	ssettag $0x1  }
0x1: {  	s4 =	rddreg [dreg:$0x0]  }
0x2: {  	s1 =	stileid.u32;
	s0 =	rddreg [dreg:$0x1];
	_ =	strace $0x8000005C  }
0x3: {  	s8 =	srdreg.scid;
	s9 =	simm.s32 $0x2;
	s16 =	simm.s32 $0x0  }
0x4: {  	p0 =	por $0x0, $0x0;
	s10 =	simm.s32 $0x18800;
	s17 =	simm.s32 $0x0  }
0x5: {  	s15 =	simm.s32 $0x0;
	s14 =	simm.s32 $0x0;
	s2 =	sand.u32 $0x1, s1  }
0x6: {  	s3 =	sadd.s32 $0x4800, s4;
	s8 =	sshll.u32 s8, $0x7;
	s5 =	ssub.s32 $0x2, s2  }
.Ltmp0:
0x7: {  	s6 =	sshrl.u32 s5, $0x1;
	s5 =	sand.u32 $0x1, s5;
	(pc) =	sbr.rel .LBB1_1-.Ltmp0, $4  }
0x8: {  	s4 =	sadd.s32 $0x312000, s4;
	s8 =	sand.u32 $0x80, s8;
	s7 =	sadd.s32 s5, s6  }
0x9: {  	s13 =	smov.u32 s2;
	s6 =	simm.s32 $0x1;
	s7 =	smul.u32 $0x31, s7  }
0xa: {  	s11 =	smov.u32 s8;
	s5 =	sshrl.u32 s1, $0x1;
	[sflag:s6] =	ssyncpa.u1 $0x0  }
0xb: {  	s12 =	smov.u32 s5;
	[sflag:s9] =	ssyncpa.u1 $0x0;
	s9 =	sadd.s32 $0x1, s7  }
.LBB1_4:
0xc: {  	s20 =	sshrl.u32 s17, $0x3  }
0xd: {  	s21 =	sshll.u32 s16, $0x3;
	s20 =	smul.u32 $0x18800, s20  }
0xe: {  	s27 =	sshll.u32 s17, $0x7;
	s21 =	sand.u32 $0xFFFFFC00, s21  }
0xf: {  	s17 =	sand.u32 $0x380, s27;
	s20 =	sadd.s32 s20, s21  }
0x10: {  	s28 =	sand.u32 $0x7F, s16;
	s17 =	sor.u32 s17, s20  }
0x11: {  	s16 =	sor.u32 s28, s17  }
0x12: {  	s29 =	smulhi.u32 $0x5397829D, s16  }
0x13: {  	s17 =	smulhi.u32 $0x5397829D, s17  }
0x14: {  	s20 =	sshrl.u32 s29, $0xC  }
0x15: {  	s17 =	sshrl.u32 s17, $0xC;
	s20 =	smul.u32 $0x3100, s20  }
0x16: {  	s15 =	smul.u32 $0xC4000, s15;
	s17 =	sand.u32 $0x7, s17  }
0x17: {  	s17 =	smul.u32 $0x620, s17;
	s16 =	ssub.s32 s16, s20  }
0x18: {  	[tilespmem:s19+$0x810 ss:$0x81] =	vst.msk $0xffff, v2;
	s15 =	sadd.s32 s4, s15;
	s20 =	sand.u32 $0x7, s16  }
0x19: {  	[tilespmem:s19+$0x1020 ss:$0x81] =	vst.msk $0xffff, v0;
	s15 =	sadd.s32 s17, s15;
	s16 =	sshrl.u32 s16, $0x3;
	s30 =	sshll.u32 s20, $0x12  }
0x1a: {  	[tilespmem:s19+$0x0 ss:$0x81] =	vst.msk $0xffff, v1;
	s15 =	sadd.s32 s16, s15;
	s31 =	sor.u32 $0x80, s30  }
0x1b: {  	[hbm4b:s15+s31] =	stream.strided.scatter [tilespmem:s18], [sflag:$0x2], $0x2000, s10, s31, $0x20;
	[tilespmem:$0x8080] =	vst v63  }
.LBB1_5:
0x1c: {  	s18 =	sadd.s32 $0x100, s11  }
0x1d: {  	s15 =	sadd.s32 $0x8, s12;
	s19 =	smov.u32 s12;
	p2 =	sgt.s32 s18, $0x30D3  }
0x1e: {  	s19 =	smov.u32 @p2 s15  }
0x1f: {  	s21 =	smov.u32 s13;
	s15 =	sadd.s32 $0x2, s13;
	p3 =	sgt.s32 s19, $0x7  }
0x20: {  	s21 =	smov.u32 @p3 s15  }
0x21: {  	s18 =	smov.u32 @p2 s8;
	p2 =	sgt.s32 s21, $0x1  }
0x22: {  	p1 =	slt.u32 s14, $0x2;
	s21 =	smov.u32 @p2 s2;
	p2 =	sne.s32 s14, s9  }
.Ltmp1:
0x23: {  	s20 =	simm.s32 @!p1 $0x2;
	(pc) =	sbr.rel @!p2 .LBB1_6-.Ltmp1, $4  }
0x24: {  	s16 =	smov.u32 s11;
	s17 =	smov.u32 s12;
	_ =	swait.ge @!p1 [sflag:s20], $0x2000  }
0x25: {  	p0 =	por !p0, !p0;
	[sflag:s20] =	ssyncset.done @!p1 $0x0;
	s11 =	smov.u32 s18  }
0x26: {  	s19 =	smov.u32 @p3 s5;
	s15 =	smov.u32 s13;
	[sflag:s20] =	ssyncadd.s32 @!p1 $0xFFFFE000  }
0x27: {  	s12 =	smov.u32 s19;
	s14 =	sadd.s32 $0x1, s14;
	s13 =	smov.u32 s21  }
.LBB1_1:
0x28: {  	p1 =	sge.u32 s14, s7  }
0x29: {  	s20 =	smov.u32 s13;
	s22 =	smov.u32 s12;
	s18 =	sand.u32 @!p1 $0x1FFFFFF, s11  }
0x2a: {  	p2 =	sgt.s32 @!p1 s13, $0x1;
	s21 =	sshra.s32 @!p1 s13, $0x1F;
	s23 =	sshra.s32 @!p1 s12, $0x1F  }
0x2b: {  	s19 =	smulhi.u32 @!p1 $0xA7B7EF, s18;
	p2 =	por !p2, p1;
	s21 =	sand.u32 @!p1 s21, s13  }
0x2c: {  	s23 =	sand.u32 @!p1 s23, s12;
	s20 =	simm.s32 @p2 $0x1;
	p2 =	sgt.s32 @!p1 s12, $0x7  }
0x2d: {  	s21 =	sxor.u32 @!p1 $0xFFFFFFFF, s21;
	s19 =	sshrl.u32 @!p1 s19, $0x5;
	p2 =	por !p2, p1  }
0x2e: {  	s20 =	sadd.s32 @!p1 s21, s20;
	s22 =	simm.s32 @p2 $0x7;
	p2 =	sgt.s32 @!p1 s11, $0x3058  }
0x2f: {  	s22 =	ssub.s32 @!p1 s22, s23;
	p2 =	por !p2, p1;
	s23 =	smov.u32 s11  }
0x30: {  	s19 =	smul.u32 @!p1 $0x30D8, s19;
	s21 =	sadd.s32 @!p1 $0xFFFFFFF9, s22;
	s23 =	simm.s32 @p2 $0x3058  }
0x31: {  	p2 =	sgt.s32 @!p1 s20, $0x0;
	s22 =	ssub.s32 @!p1 $0x8, s22;
	s20 =	sshll.u32 @!p1 s20, $0x6  }
0x32: {  	p3 =	sgt.s32 @!p1 s21, $0x0;
	s21 =	sshra.s32 @!p1 s11, $0x1F;
	s20 =	ssub.s32 @!p1 $0x40, s20  }
0x33: {  	p2 =	por !p2, p1;
	s21 =	sand.u32 @!p1 s21, s11;
	p3 =	por !p3, p1  }
0x34: {  	s20 =	simm.s32 @!p2 $0x0;
	s21 =	ssub.s32 @!p1 s23, s21;
	s22 =	simm.s32 @!p3 $0x0  }
0x35: {  	s31 =	sadd.s32 $0xFFFFFFFF, s14;
	s23 =	sadd.s32 @!p1 $0xFFFFCFA8, s21;
	s20 =	smul.u32 @!p1 s22, s20  }
0x36: {  	s18 =	ssub.s32 @!p1 s18, s19;
	s22 =	smul.u32 @!p1 $0x186C00, s13;
	p3 =	sgt.s32 @!p1 s23, $0x7F  }
0x37: {  	s21 =	ssub.s32 @!p1 $0x30D8, s21;
	s23 =	smul.u32 @!p1 $0x30D80, s12;
	p2 =	por !p3, p1  }
0x38: {  	s18 =	sshll.u32 @!p1 s18, $0x4;
	s19 =	sadd.s32 @!p1 s3, s22;
	s21 =	simm.s32 @!p2 $0x0  }
0x39: {  	s19 =	sadd.s32 @!p1 s23, s19;
	s20 =	smul.u32 @!p1 s21, s20;
	s21 =	sxor.u32 @!p1 $0xFFFFFFFF, s14  }
0x3a: {  	s22 =	simm.s32 @!p1 $0x80;
	s18 =	sadd.s32 @!p1 s18, s19;
	s21 =	sshll.u32 @!p1 s21, $0xD  }
0x3b: {  	s19 =	simm.s32 @!p1 $0x40;
	s21 =	sand.u32 @!p1 $0x2000, s21;
	s20 =	sand.u32 @!p1 $0x3FFFFFC0, s20  }
0x3c: {  	[tilespmem:s21], [sflag:$0x1] =	stream.strided.gather @!p1 [hbm4b:s18+s19], s20, s22, s19, $0x38;
	[tilespmem:$0x8080] =	vst v63  }
0x3d: {  	p1 =	sge.u32 s31, s7  }
.Ltmp2:
0x3e: {  	_ = 	snop;
	(pc) =	sbr.rel @p1 .LBB1_5-.Ltmp2, $1  }
0x3f: {  	_ =	sdelay $0x3  }
0x40: {  	p1 =	sgt.s32 s15, $0x1  }
0x41: {  	s18 =	smov.u32 s15;
	s19 =	sshra.s32 s15, $0x1F;
	s20 =	smov.u32 s17  }
0x42: {  	s21 =	sshra.s32 s17, $0x1F;
	p2 =	sgt.s32 s16, $0x3058;
	s22 =	sshra.s32 s16, $0x1F  }
0x43: {  	s18 =	simm.s32 @!p1 $0x1;
	s19 =	sand.u32 s19, s15;
	p1 =	sgt.s32 s17, $0x7  }
0x44: {  	s24 =	sand.u32 s21, s17;
	s19 =	sxor.u32 $0xFFFFFFFF, s19;
	s20 =	simm.s32 @!p1 $0x7  }
0x45: {  	s26 =	sand.u32 s22, s16;
	s18 =	sadd.s32 s19, s18;
	s19 =	ssub.s32 s20, s24  }
0x46: {  	s20 =	smov.u32 s16;
	p1 =	sgt.s32 s18, $0x0;
	s25 =	sadd.s32 $0xFFFFFFF9, s19  }
0x47: {  	s20 =	simm.s32 @!p2 $0x3058;
	s18 =	sshll.u32 s18, $0x6;
	s19 =	ssub.s32 $0x8, s19  }
0x48: {  	p2 =	sgt.s32 s25, $0x0;
	s20 =	ssub.s32 s20, s26;
	s18 =	ssub.s32 $0x40, s18  }
0x49: {  	s19 =	simm.s32 @p2 $0x0;
	s21 =	sadd.s32 $0xFFFFCFA8, s20;
	s18 =	simm.s32 @p1 $0x0  }
0x4a: {  	s20 =	ssub.s32 $0x30D8, s20;
	p1 =	sgt.s32 s21, $0x7F;
	s18 =	smul.u32 s19, s18  }
0x4b: {  	s20 =	simm.s32 @p1 $0x0  }
0x4c: {  	s18 =	smul.u32 s20, s18;
	_ =	sdelay $0x1  }
0x4d: {  	s19 =	simm.s32 $0x1;
	s18 =	sand.u32 $0x3FFFFFC0, s18  }
0x4e: {  	s19 =	simm.s32 @!p0 $0x0;
	_ =	swait.ge [sflag:s6], s18  }
0x4f: {  	s27 =	sshll.u32 s19, $0xD;
	s18 =	ssub.s32 $0x0, s18;
	[sflag:s6] =	ssyncset.done $0x0  }
0x50: {  	s28 =	sor.u32 $0x20, s27;
	[sflag:s6] =	ssyncadd.s32 s18  }
0x51: {  	s29 =	smul.u32 $0x8100, s19;
	v3 =	vld [tilespmem:s28+$0x10]  }
0x52: {  	s30 =	sand.u32 $0x1, s14;
	v2 =	vld [tilespmem:s28+$0xFFFFFFF0]  }
0x53: {  	s19 =	smul.u32 $0x8100, s30;
	s18 =	sshrl.u32 s29, $0x2;
	v0 =	vld [tilespmem:s28+$0x0]  }
0x54: {  	s20 =	sor.u32 $0x4000, s18;
	v1 =	vld [tilespmem:s28+$0xFFFFFFE0]  }
0x55: {  	s31 =	sshrl.u32 s19, $0x2;
	s19 =	sadd.s32 $0x0, s20  }
0x56: {  	s21 =	simm.s32 $0x4;
	s22 =	sadd.s32 $0x40, s28;
	s18 =	sor.u32 $0x4000, s31;
	[tilespmem:s19+$0x1830 ss:$0x81] =	vst.msk $0xffff, v3  }
.LBB1_3:
0x57: {  	v3 =	vld [tilespmem:s22+$0x10];
	p1 =	sne.s32 s21, $0x1FC;
	[tilespmem:s19+$0x810 ss:$0x81] =	vst.msk $0xffff, v2;
	s23 =	smov.u32 s21;
	s21 =	sadd.s32 $0x4, s21  }
.Ltmp3:
0x58: {  	v2 =	vld [tilespmem:s22+$0xFFFFFFF0];
	[tilespmem:s19+$0x1020 ss:$0x81] =	vst.msk $0xffff, v0;
	(pc) =	sbr.rel @p1 .LBB1_3-.Ltmp3, $4  }
0x59: {  	v0 =	vld [tilespmem:s22+$0x0];
	[tilespmem:s19+$0x0 ss:$0x81] =	vst.msk $0xffff, v1  }
0x5a: {  	s19 =	sshra.s32 s23, $0x2;
	v1 =	vld [tilespmem:s22+$0xFFFFFFE0]  }
0x5b: {  	s19 =	sadd.s32 s19, s20  }
0x5c: {  	s22 =	sadd.s32 $0x40, s22;
	[tilespmem:s19+$0x1830 ss:$0x81] =	vst.msk $0xffff, v3  }
.Ltmp4:
0x5d: {  	_ = 	snop;
	(pc) =	sbr.rel .LBB1_4-.Ltmp4, $1  }
0x5e: {  	_ =	sdelay $0x3  }
.LBB1_6:
0x5f: {  	_ =	sfence.sel $0x180000  }
0x60: {  	s2 =	simm.s32 $0x1;
	[bflag:$0x0] =	sbarrier.arrive $0xFFFF  }
0x61: {  	s31 =	simm.s32 $0x2;
	[sflag:s2] =	ssyncpa.u1 $0x1  }
0x62: {  	[sflag:s31] =	ssyncpa.u1 $0x1  }
0x63: {  	p0 =	sne.s32 s1, $0x0;
	_ =	strace $0x9000005C  }
0x64: {  	s0 =	sadd.s32 @!p0 $0x100000, s0;
	[bflag:$0x2] =	sbarrier.arrive $0xFFFF  }
0x65: {  	[sflag:s0] =	ssyncadd.tile.s32 @!p0 $0x1;
	_ =	shalt  }
.Lfunc_end1:
_tile_overlayer_lowered:
.L_overlay_start_2:
0x66: {  	(tag) =	ssettag $0x2  }
0x67: {  	s0 =	rddreg [dreg:$0x0];
	s2 =	stileid.u32  }
0x68: {  	s1 =	rddreg [dreg:$0x1];
	p0 =	sne.s32 s2, $0x0  }
0x69: {  	s3 =	rddreg [dreg:$0x2];
	[bflag:$0x3] =	sbarrier.arrive $0xFFFF;
	s2 =	simm.s32 @!p0 $0x1C01  }
0x6a: {  	[timem:s3], [sflag:s2] =	dma.local @!p0 [hbm:s0], s1  }
0x6b: {  	s0 =	simm.s32 @!p0 $0x1  }
0x6c: {  	_ =	swait.ge @!p0 [sflag:s0], s1  }
0x6d: {  	s1 =	ssub.s32 @!p0 $0x0, s1;
	[sflag:s0] =	ssyncset.done @!p0 $0x0  }
0x6e: {  	[sflag:s0] =	ssyncadd.s32 @!p0 s1  }
0x6f: {  	[bflag:$0x3] =	sbarrier.arrive $0xFFFF  }
0x70: {  	_ =	shalt  }

</sc_bundles>
